<compile_context>
chip_gen: v7x
topology: tpu7x:2x2x1
jax: 0.10.2.dev20260603
libtpu: 0.0.44.dev20260713+nightly
codegen_flags: <defaults>
</compile_context>

<pallas_src>
import functools

import jax
import jax.numpy as jnp
from jax import lax
from jax.experimental import pallas as pl
from jax.experimental.pallas import tpu as pltpu
from jax.experimental.pallas import tpu_sc as plsc

D = 64
LANES = 16
NBUF = 4


@functools.lru_cache(maxsize=None)
def _make_sc_kernel(B, T, V):
    info = plsc.get_sparse_core_info()
    nc, ns = info.num_cores, info.num_subcores
    nw = nc * ns
    assert B == nw * 128 and T % NBUF == 0 and T >= 2 * NBUF and D == 64

    mesh = plsc.VectorSubcoreMesh(core_axis_name="c", subcore_axis_name="s")

    scratch = (
        [pltpu.VMEM((128,), jnp.int32) for _ in range(NBUF)]
        + [pltpu.VMEM((128, D + 8), jnp.float32) for _ in range(NBUF)]
        + [pltpu.VMEM((D // 8, 8, 128), jnp.float32) for _ in range(NBUF)]
        + [pltpu.SemaphoreType.DMA for _ in range(4 * NBUF)]
    )

    @functools.partial(
        pl.kernel,
        mesh=mesh,
        out_type=jax.ShapeDtypeStruct((T, D // 8, nw, 8, 128), jnp.float32),
        scratch_types=scratch,
        compiler_params=pltpu.CompilerParams(
            use_tc_tiling_on_sc=False, needs_layout_passes=False
        ),
    )
    def k(x_hbm, ids_hbm, table_hbm, out_hbm, *bufs):
        idx_v = bufs[0:NBUF]
        rows_v = bufs[NBUF : 2 * NBUF]
        x_v = bufs[2 * NBUF : 3 * NBUF]
        sems = bufs[3 * NBUF :]
        sem_ids = sems[0:NBUF]
        sem_x = sems[NBUF : 2 * NBUF]
        sem_g = sems[2 * NBUF : 3 * NBUF]
        sem_out = sems[3 * NBUF :]

        wid = lax.axis_index("s") * nc + lax.axis_index("c")

        jota = lax.iota(jnp.int32, 16)
        row_idx = [jota + 16 * l for l in range(8)]

        def issue_in(t, slot):
            pltpu.async_copy(
                ids_hbm.at[t // 8, wid, t % 8], idx_v[slot], sem_ids[slot]
            )
            pltpu.async_copy(x_hbm.at[t, :, wid], x_v[slot], sem_x[slot])

        def issue_gather(slot):
            pltpu.make_async_copy(
                ids_hbm.at[0, 0, 0], idx_v[slot], sem_ids[slot]
            ).wait()
            pltpu.async_copy(table_hbm.at[idx_v[slot]], rows_v[slot], sem_g[slot])

        for b in range(NBUF - 1):
            issue_in(b, b)
        issue_gather(0)

        def outer(gg, carry):
            for sb in range(NBUF):
                t = gg * NBUF + sb
                slot = sb
                nslot = (sb + 1) % NBUF
                pslot = (sb - 1) % NBUF

                @pl.when(t + 1 < T)
                def _():
                    issue_gather(nslot)

                pltpu.make_async_copy(
                    x_hbm.at[0, :, 0], x_v[slot], sem_x[slot]
                ).wait()
                pltpu.make_async_copy(
                    table_hbm.at[idx_v[slot]], rows_v[slot], sem_g[slot]
                ).wait()

                @plsc.parallel_loop(0, D, step=1, unroll=2)
                def d_body(d):
                    dcol = jnp.full((16,), d, dtype=jnp.int32)
                    dhi = d // 8
                    dlo = d % 8
                    for l in range(8):
                        v = plsc.load_gather(rows_v[slot], [row_idx[l], dcol])
                        xs = x_v[slot][dhi, dlo, pl.ds(16 * l, LANES)]
                        x_v[slot][dhi, dlo, pl.ds(16 * l, LANES)] = xs + v

                pltpu.async_copy(x_v[slot], out_hbm.at[t, :, wid], sem_out[slot])

                @pl.when(t >= 1)
                def _():
                    pltpu.make_async_copy(
                        x_v[pslot], out_hbm.at[0, :, 0], sem_out[pslot]
                    ).wait()

                @pl.when(t + NBUF - 1 < T)
                def _():
                    issue_in(t + NBUF - 1, pslot)
            return carry

        lax.fori_loop(0, T // NBUF, outer, 0)

        pltpu.make_async_copy(
            x_v[NBUF - 1], out_hbm.at[0, :, 0], sem_out[NBUF - 1]
        ).wait()

    return k


def kernel(x, speaker_ids, table):
    B, T, d = x.shape
    nw = B // 128
    x5 = (
        x.transpose(1, 2, 0)
        .reshape(T, d // 8, 8, nw, 128)
        .transpose(0, 1, 3, 2, 4)
    )
    ids4 = (
        speaker_ids.transpose(1, 0)
        .reshape(T // 8, 8, nw, 128)
        .transpose(0, 2, 1, 3)
    )
    k = _make_sc_kernel(B, T, table.shape[0])
    tpad = jnp.pad(table, ((0, 0), (0, 8)))
    out5 = k(x5, ids4, tpad)
    return (
        out5.transpose(0, 1, 3, 2, 4)
        .reshape(T, d, B)
        .transpose(2, 0, 1)
    )

# --- scband reference (transcript-rebuilt; emitter-appended) ---
"""Pipeline reference for scband-speaker-embedding-27393301414022 (READ-ONLY COPY).

The authoritative reference and input builder live on the scoring server;
editing this copy changes nothing except your own understanding.
"""

import jax, jax.numpy as jnp
import numpy as np

B, T, D = 4096, 200, 64
V = 100000

def setup_inputs(seed: int = 0) -> dict:
    key = jax.random.key(seed)
    k1, k2, k3 = jax.random.split(key, 3)
    x = jax.random.normal(k1, (B, T, D), dtype=jnp.float32)
    speaker_ids = jax.random.randint(k2, (B, T), 0, V, dtype=jnp.int32)
    table = jax.random.normal(k3, (V, D), dtype=jnp.float32) * 0.02
    # padding_idx=0 row is zero-initialized in torch nn.Embedding
    table = table.at[0].set(0.0)
    return {"x": x, "speaker_ids": speaker_ids, "table": table}

def reference(x, speaker_ids, table):
    # ids = speaker_ids.clamp(min=0)
    ids = jnp.clip(speaker_ids, 0, None)
    # se = self.embed(ids)  -> gather rows from table
    se = jnp.take(table, ids, axis=0)
    # dropout is identity in eval mode
    return x + se

if __name__ == "__main__":
    import jax
    _d = setup_inputs()
    print(jax.jit(kernel)(*tuple(_d.values())))

</pallas_src>

<mosaic_0001>
#map = affine_map<(d0, d1) -> (0, 0, 0, 0, 0)>
#map1 = affine_map<(d0, d1) -> (0, 0, 0, 0)>
#map2 = affine_map<(d0, d1) -> (0, 0)>
module attributes {stable_mosaic.version = 14 : i64} {
  func.func @k(%arg0: i32, %arg1: i32, %arg2: memref<200x8x32x8x128xf32, #tpu.memory_space<hbm>>, %arg3: memref<25x32x8x128xi32, #tpu.memory_space<hbm>>, %arg4: memref<100000x72xf32, #tpu.memory_space<hbm>>, %arg5: memref<200x8x32x8x128xf32, #tpu.memory_space<hbm>>, %arg6: memref<128xi32, #tpu.memory_space<vmem>>, %arg7: memref<128xi32, #tpu.memory_space<vmem>>, %arg8: memref<128xi32, #tpu.memory_space<vmem>>, %arg9: memref<128xi32, #tpu.memory_space<vmem>>, %arg10: memref<128x72xf32, #tpu.memory_space<vmem>>, %arg11: memref<128x72xf32, #tpu.memory_space<vmem>>, %arg12: memref<128x72xf32, #tpu.memory_space<vmem>>, %arg13: memref<128x72xf32, #tpu.memory_space<vmem>>, %arg14: memref<8x8x128xf32, #tpu.memory_space<vmem>>, %arg15: memref<8x8x128xf32, #tpu.memory_space<vmem>>, %arg16: memref<8x8x128xf32, #tpu.memory_space<vmem>>, %arg17: memref<8x8x128xf32, #tpu.memory_space<vmem>>, %arg18: memref<!tpu.dma_semaphore, #tpu.memory_space<semaphore_mem>>, %arg19: memref<!tpu.dma_semaphore, #tpu.memory_space<semaphore_mem>>, %arg20: memref<!tpu.dma_semaphore, #tpu.memory_space<semaphore_mem>>, %arg21: memref<!tpu.dma_semaphore, #tpu.memory_space<semaphore_mem>>, %arg22: memref<!tpu.dma_semaphore, #tpu.memory_space<semaphore_mem>>, %arg23: memref<!tpu.dma_semaphore, #tpu.memory_space<semaphore_mem>>, %arg24: memref<!tpu.dma_semaphore, #tpu.memory_space<semaphore_mem>>, %arg25: memref<!tpu.dma_semaphore, #tpu.memory_space<semaphore_mem>>, %arg26: memref<!tpu.dma_semaphore, #tpu.memory_space<semaphore_mem>>, %arg27: memref<!tpu.dma_semaphore, #tpu.memory_space<semaphore_mem>>, %arg28: memref<!tpu.dma_semaphore, #tpu.memory_space<semaphore_mem>>, %arg29: memref<!tpu.dma_semaphore, #tpu.memory_space<semaphore_mem>>, %arg30: memref<!tpu.dma_semaphore, #tpu.memory_space<semaphore_mem>>, %arg31: memref<!tpu.dma_semaphore, #tpu.memory_space<semaphore_mem>>, %arg32: memref<!tpu.dma_semaphore, #tpu.memory_space<semaphore_mem>>, %arg33: memref<!tpu.dma_semaphore, #tpu.memory_space<semaphore_mem>>) attributes {dimension_semantics = [#tpu.dimension_semantics<core_parallel>, #tpu.dimension_semantics<subcore_parallel>], iteration_bounds = array<i64: 2, 16>, scalar_prefetch = 0 : i64, scratch_operands = 28 : i64, tpu.core_type = #tpu.core_type<sc_vector_subcore>, window_params = [{transform_indices = #map}, {transform_indices = #map1}, {transform_indices = #map2}, {transform_indices = #map}]} {
    %mul3A = arith.constant 2 : i32
    %mul3A_0 = arith.muli %arg1, %mul3A : i32
    %add3A = arith.addi %mul3A_0, %arg0 : i32
    %iota3A = tpu.iota {dimensions = array<i32: 0>} : vector<16xi32>
    %add3A_1 = arith.constant 0 : i32
    %add3A_2 = vector.broadcast %add3A_1 : i32 to vector<16xi32>
    %add3A_3 = arith.addi %iota3A, %add3A_2 : vector<16xi32>
    %add3A_4 = arith.constant 16 : i32
    %add3A_5 = vector.broadcast %add3A_4 : i32 to vector<16xi32>
    %add3A_6 = arith.addi %iota3A, %add3A_5 : vector<16xi32>
    %add3A_7 = arith.constant 32 : i32
    %add3A_8 = vector.broadcast %add3A_7 : i32 to vector<16xi32>
    %add3A_9 = arith.addi %iota3A, %add3A_8 : vector<16xi32>
    %add3A_10 = arith.constant 48 : i32
    %add3A_11 = vector.broadcast %add3A_10 : i32 to vector<16xi32>
    %add3A_12 = arith.addi %iota3A, %add3A_11 : vector<16xi32>
    %add3A_13 = arith.constant 64 : i32
    %add3A_14 = vector.broadcast %add3A_13 : i32 to vector<16xi32>
    %add3A_15 = arith.addi %iota3A, %add3A_14 : vector<16xi32>
    %add3A_16 = arith.constant 80 : i32
    %add3A_17 = vector.broadcast %add3A_16 : i32 to vector<16xi32>
    %add3A_18 = arith.addi %iota3A, %add3A_17 : vector<16xi32>
    %add3A_19 = arith.constant 96 : i32
    %add3A_20 = vector.broadcast %add3A_19 : i32 to vector<16xi32>
    %add3A_21 = arith.addi %iota3A, %add3A_20 : vector<16xi32>
    %add3A_22 = arith.constant 112 : i32
    %add3A_23 = vector.broadcast %add3A_22 : i32 to vector<16xi32>
    %add3A_24 = arith.addi %iota3A, %add3A_23 : vector<16xi32>
    %dma_start3A = arith.constant 0 : i32
    %dma_start3A_25 = arith.constant 0 : i32
    %dma_start3A_26 = arith.constant 0 : i32
    %dma_start3A_27 = tpu.memref_slice %arg3[%dma_start3A, %add3A, %dma_start3A_25, %dma_start3A_26] : memref<25x32x8x128xi32, #tpu.memory_space<hbm>> -> memref<1x1x1x128xi32, #tpu.memory_space<hbm>>
    %dma_start3A_28 = tpu.memref_squeeze %dma_start3A_27 : memref<1x1x1x128xi32, #tpu.memory_space<hbm>> -> memref<128xi32, #tpu.memory_space<hbm>>
    %dma_start3A_29 = arith.constant 0 : i32
    %dma_start3A_30 = tpu.memref_slice %arg3[%dma_start3A, %add3A, %dma_start3A_25, %dma_start3A_29] : memref<25x32x8x128xi32, #tpu.memory_space<hbm>> -> memref<1x1x1x128xi32, #tpu.memory_space<hbm>>
    %dma_start3A_31 = tpu.memref_squeeze %dma_start3A_30 : memref<1x1x1x128xi32, #tpu.memory_space<hbm>> -> memref<128xi32, #tpu.memory_space<hbm>>
    tpu.enqueue_dma source(%dma_start3A_31 : memref<128xi32, #tpu.memory_space<hbm>>) target(%arg6 : memref<128xi32, #tpu.memory_space<vmem>>) target_semaphore(%arg18 : memref<!tpu.dma_semaphore, #tpu.memory_space<semaphore_mem>>)
    %dma_start3A_32 = arith.constant 0 : i32
    %dma_start3A_33 = arith.constant 0 : i32
    %dma_start3A_34 = arith.constant 0 : i32
    %dma_start3A_35 = arith.constant 0 : i32
    %dma_start3A_36 = tpu.memref_slice %arg2[%dma_start3A_32, %dma_start3A_33, %add3A, %dma_start3A_34, %dma_start3A_35] : memref<200x8x32x8x128xf32, #tpu.memory_space<hbm>> -> memref<1x8x1x8x128xf32, #tpu.memory_space<hbm>>
    %dma_start3A_37 = tpu.memref_squeeze %dma_start3A_36 : memref<1x8x1x8x128xf32, #tpu.memory_space<hbm>> -> memref<8x8x128xf32, #tpu.memory_space<hbm>>
    %dma_start3A_38 = arith.constant 0 : i32
    %dma_start3A_39 = arith.constant 0 : i32
    %dma_start3A_40 = arith.constant 0 : i32
    %dma_start3A_41 = tpu.memref_slice %arg2[%dma_start3A_32, %dma_start3A_38, %add3A, %dma_start3A_39, %dma_start3A_40] : memref<200x8x32x8x128xf32, #tpu.memory_space<hbm>> -> memref<1x8x1x8x128xf32, #tpu.memory_space<hbm>>
    %dma_start3A_42 = tpu.memref_squeeze %dma_start3A_41 : memref<1x8x1x8x128xf32, #tpu.memory_space<hbm>> -> memref<8x8x128xf32, #tpu.memory_space<hbm>>
    tpu.enqueue_dma source(%dma_start3A_42 : memref<8x8x128xf32, #tpu.memory_space<hbm>>) target(%arg14 : memref<8x8x128xf32, #tpu.memory_space<vmem>>) target_semaphore(%arg22 : memref<!tpu.dma_semaphore, #tpu.memory_space<semaphore_mem>>)
    %dma_start3A_43 = arith.constant 0 : i32
    %dma_start3A_44 = arith.constant 1 : i32
    %dma_start3A_45 = arith.constant 0 : i32
    %dma_start3A_46 = tpu.memref_slice %arg3[%dma_start3A_43, %add3A, %dma_start3A_44, %dma_start3A_45] : memref<25x32x8x128xi32, #tpu.memory_space<hbm>> -> memref<1x1x1x128xi32, #tpu.memory_space<hbm>>
    %dma_start3A_47 = tpu.memref_squeeze %dma_start3A_46 : memref<1x1x1x128xi32, #tpu.memory_space<hbm>> -> memref<128xi32, #tpu.memory_space<hbm>>
    %dma_start3A_48 = arith.constant 0 : i32
    %dma_start3A_49 = tpu.memref_slice %arg3[%dma_start3A_43, %add3A, %dma_start3A_44, %dma_start3A_48] : memref<25x32x8x128xi32, #tpu.memory_space<hbm>> -> memref<1x1x1x128xi32, #tpu.memory_space<hbm>>
    %dma_start3A_50 = tpu.memref_squeeze %dma_start3A_49 : memref<1x1x1x128xi32, #tpu.memory_space<hbm>> -> memref<128xi32, #tpu.memory_space<hbm>>
    tpu.enqueue_dma source(%dma_start3A_50 : memref<128xi32, #tpu.memory_space<hbm>>) target(%arg7 : memref<128xi32, #tpu.memory_space<vmem>>) target_semaphore(%arg19 : memref<!tpu.dma_semaphore, #tpu.memory_space<semaphore_mem>>)
    %dma_start3A_51 = arith.constant 1 : i32
    %dma_start3A_52 = arith.constant 0 : i32
    %dma_start3A_53 = arith.constant 0 : i32
    %dma_start3A_54 = arith.constant 0 : i32
    %dma_start3A_55 = tpu.memref_slice %arg2[%dma_start3A_51, %dma_start3A_52, %add3A, %dma_start3A_53, %dma_start3A_54] : memref<200x8x32x8x128xf32, #tpu.memory_space<hbm>> -> memref<1x8x1x8x128xf32, #tpu.memory_space<hbm>>
    %dma_start3A_56 = tpu.memref_squeeze %dma_start3A_55 : memref<1x8x1x8x128xf32, #tpu.memory_space<hbm>> -> memref<8x8x128xf32, #tpu.memory_space<hbm>>
    %dma_start3A_57 = arith.constant 0 : i32
    %dma_start3A_58 = arith.constant 0 : i32
    %dma_start3A_59 = arith.constant 0 : i32
    %dma_start3A_60 = tpu.memref_slice %arg2[%dma_start3A_51, %dma_start3A_57, %add3A, %dma_start3A_58, %dma_start3A_59] : memref<200x8x32x8x128xf32, #tpu.memory_space<hbm>> -> memref<1x8x1x8x128xf32, #tpu.memory_space<hbm>>
    %dma_start3A_61 = tpu.memref_squeeze %dma_start3A_60 : memref<1x8x1x8x128xf32, #tpu.memory_space<hbm>> -> memref<8x8x128xf32, #tpu.memory_space<hbm>>
    tpu.enqueue_dma source(%dma_start3A_61 : memref<8x8x128xf32, #tpu.memory_space<hbm>>) target(%arg15 : memref<8x8x128xf32, #tpu.memory_space<vmem>>) target_semaphore(%arg23 : memref<!tpu.dma_semaphore, #tpu.memory_space<semaphore_mem>>)
    %dma_start3A_62 = arith.constant 0 : i32
    %dma_start3A_63 = arith.constant 2 : i32
    %dma_start3A_64 = arith.constant 0 : i32
    %dma_start3A_65 = tpu.memref_slice %arg3[%dma_start3A_62, %add3A, %dma_start3A_63, %dma_start3A_64] : memref<25x32x8x128xi32, #tpu.memory_space<hbm>> -> memref<1x1x1x128xi32, #tpu.memory_space<hbm>>
    %dma_start3A_66 = tpu.memref_squeeze %dma_start3A_65 : memref<1x1x1x128xi32, #tpu.memory_space<hbm>> -> memref<128xi32, #tpu.memory_space<hbm>>
    %dma_start3A_67 = arith.constant 0 : i32
    %dma_start3A_68 = tpu.memref_slice %arg3[%dma_start3A_62, %add3A, %dma_start3A_63, %dma_start3A_67] : memref<25x32x8x128xi32, #tpu.memory_space<hbm>> -> memref<1x1x1x128xi32, #tpu.memory_space<hbm>>
    %dma_start3A_69 = tpu.memref_squeeze %dma_start3A_68 : memref<1x1x1x128xi32, #tpu.memory_space<hbm>> -> memref<128xi32, #tpu.memory_space<hbm>>
    tpu.enqueue_dma source(%dma_start3A_69 : memref<128xi32, #tpu.memory_space<hbm>>) target(%arg8 : memref<128xi32, #tpu.memory_space<vmem>>) target_semaphore(%arg20 : memref<!tpu.dma_semaphore, #tpu.memory_space<semaphore_mem>>)
    %dma_start3A_70 = arith.constant 2 : i32
    %dma_start3A_71 = arith.constant 0 : i32
    %dma_start3A_72 = arith.constant 0 : i32
    %dma_start3A_73 = arith.constant 0 : i32
    %dma_start3A_74 = tpu.memref_slice %arg2[%dma_start3A_70, %dma_start3A_71, %add3A, %dma_start3A_72, %dma_start3A_73] : memref<200x8x32x8x128xf32, #tpu.memory_space<hbm>> -> memref<1x8x1x8x128xf32, #tpu.memory_space<hbm>>
    %dma_start3A_75 = tpu.memref_squeeze %dma_start3A_74 : memref<1x8x1x8x128xf32, #tpu.memory_space<hbm>> -> memref<8x8x128xf32, #tpu.memory_space<hbm>>
    %dma_start3A_76 = arith.constant 0 : i32
    %dma_start3A_77 = arith.constant 0 : i32
    %dma_start3A_78 = arith.constant 0 : i32
    %dma_start3A_79 = tpu.memref_slice %arg2[%dma_start3A_70, %dma_start3A_76, %add3A, %dma_start3A_77, %dma_start3A_78] : memref<200x8x32x8x128xf32, #tpu.memory_space<hbm>> -> memref<1x8x1x8x128xf32, #tpu.memory_space<hbm>>
    %dma_start3A_80 = tpu.memref_squeeze %dma_start3A_79 : memref<1x8x1x8x128xf32, #tpu.memory_space<hbm>> -> memref<8x8x128xf32, #tpu.memory_space<hbm>>
    tpu.enqueue_dma source(%dma_start3A_80 : memref<8x8x128xf32, #tpu.memory_space<hbm>>) target(%arg16 : memref<8x8x128xf32, #tpu.memory_space<vmem>>) target_semaphore(%arg24 : memref<!tpu.dma_semaphore, #tpu.memory_space<semaphore_mem>>)
    %dma_wait3A = arith.constant 0 : i32
    %dma_wait3A_81 = arith.constant 0 : i32
    %dma_wait3A_82 = arith.constant 0 : i32
    %dma_wait3A_83 = arith.constant 0 : i32
    %dma_wait3A_84 = tpu.memref_slice %arg3[%dma_wait3A, %dma_wait3A_81, %dma_wait3A_82, %dma_wait3A_83] : memref<25x32x8x128xi32, #tpu.memory_space<hbm>> -> memref<1x1x1x128xi32, #tpu.memory_space<hbm>>
    %dma_wait3A_85 = tpu.memref_squeeze %dma_wait3A_84 : memref<1x1x1x128xi32, #tpu.memory_space<hbm>> -> memref<128xi32, #tpu.memory_space<hbm>>
    %dma_wait3A_86 = arith.constant 0 : i32
    %dma_wait3A_87 = tpu.memref_slice %arg3[%dma_wait3A, %dma_wait3A_81, %dma_wait3A_82, %dma_wait3A_86] : memref<25x32x8x128xi32, #tpu.memory_space<hbm>> -> memref<1x1x1x128xi32, #tpu.memory_space<hbm>>
    %dma_wait3A_88 = tpu.memref_squeeze %dma_wait3A_87 : memref<1x1x1x128xi32, #tpu.memory_space<hbm>> -> memref<128xi32, #tpu.memory_space<hbm>>
    tpu.wait_dma2 semaphore(%arg18 : memref<!tpu.dma_semaphore, #tpu.memory_space<semaphore_mem>>) src(%dma_wait3A_88 : memref<128xi32, #tpu.memory_space<hbm>>) dst(%arg6 : memref<128xi32, #tpu.memory_space<vmem>>)
    %dma_start3A_89 = arith.constant 0 : i32
    %dma_start3A_90 = arith.constant 0 : i32
    %dma_start3A_91 = tpu.memref_slice %arg4[%dma_start3A_89, %dma_start3A_90] : memref<100000x72xf32, #tpu.memory_space<hbm>> -> memref<100000x72xf32, #tpu.memory_space<hbm>>
    tpu.enqueue_indirect_dma source(%dma_start3A_91 : memref<100000x72xf32, #tpu.memory_space<hbm>>) target(%arg10 : memref<128x72xf32, #tpu.memory_space<vmem>>) offsets(%arg6 : memref<128xi32, #tpu.memory_space<vmem>>) semaphore(%arg26 : memref<!tpu.dma_semaphore, #tpu.memory_space<semaphore_mem>>)
    %scan3A = arith.constant 0 : i32
    %scan3A_92 = arith.constant 0 : i32
    %scan3A_93 = arith.constant 50 : i32
    %scan3A_94 = arith.addi %scan3A_92, %scan3A_93 : i32
    %scan3A_95 = arith.constant 1 : i32
    scf.for %scan3A_109 = %scan3A_92 to %scan3A_94 step %scan3A_95  : i32 {
      %mul3A_110 = arith.constant 4 : i32
      %mul3A_111 = arith.muli %scan3A_109, %mul3A_110 : i32
      %add3A_112 = arith.constant 0 : i32
      %add3A_113 = arith.addi %mul3A_111, %add3A_112 : i32
      %add3A_114 = arith.constant 1 : i32
      %add3A_115 = arith.addi %add3A_113, %add3A_114 : i32
      %lt3A = arith.constant 200 : i32
      %lt3A_116 = arith.cmpi slt, %add3A_115, %lt3A : i32
      %convert_element_type3A = arith.extui %lt3A_116 : i1 to i32
      %cond3A = arith.constant 0 : i32
      %cond3A_117 = arith.cmpi ne, %convert_element_type3A, %cond3A : i32
      scf.if %cond3A_117 {
        %dma_wait3A_316 = arith.constant 0 : i32
        %dma_wait3A_317 = arith.constant 0 : i32
        %dma_wait3A_318 = arith.constant 0 : i32
        %dma_wait3A_319 = arith.constant 0 : i32
        %dma_wait3A_320 = tpu.memref_slice %arg3[%dma_wait3A_316, %dma_wait3A_317, %dma_wait3A_318, %dma_wait3A_319] : memref<25x32x8x128xi32, #tpu.memory_space<hbm>> -> memref<1x1x1x128xi32, #tpu.memory_space<hbm>>
        %dma_wait3A_321 = tpu.memref_squeeze %dma_wait3A_320 : memref<1x1x1x128xi32, #tpu.memory_space<hbm>> -> memref<128xi32, #tpu.memory_space<hbm>>
        %dma_wait3A_322 = arith.constant 0 : i32
        %dma_wait3A_323 = tpu.memref_slice %arg3[%dma_wait3A_316, %dma_wait3A_317, %dma_wait3A_318, %dma_wait3A_322] : memref<25x32x8x128xi32, #tpu.memory_space<hbm>> -> memref<1x1x1x128xi32, #tpu.memory_space<hbm>>
        %dma_wait3A_324 = tpu.memref_squeeze %dma_wait3A_323 : memref<1x1x1x128xi32, #tpu.memory_space<hbm>> -> memref<128xi32, #tpu.memory_space<hbm>>
        tpu.wait_dma2 semaphore(%arg19 : memref<!tpu.dma_semaphore, #tpu.memory_space<semaphore_mem>>) src(%dma_wait3A_324 : memref<128xi32, #tpu.memory_space<hbm>>) dst(%arg7 : memref<128xi32, #tpu.memory_space<vmem>>)
        %dma_start3A_325 = arith.constant 0 : i32
        %dma_start3A_326 = arith.constant 0 : i32
        %dma_start3A_327 = tpu.memref_slice %arg4[%dma_start3A_325, %dma_start3A_326] : memref<100000x72xf32, #tpu.memory_space<hbm>> -> memref<100000x72xf32, #tpu.memory_space<hbm>>
        tpu.enqueue_indirect_dma source(%dma_start3A_327 : memref<100000x72xf32, #tpu.memory_space<hbm>>) target(%arg11 : memref<128x72xf32, #tpu.memory_space<vmem>>) offsets(%arg7 : memref<128xi32, #tpu.memory_space<vmem>>) semaphore(%arg27 : memref<!tpu.dma_semaphore, #tpu.memory_space<semaphore_mem>>)
      } else {
      }
      %dma_wait3A_118 = arith.constant 0 : i32
      %dma_wait3A_119 = arith.constant 0 : i32
      %dma_wait3A_120 = arith.constant 0 : i32
      %dma_wait3A_121 = arith.constant 0 : i32
      %dma_wait3A_122 = arith.constant 0 : i32
      %dma_wait3A_123 = tpu.memref_slice %arg2[%dma_wait3A_118, %dma_wait3A_120, %dma_wait3A_119, %dma_wait3A_121, %dma_wait3A_122] : memref<200x8x32x8x128xf32, #tpu.memory_space<hbm>> -> memref<1x8x1x8x128xf32, #tpu.memory_space<hbm>>
      %dma_wait3A_124 = tpu.memref_squeeze %dma_wait3A_123 : memref<1x8x1x8x128xf32, #tpu.memory_space<hbm>> -> memref<8x8x128xf32, #tpu.memory_space<hbm>>
      %dma_wait3A_125 = arith.constant 0 : i32
      %dma_wait3A_126 = arith.constant 0 : i32
      %dma_wait3A_127 = arith.constant 0 : i32
      %dma_wait3A_128 = tpu.memref_slice %arg2[%dma_wait3A_118, %dma_wait3A_125, %dma_wait3A_119, %dma_wait3A_126, %dma_wait3A_127] : memref<200x8x32x8x128xf32, #tpu.memory_space<hbm>> -> memref<1x8x1x8x128xf32, #tpu.memory_space<hbm>>
      %dma_wait3A_129 = tpu.memref_squeeze %dma_wait3A_128 : memref<1x8x1x8x128xf32, #tpu.memory_space<hbm>> -> memref<8x8x128xf32, #tpu.memory_space<hbm>>
      tpu.wait_dma2 semaphore(%arg22 : memref<!tpu.dma_semaphore, #tpu.memory_space<semaphore_mem>>) src(%dma_wait3A_129 : memref<8x8x128xf32, #tpu.memory_space<hbm>>) dst(%arg14 : memref<8x8x128xf32, #tpu.memory_space<vmem>>)
      %dma_wait3A_130 = arith.constant 0 : i32
      %dma_wait3A_131 = arith.constant 0 : i32
      %dma_wait3A_132 = tpu.memref_slice %arg4[%dma_wait3A_130, %dma_wait3A_131] : memref<100000x72xf32, #tpu.memory_space<hbm>> -> memref<100000x72xf32, #tpu.memory_space<hbm>>
      tpu.wait_indirect_dma semaphore(%arg26 : memref<!tpu.dma_semaphore, #tpu.memory_space<semaphore_mem>>) src(%dma_wait3A_132 : memref<100000x72xf32, #tpu.memory_space<hbm>>) dst(%arg10 : memref<128x72xf32, #tpu.memory_space<vmem>>)
      %parallel_loop3A = arith.constant 0 : i32
      %parallel_loop3A_133 = arith.constant 64 : i32
      %parallel_loop3A_134 = arith.constant 1 : i32
      scf.for %parallel_loop3A_316 = %parallel_loop3A to %parallel_loop3A_133 step %parallel_loop3A_134  : i32 {
        %parallel_loop3A_317 = vector.broadcast %parallel_loop3A_316 : i32 to vector<16xi32>
        %parallel_loop3A_318 = arith.constant 8 : i32
        %parallel_loop3A_319 = arith.divsi %parallel_loop3A_316, %parallel_loop3A_318 : i32
        %parallel_loop3A_320 = arith.constant 0 : i32
        %parallel_loop3A_321 = arith.cmpi sgt, %parallel_loop3A_316, %parallel_loop3A_320 : i32
        %parallel_loop3A_322 = arith.extui %parallel_loop3A_321 : i1 to i32
        %parallel_loop3A_323 = arith.constant 0 : i32
        %parallel_loop3A_324 = arith.cmpi slt, %parallel_loop3A_316, %parallel_loop3A_323 : i32
        %parallel_loop3A_325 = arith.extui %parallel_loop3A_324 : i1 to i32
        %parallel_loop3A_326 = arith.subi %parallel_loop3A_322, %parallel_loop3A_325 : i32
        %parallel_loop3A_327 = arith.constant 0 : i32
        %parallel_loop3A_328 = arith.cmpi sgt, %parallel_loop3A_318, %parallel_loop3A_327 : i32
        %parallel_loop3A_329 = arith.extui %parallel_loop3A_328 : i1 to i32
        %parallel_loop3A_330 = arith.constant 0 : i32
        %parallel_loop3A_331 = arith.cmpi slt, %parallel_loop3A_318, %parallel_loop3A_330 : i32
        %parallel_loop3A_332 = arith.extui %parallel_loop3A_331 : i1 to i32
        %parallel_loop3A_333 = arith.subi %parallel_loop3A_329, %parallel_loop3A_332 : i32
        %parallel_loop3A_334 = arith.cmpi ne, %parallel_loop3A_326, %parallel_loop3A_333 : i32
        %parallel_loop3A_335 = arith.remsi %parallel_loop3A_316, %parallel_loop3A_318 : i32
        %parallel_loop3A_336 = arith.constant 0 : i32
        %parallel_loop3A_337 = arith.cmpi ne, %parallel_loop3A_335, %parallel_loop3A_336 : i32
        %parallel_loop3A_338 = arith.andi %parallel_loop3A_334, %parallel_loop3A_337 : i1
        %parallel_loop3A_339 = arith.constant 1 : i32
        %parallel_loop3A_340 = arith.subi %parallel_loop3A_319, %parallel_loop3A_339 : i32
        %parallel_loop3A_341 = arith.select %parallel_loop3A_338, %parallel_loop3A_340, %parallel_loop3A_319 : i32
        %parallel_loop3A_342 = arith.constant 8 : i32
        %parallel_loop3A_343 = arith.constant 0 : i32
        %parallel_loop3A_344 = arith.cmpi eq, %parallel_loop3A_342, %parallel_loop3A_343 : i32
        %parallel_loop3A_345 = arith.constant 1 : i32
        %parallel_loop3A_346 = arith.select %parallel_loop3A_344, %parallel_loop3A_345, %parallel_loop3A_342 : i32
        %parallel_loop3A_347 = arith.remsi %parallel_loop3A_316, %parallel_loop3A_346 : i32
        %parallel_loop3A_348 = arith.constant 0 : i32
        %parallel_loop3A_349 = arith.cmpi ne, %parallel_loop3A_347, %parallel_loop3A_348 : i32
        %parallel_loop3A_350 = arith.constant 0 : i32
        %parallel_loop3A_351 = arith.cmpi slt, %parallel_loop3A_347, %parallel_loop3A_350 : i32
        %parallel_loop3A_352 = arith.constant 0 : i32
        %parallel_loop3A_353 = arith.cmpi slt, %parallel_loop3A_346, %parallel_loop3A_352 : i32
        %parallel_loop3A_354 = arith.xori %parallel_loop3A_351, %parallel_loop3A_353 : i1
        %parallel_loop3A_355 = arith.andi %parallel_loop3A_354, %parallel_loop3A_349 : i1
        %parallel_loop3A_356 = arith.addi %parallel_loop3A_347, %parallel_loop3A_346 : i32
        %parallel_loop3A_357 = arith.select %parallel_loop3A_355, %parallel_loop3A_356, %parallel_loop3A_347 : i32
        %parallel_loop3A_358 = tpu.vector_load_idx %arg10[%add3A_3, %parallel_loop3A_317] : memref<128x72xf32, #tpu.memory_space<vmem>>[vector<16xi32>, vector<16xi32>], vector<16xf32>,
        %parallel_loop3A_359 = arith.index_cast %parallel_loop3A_341 : i32 to index
        %parallel_loop3A_360 = arith.index_cast %parallel_loop3A_357 : i32 to index
        %parallel_loop3A_361 = arith.constant 0 : index
        %parallel_loop3A_362 = tpu.vector_load %arg14[%parallel_loop3A_359, %parallel_loop3A_360, %parallel_loop3A_361] {strides = array<i32>} : memref<8x8x128xf32, #tpu.memory_space<vmem>>, vector<16xf32>,
        %parallel_loop3A_363 = arith.addf %parallel_loop3A_362, %parallel_loop3A_358 : vector<16xf32>
        %parallel_loop3A_364 = arith.index_cast %parallel_loop3A_341 : i32 to index
        %parallel_loop3A_365 = arith.index_cast %parallel_loop3A_357 : i32 to index
        %parallel_loop3A_366 = arith.constant 0 : index
        %parallel_loop3A_367 = tpu.vector_load %arg14[%parallel_loop3A_364, %parallel_loop3A_365, %parallel_loop3A_366] {strides = array<i32>} : memref<8x8x128xf32, #tpu.memory_space<vmem>>, vector<16xf32>,
        tpu.vector_store %arg14[%parallel_loop3A_364, %parallel_loop3A_365, %parallel_loop3A_366], %parallel_loop3A_363 {strides = array<i32>} : memref<8x8x128xf32, #tpu.memory_space<vmem>>, vector<16xf32>,
        %parallel_loop3A_368 = tpu.vector_load_idx %arg10[%add3A_6, %parallel_loop3A_317] : memref<128x72xf32, #tpu.memory_space<vmem>>[vector<16xi32>, vector<16xi32>], vector<16xf32>,
        %parallel_loop3A_369 = arith.index_cast %parallel_loop3A_341 : i32 to index
        %parallel_loop3A_370 = arith.index_cast %parallel_loop3A_357 : i32 to index
        %parallel_loop3A_371 = arith.constant 16 : index
        %parallel_loop3A_372 = tpu.vector_load %arg14[%parallel_loop3A_369, %parallel_loop3A_370, %parallel_loop3A_371] {strides = array<i32>} : memref<8x8x128xf32, #tpu.memory_space<vmem>>, vector<16xf32>,
        %parallel_loop3A_373 = arith.addf %parallel_loop3A_372, %parallel_loop3A_368 : vector<16xf32>
        %parallel_loop3A_374 = arith.index_cast %parallel_loop3A_341 : i32 to index
        %parallel_loop3A_375 = arith.index_cast %parallel_loop3A_357 : i32 to index
        %parallel_loop3A_376 = arith.constant 16 : index
        %parallel_loop3A_377 = tpu.vector_load %arg14[%parallel_loop3A_374, %parallel_loop3A_375, %parallel_loop3A_376] {strides = array<i32>} : memref<8x8x128xf32, #tpu.memory_space<vmem>>, vector<16xf32>,
        tpu.vector_store %arg14[%parallel_loop3A_374, %parallel_loop3A_375, %parallel_loop3A_376], %parallel_loop3A_373 {strides = array<i32>} : memref<8x8x128xf32, #tpu.memory_space<vmem>>, vector<16xf32>,
        %parallel_loop3A_378 = tpu.vector_load_idx %arg10[%add3A_9, %parallel_loop3A_317] : memref<128x72xf32, #tpu.memory_space<vmem>>[vector<16xi32>, vector<16xi32>], vector<16xf32>,
        %parallel_loop3A_379 = arith.index_cast %parallel_loop3A_341 : i32 to index
        %parallel_loop3A_380 = arith.index_cast %parallel_loop3A_357 : i32 to index
        %parallel_loop3A_381 = arith.constant 32 : index
        %parallel_loop3A_382 = tpu.vector_load %arg14[%parallel_loop3A_379, %parallel_loop3A_380, %parallel_loop3A_381] {strides = array<i32>} : memref<8x8x128xf32, #tpu.memory_space<vmem>>, vector<16xf32>,
        %parallel_loop3A_383 = arith.addf %parallel_loop3A_382, %parallel_loop3A_378 : vector<16xf32>
        %parallel_loop3A_384 = arith.index_cast %parallel_loop3A_341 : i32 to index
        %parallel_loop3A_385 = arith.index_cast %parallel_loop3A_357 : i32 to index
        %parallel_loop3A_386 = arith.constant 32 : index
        %parallel_loop3A_387 = tpu.vector_load %arg14[%parallel_loop3A_384, %parallel_loop3A_385, %parallel_loop3A_386] {strides = array<i32>} : memref<8x8x128xf32, #tpu.memory_space<vmem>>, vector<16xf32>,
        tpu.vector_store %arg14[%parallel_loop3A_384, %parallel_loop3A_385, %parallel_loop3A_386], %parallel_loop3A_383 {strides = array<i32>} : memref<8x8x128xf32, #tpu.memory_space<vmem>>, vector<16xf32>,
        %parallel_loop3A_388 = tpu.vector_load_idx %arg10[%add3A_12, %parallel_loop3A_317] : memref<128x72xf32, #tpu.memory_space<vmem>>[vector<16xi32>, vector<16xi32>], vector<16xf32>,
        %parallel_loop3A_389 = arith.index_cast %parallel_loop3A_341 : i32 to index
        %parallel_loop3A_390 = arith.index_cast %parallel_loop3A_357 : i32 to index
        %parallel_loop3A_391 = arith.constant 48 : index
        %parallel_loop3A_392 = tpu.vector_load %arg14[%parallel_loop3A_389, %parallel_loop3A_390, %parallel_loop3A_391] {strides = array<i32>} : memref<8x8x128xf32, #tpu.memory_space<vmem>>, vector<16xf32>,
        %parallel_loop3A_393 = arith.addf %parallel_loop3A_392, %parallel_loop3A_388 : vector<16xf32>
        %parallel_loop3A_394 = arith.index_cast %parallel_loop3A_341 : i32 to index
        %parallel_loop3A_395 = arith.index_cast %parallel_loop3A_357 : i32 to index
        %parallel_loop3A_396 = arith.constant 48 : index
        %parallel_loop3A_397 = tpu.vector_load %arg14[%parallel_loop3A_394, %parallel_loop3A_395, %parallel_loop3A_396] {strides = array<i32>} : memref<8x8x128xf32, #tpu.memory_space<vmem>>, vector<16xf32>,
        tpu.vector_store %arg14[%parallel_loop3A_394, %parallel_loop3A_395, %parallel_loop3A_396], %parallel_loop3A_393 {strides = array<i32>} : memref<8x8x128xf32, #tpu.memory_space<vmem>>, vector<16xf32>,
        %parallel_loop3A_398 = tpu.vector_load_idx %arg10[%add3A_15, %parallel_loop3A_317] : memref<128x72xf32, #tpu.memory_space<vmem>>[vector<16xi32>, vector<16xi32>], vector<16xf32>,
        %parallel_loop3A_399 = arith.index_cast %parallel_loop3A_341 : i32 to index
        %parallel_loop3A_400 = arith.index_cast %parallel_loop3A_357 : i32 to index
        %parallel_loop3A_401 = arith.constant 64 : index
        %parallel_loop3A_402 = tpu.vector_load %arg14[%parallel_loop3A_399, %parallel_loop3A_400, %parallel_loop3A_401] {strides = array<i32>} : memref<8x8x128xf32, #tpu.memory_space<vmem>>, vector<16xf32>,
        %parallel_loop3A_403 = arith.addf %parallel_loop3A_402, %parallel_loop3A_398 : vector<16xf32>
        %parallel_loop3A_404 = arith.index_cast %parallel_loop3A_341 : i32 to index
        %parallel_loop3A_405 = arith.index_cast %parallel_loop3A_357 : i32 to index
        %parallel_loop3A_406 = arith.constant 64 : index
        %parallel_loop3A_407 = tpu.vector_load %arg14[%parallel_loop3A_404, %parallel_loop3A_405, %parallel_loop3A_406] {strides = array<i32>} : memref<8x8x128xf32, #tpu.memory_space<vmem>>, vector<16xf32>,
        tpu.vector_store %arg14[%parallel_loop3A_404, %parallel_loop3A_405, %parallel_loop3A_406], %parallel_loop3A_403 {strides = array<i32>} : memref<8x8x128xf32, #tpu.memory_space<vmem>>, vector<16xf32>,
        %parallel_loop3A_408 = tpu.vector_load_idx %arg10[%add3A_18, %parallel_loop3A_317] : memref<128x72xf32, #tpu.memory_space<vmem>>[vector<16xi32>, vector<16xi32>], vector<16xf32>,
        %parallel_loop3A_409 = arith.index_cast %parallel_loop3A_341 : i32 to index
        %parallel_loop3A_410 = arith.index_cast %parallel_loop3A_357 : i32 to index
        %parallel_loop3A_411 = arith.constant 80 : index
        %parallel_loop3A_412 = tpu.vector_load %arg14[%parallel_loop3A_409, %parallel_loop3A_410, %parallel_loop3A_411] {strides = array<i32>} : memref<8x8x128xf32, #tpu.memory_space<vmem>>, vector<16xf32>,
        %parallel_loop3A_413 = arith.addf %parallel_loop3A_412, %parallel_loop3A_408 : vector<16xf32>
        %parallel_loop3A_414 = arith.index_cast %parallel_loop3A_341 : i32 to index
        %parallel_loop3A_415 = arith.index_cast %parallel_loop3A_357 : i32 to index
        %parallel_loop3A_416 = arith.constant 80 : index
        %parallel_loop3A_417 = tpu.vector_load %arg14[%parallel_loop3A_414, %parallel_loop3A_415, %parallel_loop3A_416] {strides = array<i32>} : memref<8x8x128xf32, #tpu.memory_space<vmem>>, vector<16xf32>,
        tpu.vector_store %arg14[%parallel_loop3A_414, %parallel_loop3A_415, %parallel_loop3A_416], %parallel_loop3A_413 {strides = array<i32>} : memref<8x8x128xf32, #tpu.memory_space<vmem>>, vector<16xf32>,
        %parallel_loop3A_418 = tpu.vector_load_idx %arg10[%add3A_21, %parallel_loop3A_317] : memref<128x72xf32, #tpu.memory_space<vmem>>[vector<16xi32>, vector<16xi32>], vector<16xf32>,
        %parallel_loop3A_419 = arith.index_cast %parallel_loop3A_341 : i32 to index
        %parallel_loop3A_420 = arith.index_cast %parallel_loop3A_357 : i32 to index
        %parallel_loop3A_421 = arith.constant 96 : index
        %parallel_loop3A_422 = tpu.vector_load %arg14[%parallel_loop3A_419, %parallel_loop3A_420, %parallel_loop3A_421] {strides = array<i32>} : memref<8x8x128xf32, #tpu.memory_space<vmem>>, vector<16xf32>,
        %parallel_loop3A_423 = arith.addf %parallel_loop3A_422, %parallel_loop3A_418 : vector<16xf32>
        %parallel_loop3A_424 = arith.index_cast %parallel_loop3A_341 : i32 to index
        %parallel_loop3A_425 = arith.index_cast %parallel_loop3A_357 : i32 to index
        %parallel_loop3A_426 = arith.constant 96 : index
        %parallel_loop3A_427 = tpu.vector_load %arg14[%parallel_loop3A_424, %parallel_loop3A_425, %parallel_loop3A_426] {strides = array<i32>} : memref<8x8x128xf32, #tpu.memory_space<vmem>>, vector<16xf32>,
        tpu.vector_store %arg14[%parallel_loop3A_424, %parallel_loop3A_425, %parallel_loop3A_426], %parallel_loop3A_423 {strides = array<i32>} : memref<8x8x128xf32, #tpu.memory_space<vmem>>, vector<16xf32>,
        %parallel_loop3A_428 = tpu.vector_load_idx %arg10[%add3A_24, %parallel_loop3A_317] : memref<128x72xf32, #tpu.memory_space<vmem>>[vector<16xi32>, vector<16xi32>], vector<16xf32>,
        %parallel_loop3A_429 = arith.index_cast %parallel_loop3A_341 : i32 to index
        %parallel_loop3A_430 = arith.index_cast %parallel_loop3A_357 : i32 to index
        %parallel_loop3A_431 = arith.constant 112 : index
        %parallel_loop3A_432 = tpu.vector_load %arg14[%parallel_loop3A_429, %parallel_loop3A_430, %parallel_loop3A_431] {strides = array<i32>} : memref<8x8x128xf32, #tpu.memory_space<vmem>>, vector<16xf32>,
        %parallel_loop3A_433 = arith.addf %parallel_loop3A_432, %parallel_loop3A_428 : vector<16xf32>
        %parallel_loop3A_434 = arith.index_cast %parallel_loop3A_341 : i32 to index
        %parallel_loop3A_435 = arith.index_cast %parallel_loop3A_357 : i32 to index
        %parallel_loop3A_436 = arith.constant 112 : index
        %parallel_loop3A_437 = tpu.vector_load %arg14[%parallel_loop3A_434, %parallel_loop3A_435, %parallel_loop3A_436] {strides = array<i32>} : memref<8x8x128xf32, #tpu.memory_space<vmem>>, vector<16xf32>,
        tpu.vector_store %arg14[%parallel_loop3A_434, %parallel_loop3A_435, %parallel_loop3A_436], %parallel_loop3A_433 {strides = array<i32>} : memref<8x8x128xf32, #tpu.memory_space<vmem>>, vector<16xf32>,
      } {sc.loop_unroll_factor = 2 : i64, sc.parallel_access}
      %dma_start3A_135 = arith.constant 0 : i32
      %dma_start3A_136 = arith.constant 0 : i32
      %dma_start3A_137 = arith.constant 0 : i32
      %dma_start3A_138 = tpu.memref_slice %arg5[%add3A_113, %dma_start3A_135, %add3A, %dma_start3A_136, %dma_start3A_137] : memref<200x8x32x8x128xf32, #tpu.memory_space<hbm>> -> memref<1x8x1x8x128xf32, #tpu.memory_space<hbm>>
      %dma_start3A_139 = tpu.memref_squeeze %dma_start3A_138 : memref<1x8x1x8x128xf32, #tpu.memory_space<hbm>> -> memref<8x8x128xf32, #tpu.memory_space<hbm>>
      %dma_start3A_140 = arith.constant 0 : i32
      %dma_start3A_141 = arith.constant 0 : i32
      %dma_start3A_142 = arith.constant 0 : i32
      %dma_start3A_143 = tpu.memref_slice %arg5[%add3A_113, %dma_start3A_140, %add3A, %dma_start3A_141, %dma_start3A_142] : memref<200x8x32x8x128xf32, #tpu.memory_space<hbm>> -> memref<1x8x1x8x128xf32, #tpu.memory_space<hbm>>
      %dma_start3A_144 = tpu.memref_squeeze %dma_start3A_143 : memref<1x8x1x8x128xf32, #tpu.memory_space<hbm>> -> memref<8x8x128xf32, #tpu.memory_space<hbm>>
      tpu.enqueue_dma source(%arg14 : memref<8x8x128xf32, #tpu.memory_space<vmem>>) target(%dma_start3A_144 : memref<8x8x128xf32, #tpu.memory_space<hbm>>) target_semaphore(%arg30 : memref<!tpu.dma_semaphore, #tpu.memory_space<semaphore_mem>>)
      %ge3A = arith.constant 1 : i32
      %ge3A_145 = arith.cmpi sge, %add3A_113, %ge3A : i32
      %convert_element_type3A_146 = arith.extui %ge3A_145 : i1 to i32
      %cond3A_147 = arith.constant 0 : i32
      %cond3A_148 = arith.cmpi ne, %convert_element_type3A_146, %cond3A_147 : i32
      scf.if %cond3A_148 {
        %dma_wait3A_316 = arith.constant 0 : i32
        %dma_wait3A_317 = arith.constant 0 : i32
        %dma_wait3A_318 = arith.constant 0 : i32
        %dma_wait3A_319 = arith.constant 0 : i32
        %dma_wait3A_320 = arith.constant 0 : i32
        %dma_wait3A_321 = tpu.memref_slice %arg5[%dma_wait3A_316, %dma_wait3A_318, %dma_wait3A_317, %dma_wait3A_319, %dma_wait3A_320] : memref<200x8x32x8x128xf32, #tpu.memory_space<hbm>> -> memref<1x8x1x8x128xf32, #tpu.memory_space<hbm>>
        %dma_wait3A_322 = tpu.memref_squeeze %dma_wait3A_321 : memref<1x8x1x8x128xf32, #tpu.memory_space<hbm>> -> memref<8x8x128xf32, #tpu.memory_space<hbm>>
        %dma_wait3A_323 = arith.constant 0 : i32
        %dma_wait3A_324 = arith.constant 0 : i32
        %dma_wait3A_325 = arith.constant 0 : i32
        %dma_wait3A_326 = tpu.memref_slice %arg5[%dma_wait3A_316, %dma_wait3A_323, %dma_wait3A_317, %dma_wait3A_324, %dma_wait3A_325] : memref<200x8x32x8x128xf32, #tpu.memory_space<hbm>> -> memref<1x8x1x8x128xf32, #tpu.memory_space<hbm>>
        %dma_wait3A_327 = tpu.memref_squeeze %dma_wait3A_326 : memref<1x8x1x8x128xf32, #tpu.memory_space<hbm>> -> memref<8x8x128xf32, #tpu.memory_space<hbm>>
        tpu.wait_dma2 semaphore(%arg33 : memref<!tpu.dma_semaphore, #tpu.memory_space<semaphore_mem>>) src(%arg17 : memref<8x8x128xf32, #tpu.memory_space<vmem>>) dst(%dma_wait3A_327 : memref<8x8x128xf32, #tpu.memory_space<hbm>>)
      } else {
      }
      %add3A_149 = arith.constant 4 : i32
      %add3A_150 = arith.addi %add3A_113, %add3A_149 : i32
      %sub3A = arith.constant 1 : i32
      %sub3A_151 = arith.subi %add3A_150, %sub3A : i32
      %lt3A_152 = arith.constant 200 : i32
      %lt3A_153 = arith.cmpi slt, %sub3A_151, %lt3A_152 : i32
      %convert_element_type3A_154 = arith.extui %lt3A_153 : i1 to i32
      %cond3A_155 = arith.constant 0 : i32
      %cond3A_156 = arith.cmpi ne, %convert_element_type3A_154, %cond3A_155 : i32
      scf.if %cond3A_156 {
        %add3A_316 = arith.constant 4 : i32
        %add3A_317 = arith.addi %add3A_113, %add3A_316 : i32
        %sub3A_318 = arith.constant 1 : i32
        %sub3A_319 = arith.subi %add3A_317, %sub3A_318 : i32
        %jit3A = arith.constant 8 : i32
        %div3A = arith.divsi %sub3A_319, %jit3A : i32
        %sign3A = arith.constant 0 : i32
        %sign3A_320 = arith.cmpi sgt, %sub3A_319, %sign3A : i32
        %sign3A_321 = arith.extui %sign3A_320 : i1 to i32
        %sign3A_322 = arith.constant 0 : i32
        %sign3A_323 = arith.cmpi slt, %sub3A_319, %sign3A_322 : i32
        %sign3A_324 = arith.extui %sign3A_323 : i1 to i32
        %sign3A_325 = arith.subi %sign3A_321, %sign3A_324 : i32
        %sign3A_326 = arith.constant 0 : i32
        %sign3A_327 = arith.cmpi sgt, %jit3A, %sign3A_326 : i32
        %sign3A_328 = arith.extui %sign3A_327 : i1 to i32
        %sign3A_329 = arith.constant 0 : i32
        %sign3A_330 = arith.cmpi slt, %jit3A, %sign3A_329 : i32
        %sign3A_331 = arith.extui %sign3A_330 : i1 to i32
        %sign3A_332 = arith.subi %sign3A_328, %sign3A_331 : i32
        %ne3A = arith.cmpi ne, %sign3A_325, %sign3A_332 : i32
        %rem3A = arith.remsi %sub3A_319, %jit3A : i32
        %ne3A_333 = arith.constant 0 : i32
        %ne3A_334 = arith.cmpi ne, %rem3A, %ne3A_333 : i32
        %and3A = arith.andi %ne3A, %ne3A_334 : i1
        %sub3A_335 = arith.constant 1 : i32
        %sub3A_336 = arith.subi %div3A, %sub3A_335 : i32
        %select_n3A = arith.select %and3A, %sub3A_336, %div3A : i32
        %jit3A_337 = arith.constant 8 : i32
        %eq3A = arith.constant 0 : i32
        %eq3A_338 = arith.cmpi eq, %jit3A_337, %eq3A : i32
        %jit3A_339 = arith.constant 1 : i32
        %select_n3A_340 = arith.select %eq3A_338, %jit3A_339, %jit3A_337 : i32
        %rem3A_341 = arith.remsi %sub3A_319, %select_n3A_340 : i32
        %ne3A_342 = arith.constant 0 : i32
        %ne3A_343 = arith.cmpi ne, %rem3A_341, %ne3A_342 : i32
        %lt3A_344 = arith.constant 0 : i32
        %lt3A_345 = arith.cmpi slt, %rem3A_341, %lt3A_344 : i32
        %lt3A_346 = arith.constant 0 : i32
        %lt3A_347 = arith.cmpi slt, %select_n3A_340, %lt3A_346 : i32
        %ne3A_348 = arith.xori %lt3A_345, %lt3A_347 : i1
        %and3A_349 = arith.andi %ne3A_348, %ne3A_343 : i1
        %add3A_350 = arith.addi %rem3A_341, %select_n3A_340 : i32
        %select_n3A_351 = arith.select %and3A_349, %add3A_350, %rem3A_341 : i32
        %dma_start3A_352 = arith.constant 0 : i32
        %dma_start3A_353 = tpu.memref_slice %arg3[%select_n3A, %add3A, %select_n3A_351, %dma_start3A_352] : memref<25x32x8x128xi32, #tpu.memory_space<hbm>> -> memref<1x1x1x128xi32, #tpu.memory_space<hbm>>
        %dma_start3A_354 = tpu.memref_squeeze %dma_start3A_353 : memref<1x1x1x128xi32, #tpu.memory_space<hbm>> -> memref<128xi32, #tpu.memory_space<hbm>>
        %dma_start3A_355 = arith.constant 0 : i32
        %dma_start3A_356 = tpu.memref_slice %arg3[%select_n3A, %add3A, %select_n3A_351, %dma_start3A_355] : memref<25x32x8x128xi32, #tpu.memory_space<hbm>> -> memref<1x1x1x128xi32, #tpu.memory_space<hbm>>
        %dma_start3A_357 = tpu.memref_squeeze %dma_start3A_356 : memref<1x1x1x128xi32, #tpu.memory_space<hbm>> -> memref<128xi32, #tpu.memory_space<hbm>>
        tpu.enqueue_dma source(%dma_start3A_357 : memref<128xi32, #tpu.memory_space<hbm>>) target(%arg9 : memref<128xi32, #tpu.memory_space<vmem>>) target_semaphore(%arg21 : memref<!tpu.dma_semaphore, #tpu.memory_space<semaphore_mem>>)
        %dma_start3A_358 = arith.constant 0 : i32
        %dma_start3A_359 = arith.constant 0 : i32
        %dma_start3A_360 = arith.constant 0 : i32
        %dma_start3A_361 = tpu.memref_slice %arg2[%sub3A_319, %dma_start3A_358, %add3A, %dma_start3A_359, %dma_start3A_360] : memref<200x8x32x8x128xf32, #tpu.memory_space<hbm>> -> memref<1x8x1x8x128xf32, #tpu.memory_space<hbm>>
        %dma_start3A_362 = tpu.memref_squeeze %dma_start3A_361 : memref<1x8x1x8x128xf32, #tpu.memory_space<hbm>> -> memref<8x8x128xf32, #tpu.memory_space<hbm>>
        %dma_start3A_363 = arith.constant 0 : i32
        %dma_start3A_364 = arith.constant 0 : i32
        %dma_start3A_365 = arith.constant 0 : i32
        %dma_start3A_366 = tpu.memref_slice %arg2[%sub3A_319, %dma_start3A_363, %add3A, %dma_start3A_364, %dma_start3A_365] : memref<200x8x32x8x128xf32, #tpu.memory_space<hbm>> -> memref<1x8x1x8x128xf32, #tpu.memory_space<hbm>>
        %dma_start3A_367 = tpu.memref_squeeze %dma_start3A_366 : memref<1x8x1x8x128xf32, #tpu.memory_space<hbm>> -> memref<8x8x128xf32, #tpu.memory_space<hbm>>
        tpu.enqueue_dma source(%dma_start3A_367 : memref<8x8x128xf32, #tpu.memory_space<hbm>>) target(%arg17 : memref<8x8x128xf32, #tpu.memory_space<vmem>>) target_semaphore(%arg25 : memref<!tpu.dma_semaphore, #tpu.memory_space<semaphore_mem>>)
      } else {
      }
      %mul3A_157 = arith.constant 4 : i32
      %mul3A_158 = arith.muli %scan3A_109, %mul3A_157 : i32
      %add3A_159 = arith.constant 1 : i32
      %add3A_160 = arith.addi %mul3A_158, %add3A_159 : i32
      %add3A_161 = arith.constant 1 : i32
      %add3A_162 = arith.addi %add3A_160, %add3A_161 : i32
      %lt3A_163 = arith.constant 200 : i32
      %lt3A_164 = arith.cmpi slt, %add3A_162, %lt3A_163 : i32
      %convert_element_type3A_165 = arith.extui %lt3A_164 : i1 to i32
      %cond3A_166 = arith.constant 0 : i32
      %cond3A_167 = arith.cmpi ne, %convert_element_type3A_165, %cond3A_166 : i32
      scf.if %cond3A_167 {
        %dma_wait3A_316 = arith.constant 0 : i32
        %dma_wait3A_317 = arith.constant 0 : i32
        %dma_wait3A_318 = arith.constant 0 : i32
        %dma_wait3A_319 = arith.constant 0 : i32
        %dma_wait3A_320 = tpu.memref_slice %arg3[%dma_wait3A_316, %dma_wait3A_317, %dma_wait3A_318, %dma_wait3A_319] : memref<25x32x8x128xi32, #tpu.memory_space<hbm>> -> memref<1x1x1x128xi32, #tpu.memory_space<hbm>>
        %dma_wait3A_321 = tpu.memref_squeeze %dma_wait3A_320 : memref<1x1x1x128xi32, #tpu.memory_space<hbm>> -> memref<128xi32, #tpu.memory_space<hbm>>
        %dma_wait3A_322 = arith.constant 0 : i32
        %dma_wait3A_323 = tpu.memref_slice %arg3[%dma_wait3A_316, %dma_wait3A_317, %dma_wait3A_318, %dma_wait3A_322] : memref<25x32x8x128xi32, #tpu.memory_space<hbm>> -> memref<1x1x1x128xi32, #tpu.memory_space<hbm>>
        %dma_wait3A_324 = tpu.memref_squeeze %dma_wait3A_323 : memref<1x1x1x128xi32, #tpu.memory_space<hbm>> -> memref<128xi32, #tpu.memory_space<hbm>>
        tpu.wait_dma2 semaphore(%arg20 : memref<!tpu.dma_semaphore, #tpu.memory_space<semaphore_mem>>) src(%dma_wait3A_324 : memref<128xi32, #tpu.memory_space<hbm>>) dst(%arg8 : memref<128xi32, #tpu.memory_space<vmem>>)
        %dma_start3A_325 = arith.constant 0 : i32
        %dma_start3A_326 = arith.constant 0 : i32
        %dma_start3A_327 = tpu.memref_slice %arg4[%dma_start3A_325, %dma_start3A_326] : memref<100000x72xf32, #tpu.memory_space<hbm>> -> memref<100000x72xf32, #tpu.memory_space<hbm>>
        tpu.enqueue_indirect_dma source(%dma_start3A_327 : memref<100000x72xf32, #tpu.memory_space<hbm>>) target(%arg12 : memref<128x72xf32, #tpu.memory_space<vmem>>) offsets(%arg8 : memref<128xi32, #tpu.memory_space<vmem>>) semaphore(%arg28 : memref<!tpu.dma_semaphore, #tpu.memory_space<semaphore_mem>>)
      } else {
      }
      %dma_wait3A_168 = arith.constant 0 : i32
      %dma_wait3A_169 = arith.constant 0 : i32
      %dma_wait3A_170 = arith.constant 0 : i32
      %dma_wait3A_171 = arith.constant 0 : i32
      %dma_wait3A_172 = arith.constant 0 : i32
      %dma_wait3A_173 = tpu.memref_slice %arg2[%dma_wait3A_168, %dma_wait3A_170, %dma_wait3A_169, %dma_wait3A_171, %dma_wait3A_172] : memref<200x8x32x8x128xf32, #tpu.memory_space<hbm>> -> memref<1x8x1x8x128xf32, #tpu.memory_space<hbm>>
      %dma_wait3A_174 = tpu.memref_squeeze %dma_wait3A_173 : memref<1x8x1x8x128xf32, #tpu.memory_space<hbm>> -> memref<8x8x128xf32, #tpu.memory_space<hbm>>
      %dma_wait3A_175 = arith.constant 0 : i32
      %dma_wait3A_176 = arith.constant 0 : i32
      %dma_wait3A_177 = arith.constant 0 : i32
      %dma_wait3A_178 = tpu.memref_slice %arg2[%dma_wait3A_168, %dma_wait3A_175, %dma_wait3A_169, %dma_wait3A_176, %dma_wait3A_177] : memref<200x8x32x8x128xf32, #tpu.memory_space<hbm>> -> memref<1x8x1x8x128xf32, #tpu.memory_space<hbm>>
      %dma_wait3A_179 = tpu.memref_squeeze %dma_wait3A_178 : memref<1x8x1x8x128xf32, #tpu.memory_space<hbm>> -> memref<8x8x128xf32, #tpu.memory_space<hbm>>
      tpu.wait_dma2 semaphore(%arg23 : memref<!tpu.dma_semaphore, #tpu.memory_space<semaphore_mem>>) src(%dma_wait3A_179 : memref<8x8x128xf32, #tpu.memory_space<hbm>>) dst(%arg15 : memref<8x8x128xf32, #tpu.memory_space<vmem>>)
      %dma_wait3A_180 = arith.constant 0 : i32
      %dma_wait3A_181 = arith.constant 0 : i32
      %dma_wait3A_182 = tpu.memref_slice %arg4[%dma_wait3A_180, %dma_wait3A_181] : memref<100000x72xf32, #tpu.memory_space<hbm>> -> memref<100000x72xf32, #tpu.memory_space<hbm>>
      tpu.wait_indirect_dma semaphore(%arg27 : memref<!tpu.dma_semaphore, #tpu.memory_space<semaphore_mem>>) src(%dma_wait3A_182 : memref<100000x72xf32, #tpu.memory_space<hbm>>) dst(%arg11 : memref<128x72xf32, #tpu.memory_space<vmem>>)
      %parallel_loop3A_183 = arith.constant 0 : i32
      %parallel_loop3A_184 = arith.constant 64 : i32
      %parallel_loop3A_185 = arith.constant 1 : i32
      scf.for %parallel_loop3A_316 = %parallel_loop3A_183 to %parallel_loop3A_184 step %parallel_loop3A_185  : i32 {
        %parallel_loop3A_317 = vector.broadcast %parallel_loop3A_316 : i32 to vector<16xi32>
        %parallel_loop3A_318 = arith.constant 8 : i32
        %parallel_loop3A_319 = arith.divsi %parallel_loop3A_316, %parallel_loop3A_318 : i32
        %parallel_loop3A_320 = arith.constant 0 : i32
        %parallel_loop3A_321 = arith.cmpi sgt, %parallel_loop3A_316, %parallel_loop3A_320 : i32
        %parallel_loop3A_322 = arith.extui %parallel_loop3A_321 : i1 to i32
        %parallel_loop3A_323 = arith.constant 0 : i32
        %parallel_loop3A_324 = arith.cmpi slt, %parallel_loop3A_316, %parallel_loop3A_323 : i32
        %parallel_loop3A_325 = arith.extui %parallel_loop3A_324 : i1 to i32
        %parallel_loop3A_326 = arith.subi %parallel_loop3A_322, %parallel_loop3A_325 : i32
        %parallel_loop3A_327 = arith.constant 0 : i32
        %parallel_loop3A_328 = arith.cmpi sgt, %parallel_loop3A_318, %parallel_loop3A_327 : i32
        %parallel_loop3A_329 = arith.extui %parallel_loop3A_328 : i1 to i32
        %parallel_loop3A_330 = arith.constant 0 : i32
        %parallel_loop3A_331 = arith.cmpi slt, %parallel_loop3A_318, %parallel_loop3A_330 : i32
        %parallel_loop3A_332 = arith.extui %parallel_loop3A_331 : i1 to i32
        %parallel_loop3A_333 = arith.subi %parallel_loop3A_329, %parallel_loop3A_332 : i32
        %parallel_loop3A_334 = arith.cmpi ne, %parallel_loop3A_326, %parallel_loop3A_333 : i32
        %parallel_loop3A_335 = arith.remsi %parallel_loop3A_316, %parallel_loop3A_318 : i32
        %parallel_loop3A_336 = arith.constant 0 : i32
        %parallel_loop3A_337 = arith.cmpi ne, %parallel_loop3A_335, %parallel_loop3A_336 : i32
        %parallel_loop3A_338 = arith.andi %parallel_loop3A_334, %parallel_loop3A_337 : i1
        %parallel_loop3A_339 = arith.constant 1 : i32
        %parallel_loop3A_340 = arith.subi %parallel_loop3A_319, %parallel_loop3A_339 : i32
        %parallel_loop3A_341 = arith.select %parallel_loop3A_338, %parallel_loop3A_340, %parallel_loop3A_319 : i32
        %parallel_loop3A_342 = arith.constant 8 : i32
        %parallel_loop3A_343 = arith.constant 0 : i32
        %parallel_loop3A_344 = arith.cmpi eq, %parallel_loop3A_342, %parallel_loop3A_343 : i32
        %parallel_loop3A_345 = arith.constant 1 : i32
        %parallel_loop3A_346 = arith.select %parallel_loop3A_344, %parallel_loop3A_345, %parallel_loop3A_342 : i32
        %parallel_loop3A_347 = arith.remsi %parallel_loop3A_316, %parallel_loop3A_346 : i32
        %parallel_loop3A_348 = arith.constant 0 : i32
        %parallel_loop3A_349 = arith.cmpi ne, %parallel_loop3A_347, %parallel_loop3A_348 : i32
        %parallel_loop3A_350 = arith.constant 0 : i32
        %parallel_loop3A_351 = arith.cmpi slt, %parallel_loop3A_347, %parallel_loop3A_350 : i32
        %parallel_loop3A_352 = arith.constant 0 : i32
        %parallel_loop3A_353 = arith.cmpi slt, %parallel_loop3A_346, %parallel_loop3A_352 : i32
        %parallel_loop3A_354 = arith.xori %parallel_loop3A_351, %parallel_loop3A_353 : i1
        %parallel_loop3A_355 = arith.andi %parallel_loop3A_354, %parallel_loop3A_349 : i1
        %parallel_loop3A_356 = arith.addi %parallel_loop3A_347, %parallel_loop3A_346 : i32
        %parallel_loop3A_357 = arith.select %parallel_loop3A_355, %parallel_loop3A_356, %parallel_loop3A_347 : i32
        %parallel_loop3A_358 = tpu.vector_load_idx %arg11[%add3A_3, %parallel_loop3A_317] : memref<128x72xf32, #tpu.memory_space<vmem>>[vector<16xi32>, vector<16xi32>], vector<16xf32>,
        %parallel_loop3A_359 = arith.index_cast %parallel_loop3A_341 : i32 to index
        %parallel_loop3A_360 = arith.index_cast %parallel_loop3A_357 : i32 to index
        %parallel_loop3A_361 = arith.constant 0 : index
        %parallel_loop3A_362 = tpu.vector_load %arg15[%parallel_loop3A_359, %parallel_loop3A_360, %parallel_loop3A_361] {strides = array<i32>} : memref<8x8x128xf32, #tpu.memory_space<vmem>>, vector<16xf32>,
        %parallel_loop3A_363 = arith.addf %parallel_loop3A_362, %parallel_loop3A_358 : vector<16xf32>
        %parallel_loop3A_364 = arith.index_cast %parallel_loop3A_341 : i32 to index
        %parallel_loop3A_365 = arith.index_cast %parallel_loop3A_357 : i32 to index
        %parallel_loop3A_366 = arith.constant 0 : index
        %parallel_loop3A_367 = tpu.vector_load %arg15[%parallel_loop3A_364, %parallel_loop3A_365, %parallel_loop3A_366] {strides = array<i32>} : memref<8x8x128xf32, #tpu.memory_space<vmem>>, vector<16xf32>,
        tpu.vector_store %arg15[%parallel_loop3A_364, %parallel_loop3A_365, %parallel_loop3A_366], %parallel_loop3A_363 {strides = array<i32>} : memref<8x8x128xf32, #tpu.memory_space<vmem>>, vector<16xf32>,
        %parallel_loop3A_368 = tpu.vector_load_idx %arg11[%add3A_6, %parallel_loop3A_317] : memref<128x72xf32, #tpu.memory_space<vmem>>[vector<16xi32>, vector<16xi32>], vector<16xf32>,
        %parallel_loop3A_369 = arith.index_cast %parallel_loop3A_341 : i32 to index
        %parallel_loop3A_370 = arith.index_cast %parallel_loop3A_357 : i32 to index
        %parallel_loop3A_371 = arith.constant 16 : index
        %parallel_loop3A_372 = tpu.vector_load %arg15[%parallel_loop3A_369, %parallel_loop3A_370, %parallel_loop3A_371] {strides = array<i32>} : memref<8x8x128xf32, #tpu.memory_space<vmem>>, vector<16xf32>,
        %parallel_loop3A_373 = arith.addf %parallel_loop3A_372, %parallel_loop3A_368 : vector<16xf32>
        %parallel_loop3A_374 = arith.index_cast %parallel_loop3A_341 : i32 to index
        %parallel_loop3A_375 = arith.index_cast %parallel_loop3A_357 : i32 to index
        %parallel_loop3A_376 = arith.constant 16 : index
        %parallel_loop3A_377 = tpu.vector_load %arg15[%parallel_loop3A_374, %parallel_loop3A_375, %parallel_loop3A_376] {strides = array<i32>} : memref<8x8x128xf32, #tpu.memory_space<vmem>>, vector<16xf32>,
        tpu.vector_store %arg15[%parallel_loop3A_374, %parallel_loop3A_375, %parallel_loop3A_376], %parallel_loop3A_373 {strides = array<i32>} : memref<8x8x128xf32, #tpu.memory_space<vmem>>, vector<16xf32>,
        %parallel_loop3A_378 = tpu.vector_load_idx %arg11[%add3A_9, %parallel_loop3A_317] : memref<128x72xf32, #tpu.memory_space<vmem>>[vector<16xi32>, vector<16xi32>], vector<16xf32>,
        %parallel_loop3A_379 = arith.index_cast %parallel_loop3A_341 : i32 to index
        %parallel_loop3A_380 = arith.index_cast %parallel_loop3A_357 : i32 to index
        %parallel_loop3A_381 = arith.constant 32 : index
        %parallel_loop3A_382 = tpu.vector_load %arg15[%parallel_loop3A_379, %parallel_loop3A_380, %parallel_loop3A_381] {strides = array<i32>} : memref<8x8x128xf32, #tpu.memory_space<vmem>>, vector<16xf32>,
        %parallel_loop3A_383 = arith.addf %parallel_loop3A_382, %parallel_loop3A_378 : vector<16xf32>
        %parallel_loop3A_384 = arith.index_cast %parallel_loop3A_341 : i32 to index
        %parallel_loop3A_385 = arith.index_cast %parallel_loop3A_357 : i32 to index
        %parallel_loop3A_386 = arith.constant 32 : index
        %parallel_loop3A_387 = tpu.vector_load %arg15[%parallel_loop3A_384, %parallel_loop3A_385, %parallel_loop3A_386] {strides = array<i32>} : memref<8x8x128xf32, #tpu.memory_space<vmem>>, vector<16xf32>,
        tpu.vector_store %arg15[%parallel_loop3A_384, %parallel_loop3A_385, %parallel_loop3A_386], %parallel_loop3A_383 {strides = array<i32>} : memref<8x8x128xf32, #tpu.memory_space<vmem>>, vector<16xf32>,
        %parallel_loop3A_388 = tpu.vector_load_idx %arg11[%add3A_12, %parallel_loop3A_317] : memref<128x72xf32, #tpu.memory_space<vmem>>[vector<16xi32>, vector<16xi32>], vector<16xf32>,
        %parallel_loop3A_389 = arith.index_cast %parallel_loop3A_341 : i32 to index
        %parallel_loop3A_390 = arith.index_cast %parallel_loop3A_357 : i32 to index
        %parallel_loop3A_391 = arith.constant 48 : index
        %parallel_loop3A_392 = tpu.vector_load %arg15[%parallel_loop3A_389, %parallel_loop3A_390, %parallel_loop3A_391] {strides = array<i32>} : memref<8x8x128xf32, #tpu.memory_space<vmem>>, vector<16xf32>,
        %parallel_loop3A_393 = arith.addf %parallel_loop3A_392, %parallel_loop3A_388 : vector<16xf32>
        %parallel_loop3A_394 = arith.index_cast %parallel_loop3A_341 : i32 to index
        %parallel_loop3A_395 = arith.index_cast %parallel_loop3A_357 : i32 to index
        %parallel_loop3A_396 = arith.constant 48 : index
        %parallel_loop3A_397 = tpu.vector_load %arg15[%parallel_loop3A_394, %parallel_loop3A_395, %parallel_loop3A_396] {strides = array<i32>} : memref<8x8x128xf32, #tpu.memory_space<vmem>>, vector<16xf32>,
        tpu.vector_store %arg15[%parallel_loop3A_394, %parallel_loop3A_395, %parallel_loop3A_396], %parallel_loop3A_393 {strides = array<i32>} : memref<8x8x128xf32, #tpu.memory_space<vmem>>, vector<16xf32>,
        %parallel_loop3A_398 = tpu.vector_load_idx %arg11[%add3A_15, %parallel_loop3A_317] : memref<128x72xf32, #tpu.memory_space<vmem>>[vector<16xi32>, vector<16xi32>], vector<16xf32>,
        %parallel_loop3A_399 = arith.index_cast %parallel_loop3A_341 : i32 to index
        %parallel_loop3A_400 = arith.index_cast %parallel_loop3A_357 : i32 to index
        %parallel_loop3A_401 = arith.constant 64 : index
        %parallel_loop3A_402 = tpu.vector_load %arg15[%parallel_loop3A_399, %parallel_loop3A_400, %parallel_loop3A_401] {strides = array<i32>} : memref<8x8x128xf32, #tpu.memory_space<vmem>>, vector<16xf32>,
        %parallel_loop3A_403 = arith.addf %parallel_loop3A_402, %parallel_loop3A_398 : vector<16xf32>
        %parallel_loop3A_404 = arith.index_cast %parallel_loop3A_341 : i32 to index
        %parallel_loop3A_405 = arith.index_cast %parallel_loop3A_357 : i32 to index
        %parallel_loop3A_406 = arith.constant 64 : index
        %parallel_loop3A_407 = tpu.vector_load %arg15[%parallel_loop3A_404, %parallel_loop3A_405, %parallel_loop3A_406] {strides = array<i32>} : memref<8x8x128xf32, #tpu.memory_space<vmem>>, vector<16xf32>,
        tpu.vector_store %arg15[%parallel_loop3A_404, %parallel_loop3A_405, %parallel_loop3A_406], %parallel_loop3A_403 {strides = array<i32>} : memref<8x8x128xf32, #tpu.memory_space<vmem>>, vector<16xf32>,
        %parallel_loop3A_408 = tpu.vector_load_idx %arg11[%add3A_18, %parallel_loop3A_317] : memref<128x72xf32, #tpu.memory_space<vmem>>[vector<16xi32>, vector<16xi32>], vector<16xf32>,
        %parallel_loop3A_409 = arith.index_cast %parallel_loop3A_341 : i32 to index
        %parallel_loop3A_410 = arith.index_cast %parallel_loop3A_357 : i32 to index
        %parallel_loop3A_411 = arith.constant 80 : index
        %parallel_loop3A_412 = tpu.vector_load %arg15[%parallel_loop3A_409, %parallel_loop3A_410, %parallel_loop3A_411] {strides = array<i32>} : memref<8x8x128xf32, #tpu.memory_space<vmem>>, vector<16xf32>,
        %parallel_loop3A_413 = arith.addf %parallel_loop3A_412, %parallel_loop3A_408 : vector<16xf32>
        %parallel_loop3A_414 = arith.index_cast %parallel_loop3A_341 : i32 to index
        %parallel_loop3A_415 = arith.index_cast %parallel_loop3A_357 : i32 to index
        %parallel_loop3A_416 = arith.constant 80 : index
        %parallel_loop3A_417 = tpu.vector_load %arg15[%parallel_loop3A_414, %parallel_loop3A_415, %parallel_loop3A_416] {strides = array<i32>} : memref<8x8x128xf32, #tpu.memory_space<vmem>>, vector<16xf32>,
        tpu.vector_store %arg15[%parallel_loop3A_414, %parallel_loop3A_415, %parallel_loop3A_416], %parallel_loop3A_413 {strides = array<i32>} : memref<8x8x128xf32, #tpu.memory_space<vmem>>, vector<16xf32>,
        %parallel_loop3A_418 = tpu.vector_load_idx %arg11[%add3A_21, %parallel_loop3A_317] : memref<128x72xf32, #tpu.memory_space<vmem>>[vector<16xi32>, vector<16xi32>], vector<16xf32>,
        %parallel_loop3A_419 = arith.index_cast %parallel_loop3A_341 : i32 to index
        %parallel_loop3A_420 = arith.index_cast %parallel_loop3A_357 : i32 to index
        %parallel_loop3A_421 = arith.constant 96 : index
        %parallel_loop3A_422 = tpu.vector_load %arg15[%parallel_loop3A_419, %parallel_loop3A_420, %parallel_loop3A_421] {strides = array<i32>} : memref<8x8x128xf32, #tpu.memory_space<vmem>>, vector<16xf32>,
        %parallel_loop3A_423 = arith.addf %parallel_loop3A_422, %parallel_loop3A_418 : vector<16xf32>
        %parallel_loop3A_424 = arith.index_cast %parallel_loop3A_341 : i32 to index
        %parallel_loop3A_425 = arith.index_cast %parallel_loop3A_357 : i32 to index
        %parallel_loop3A_426 = arith.constant 96 : index
        %parallel_loop3A_427 = tpu.vector_load %arg15[%parallel_loop3A_424, %parallel_loop3A_425, %parallel_loop3A_426] {strides = array<i32>} : memref<8x8x128xf32, #tpu.memory_space<vmem>>, vector<16xf32>,
        tpu.vector_store %arg15[%parallel_loop3A_424, %parallel_loop3A_425, %parallel_loop3A_426], %parallel_loop3A_423 {strides = array<i32>} : memref<8x8x128xf32, #tpu.memory_space<vmem>>, vector<16xf32>,
        %parallel_loop3A_428 = tpu.vector_load_idx %arg11[%add3A_24, %parallel_loop3A_317] : memref<128x72xf32, #tpu.memory_space<vmem>>[vector<16xi32>, vector<16xi32>], vector<16xf32>,
        %parallel_loop3A_429 = arith.index_cast %parallel_loop3A_341 : i32 to index
        %parallel_loop3A_430 = arith.index_cast %parallel_loop3A_357 : i32 to index
        %parallel_loop3A_431 = arith.constant 112 : index
        %parallel_loop3A_432 = tpu.vector_load %arg15[%parallel_loop3A_429, %parallel_loop3A_430, %parallel_loop3A_431] {strides = array<i32>} : memref<8x8x128xf32, #tpu.memory_space<vmem>>, vector<16xf32>,
        %parallel_loop3A_433 = arith.addf %parallel_loop3A_432, %parallel_loop3A_428 : vector<16xf32>
        %parallel_loop3A_434 = arith.index_cast %parallel_loop3A_341 : i32 to index
        %parallel_loop3A_435 = arith.index_cast %parallel_loop3A_357 : i32 to index
        %parallel_loop3A_436 = arith.constant 112 : index
        %parallel_loop3A_437 = tpu.vector_load %arg15[%parallel_loop3A_434, %parallel_loop3A_435, %parallel_loop3A_436] {strides = array<i32>} : memref<8x8x128xf32, #tpu.memory_space<vmem>>, vector<16xf32>,
        tpu.vector_store %arg15[%parallel_loop3A_434, %parallel_loop3A_435, %parallel_loop3A_436], %parallel_loop3A_433 {strides = array<i32>} : memref<8x8x128xf32, #tpu.memory_space<vmem>>, vector<16xf32>,
      } {sc.loop_unroll_factor = 2 : i64, sc.parallel_access}
      %dma_start3A_186 = arith.constant 0 : i32
      %dma_start3A_187 = arith.constant 0 : i32
      %dma_start3A_188 = arith.constant 0 : i32
      %dma_start3A_189 = tpu.memref_slice %arg5[%add3A_160, %dma_start3A_186, %add3A, %dma_start3A_187, %dma_start3A_188] : memref<200x8x32x8x128xf32, #tpu.memory_space<hbm>> -> memref<1x8x1x8x128xf32, #tpu.memory_space<hbm>>
      %dma_start3A_190 = tpu.memref_squeeze %dma_start3A_189 : memref<1x8x1x8x128xf32, #tpu.memory_space<hbm>> -> memref<8x8x128xf32, #tpu.memory_space<hbm>>
      %dma_start3A_191 = arith.constant 0 : i32
      %dma_start3A_192 = arith.constant 0 : i32
      %dma_start3A_193 = arith.constant 0 : i32
      %dma_start3A_194 = tpu.memref_slice %arg5[%add3A_160, %dma_start3A_191, %add3A, %dma_start3A_192, %dma_start3A_193] : memref<200x8x32x8x128xf32, #tpu.memory_space<hbm>> -> memref<1x8x1x8x128xf32, #tpu.memory_space<hbm>>
      %dma_start3A_195 = tpu.memref_squeeze %dma_start3A_194 : memref<1x8x1x8x128xf32, #tpu.memory_space<hbm>> -> memref<8x8x128xf32, #tpu.memory_space<hbm>>
      tpu.enqueue_dma source(%arg15 : memref<8x8x128xf32, #tpu.memory_space<vmem>>) target(%dma_start3A_195 : memref<8x8x128xf32, #tpu.memory_space<hbm>>) target_semaphore(%arg31 : memref<!tpu.dma_semaphore, #tpu.memory_space<semaphore_mem>>)
      %ge3A_196 = arith.constant 1 : i32
      %ge3A_197 = arith.cmpi sge, %add3A_160, %ge3A_196 : i32
      %convert_element_type3A_198 = arith.extui %ge3A_197 : i1 to i32
      %cond3A_199 = arith.constant 0 : i32
      %cond3A_200 = arith.cmpi ne, %convert_element_type3A_198, %cond3A_199 : i32
      scf.if %cond3A_200 {
        %dma_wait3A_316 = arith.constant 0 : i32
        %dma_wait3A_317 = arith.constant 0 : i32
        %dma_wait3A_318 = arith.constant 0 : i32
        %dma_wait3A_319 = arith.constant 0 : i32
        %dma_wait3A_320 = arith.constant 0 : i32
        %dma_wait3A_321 = tpu.memref_slice %arg5[%dma_wait3A_316, %dma_wait3A_318, %dma_wait3A_317, %dma_wait3A_319, %dma_wait3A_320] : memref<200x8x32x8x128xf32, #tpu.memory_space<hbm>> -> memref<1x8x1x8x128xf32, #tpu.memory_space<hbm>>
        %dma_wait3A_322 = tpu.memref_squeeze %dma_wait3A_321 : memref<1x8x1x8x128xf32, #tpu.memory_space<hbm>> -> memref<8x8x128xf32, #tpu.memory_space<hbm>>
        %dma_wait3A_323 = arith.constant 0 : i32
        %dma_wait3A_324 = arith.constant 0 : i32
        %dma_wait3A_325 = arith.constant 0 : i32
        %dma_wait3A_326 = tpu.memref_slice %arg5[%dma_wait3A_316, %dma_wait3A_323, %dma_wait3A_317, %dma_wait3A_324, %dma_wait3A_325] : memref<200x8x32x8x128xf32, #tpu.memory_space<hbm>> -> memref<1x8x1x8x128xf32, #tpu.memory_space<hbm>>
        %dma_wait3A_327 = tpu.memref_squeeze %dma_wait3A_326 : memref<1x8x1x8x128xf32, #tpu.memory_space<hbm>> -> memref<8x8x128xf32, #tpu.memory_space<hbm>>
        tpu.wait_dma2 semaphore(%arg30 : memref<!tpu.dma_semaphore, #tpu.memory_space<semaphore_mem>>) src(%arg14 : memref<8x8x128xf32, #tpu.memory_space<vmem>>) dst(%dma_wait3A_327 : memref<8x8x128xf32, #tpu.memory_space<hbm>>)
      } else {
      }
      %add3A_201 = arith.constant 4 : i32
      %add3A_202 = arith.addi %add3A_160, %add3A_201 : i32
      %sub3A_203 = arith.constant 1 : i32
      %sub3A_204 = arith.subi %add3A_202, %sub3A_203 : i32
      %lt3A_205 = arith.constant 200 : i32
      %lt3A_206 = arith.cmpi slt, %sub3A_204, %lt3A_205 : i32
      %convert_element_type3A_207 = arith.extui %lt3A_206 : i1 to i32
      %cond3A_208 = arith.constant 0 : i32
      %cond3A_209 = arith.cmpi ne, %convert_element_type3A_207, %cond3A_208 : i32
      scf.if %cond3A_209 {
        %add3A_316 = arith.constant 4 : i32
        %add3A_317 = arith.addi %add3A_160, %add3A_316 : i32
        %sub3A_318 = arith.constant 1 : i32
        %sub3A_319 = arith.subi %add3A_317, %sub3A_318 : i32
        %jit3A = arith.constant 8 : i32
        %div3A = arith.divsi %sub3A_319, %jit3A : i32
        %sign3A = arith.constant 0 : i32
        %sign3A_320 = arith.cmpi sgt, %sub3A_319, %sign3A : i32
        %sign3A_321 = arith.extui %sign3A_320 : i1 to i32
        %sign3A_322 = arith.constant 0 : i32
        %sign3A_323 = arith.cmpi slt, %sub3A_319, %sign3A_322 : i32
        %sign3A_324 = arith.extui %sign3A_323 : i1 to i32
        %sign3A_325 = arith.subi %sign3A_321, %sign3A_324 : i32
        %sign3A_326 = arith.constant 0 : i32
        %sign3A_327 = arith.cmpi sgt, %jit3A, %sign3A_326 : i32
        %sign3A_328 = arith.extui %sign3A_327 : i1 to i32
        %sign3A_329 = arith.constant 0 : i32
        %sign3A_330 = arith.cmpi slt, %jit3A, %sign3A_329 : i32
        %sign3A_331 = arith.extui %sign3A_330 : i1 to i32
        %sign3A_332 = arith.subi %sign3A_328, %sign3A_331 : i32
        %ne3A = arith.cmpi ne, %sign3A_325, %sign3A_332 : i32
        %rem3A = arith.remsi %sub3A_319, %jit3A : i32
        %ne3A_333 = arith.constant 0 : i32
        %ne3A_334 = arith.cmpi ne, %rem3A, %ne3A_333 : i32
        %and3A = arith.andi %ne3A, %ne3A_334 : i1
        %sub3A_335 = arith.constant 1 : i32
        %sub3A_336 = arith.subi %div3A, %sub3A_335 : i32
        %select_n3A = arith.select %and3A, %sub3A_336, %div3A : i32
        %jit3A_337 = arith.constant 8 : i32
        %eq3A = arith.constant 0 : i32
        %eq3A_338 = arith.cmpi eq, %jit3A_337, %eq3A : i32
        %jit3A_339 = arith.constant 1 : i32
        %select_n3A_340 = arith.select %eq3A_338, %jit3A_339, %jit3A_337 : i32
        %rem3A_341 = arith.remsi %sub3A_319, %select_n3A_340 : i32
        %ne3A_342 = arith.constant 0 : i32
        %ne3A_343 = arith.cmpi ne, %rem3A_341, %ne3A_342 : i32
        %lt3A_344 = arith.constant 0 : i32
        %lt3A_345 = arith.cmpi slt, %rem3A_341, %lt3A_344 : i32
        %lt3A_346 = arith.constant 0 : i32
        %lt3A_347 = arith.cmpi slt, %select_n3A_340, %lt3A_346 : i32
        %ne3A_348 = arith.xori %lt3A_345, %lt3A_347 : i1
        %and3A_349 = arith.andi %ne3A_348, %ne3A_343 : i1
        %add3A_350 = arith.addi %rem3A_341, %select_n3A_340 : i32
        %select_n3A_351 = arith.select %and3A_349, %add3A_350, %rem3A_341 : i32
        %dma_start3A_352 = arith.constant 0 : i32
        %dma_start3A_353 = tpu.memref_slice %arg3[%select_n3A, %add3A, %select_n3A_351, %dma_start3A_352] : memref<25x32x8x128xi32, #tpu.memory_space<hbm>> -> memref<1x1x1x128xi32, #tpu.memory_space<hbm>>
        %dma_start3A_354 = tpu.memref_squeeze %dma_start3A_353 : memref<1x1x1x128xi32, #tpu.memory_space<hbm>> -> memref<128xi32, #tpu.memory_space<hbm>>
        %dma_start3A_355 = arith.constant 0 : i32
        %dma_start3A_356 = tpu.memref_slice %arg3[%select_n3A, %add3A, %select_n3A_351, %dma_start3A_355] : memref<25x32x8x128xi32, #tpu.memory_space<hbm>> -> memref<1x1x1x128xi32, #tpu.memory_space<hbm>>
        %dma_start3A_357 = tpu.memref_squeeze %dma_start3A_356 : memref<1x1x1x128xi32, #tpu.memory_space<hbm>> -> memref<128xi32, #tpu.memory_space<hbm>>
        tpu.enqueue_dma source(%dma_start3A_357 : memref<128xi32, #tpu.memory_space<hbm>>) target(%arg6 : memref<128xi32, #tpu.memory_space<vmem>>) target_semaphore(%arg18 : memref<!tpu.dma_semaphore, #tpu.memory_space<semaphore_mem>>)
        %dma_start3A_358 = arith.constant 0 : i32
        %dma_start3A_359 = arith.constant 0 : i32
        %dma_start3A_360 = arith.constant 0 : i32
        %dma_start3A_361 = tpu.memref_slice %arg2[%sub3A_319, %dma_start3A_358, %add3A, %dma_start3A_359, %dma_start3A_360] : memref<200x8x32x8x128xf32, #tpu.memory_space<hbm>> -> memref<1x8x1x8x128xf32, #tpu.memory_space<hbm>>
        %dma_start3A_362 = tpu.memref_squeeze %dma_start3A_361 : memref<1x8x1x8x128xf32, #tpu.memory_space<hbm>> -> memref<8x8x128xf32, #tpu.memory_space<hbm>>
        %dma_start3A_363 = arith.constant 0 : i32
        %dma_start3A_364 = arith.constant 0 : i32
        %dma_start3A_365 = arith.constant 0 : i32
        %dma_start3A_366 = tpu.memref_slice %arg2[%sub3A_319, %dma_start3A_363, %add3A, %dma_start3A_364, %dma_start3A_365] : memref<200x8x32x8x128xf32, #tpu.memory_space<hbm>> -> memref<1x8x1x8x128xf32, #tpu.memory_space<hbm>>
        %dma_start3A_367 = tpu.memref_squeeze %dma_start3A_366 : memref<1x8x1x8x128xf32, #tpu.memory_space<hbm>> -> memref<8x8x128xf32, #tpu.memory_space<hbm>>
        tpu.enqueue_dma source(%dma_start3A_367 : memref<8x8x128xf32, #tpu.memory_space<hbm>>) target(%arg14 : memref<8x8x128xf32, #tpu.memory_space<vmem>>) target_semaphore(%arg22 : memref<!tpu.dma_semaphore, #tpu.memory_space<semaphore_mem>>)
      } else {
      }
      %mul3A_210 = arith.constant 4 : i32
      %mul3A_211 = arith.muli %scan3A_109, %mul3A_210 : i32
      %add3A_212 = arith.constant 2 : i32
      %add3A_213 = arith.addi %mul3A_211, %add3A_212 : i32
      %add3A_214 = arith.constant 1 : i32
      %add3A_215 = arith.addi %add3A_213, %add3A_214 : i32
      %lt3A_216 = arith.constant 200 : i32
      %lt3A_217 = arith.cmpi slt, %add3A_215, %lt3A_216 : i32
      %convert_element_type3A_218 = arith.extui %lt3A_217 : i1 to i32
      %cond3A_219 = arith.constant 0 : i32
      %cond3A_220 = arith.cmpi ne, %convert_element_type3A_218, %cond3A_219 : i32
      scf.if %cond3A_220 {
        %dma_wait3A_316 = arith.constant 0 : i32
        %dma_wait3A_317 = arith.constant 0 : i32
        %dma_wait3A_318 = arith.constant 0 : i32
        %dma_wait3A_319 = arith.constant 0 : i32
        %dma_wait3A_320 = tpu.memref_slice %arg3[%dma_wait3A_316, %dma_wait3A_317, %dma_wait3A_318, %dma_wait3A_319] : memref<25x32x8x128xi32, #tpu.memory_space<hbm>> -> memref<1x1x1x128xi32, #tpu.memory_space<hbm>>
        %dma_wait3A_321 = tpu.memref_squeeze %dma_wait3A_320 : memref<1x1x1x128xi32, #tpu.memory_space<hbm>> -> memref<128xi32, #tpu.memory_space<hbm>>
        %dma_wait3A_322 = arith.constant 0 : i32
        %dma_wait3A_323 = tpu.memref_slice %arg3[%dma_wait3A_316, %dma_wait3A_317, %dma_wait3A_318, %dma_wait3A_322] : memref<25x32x8x128xi32, #tpu.memory_space<hbm>> -> memref<1x1x1x128xi32, #tpu.memory_space<hbm>>
        %dma_wait3A_324 = tpu.memref_squeeze %dma_wait3A_323 : memref<1x1x1x128xi32, #tpu.memory_space<hbm>> -> memref<128xi32, #tpu.memory_space<hbm>>
        tpu.wait_dma2 semaphore(%arg21 : memref<!tpu.dma_semaphore, #tpu.memory_space<semaphore_mem>>) src(%dma_wait3A_324 : memref<128xi32, #tpu.memory_space<hbm>>) dst(%arg9 : memref<128xi32, #tpu.memory_space<vmem>>)
        %dma_start3A_325 = arith.constant 0 : i32
        %dma_start3A_326 = arith.constant 0 : i32
        %dma_start3A_327 = tpu.memref_slice %arg4[%dma_start3A_325, %dma_start3A_326] : memref<100000x72xf32, #tpu.memory_space<hbm>> -> memref<100000x72xf32, #tpu.memory_space<hbm>>
        tpu.enqueue_indirect_dma source(%dma_start3A_327 : memref<100000x72xf32, #tpu.memory_space<hbm>>) target(%arg13 : memref<128x72xf32, #tpu.memory_space<vmem>>) offsets(%arg9 : memref<128xi32, #tpu.memory_space<vmem>>) semaphore(%arg29 : memref<!tpu.dma_semaphore, #tpu.memory_space<semaphore_mem>>)
      } else {
      }
      %dma_wait3A_221 = arith.constant 0 : i32
      %dma_wait3A_222 = arith.constant 0 : i32
      %dma_wait3A_223 = arith.constant 0 : i32
      %dma_wait3A_224 = arith.constant 0 : i32
      %dma_wait3A_225 = arith.constant 0 : i32
      %dma_wait3A_226 = tpu.memref_slice %arg2[%dma_wait3A_221, %dma_wait3A_223, %dma_wait3A_222, %dma_wait3A_224, %dma_wait3A_225] : memref<200x8x32x8x128xf32, #tpu.memory_space<hbm>> -> memref<1x8x1x8x128xf32, #tpu.memory_space<hbm>>
      %dma_wait3A_227 = tpu.memref_squeeze %dma_wait3A_226 : memref<1x8x1x8x128xf32, #tpu.memory_space<hbm>> -> memref<8x8x128xf32, #tpu.memory_space<hbm>>
      %dma_wait3A_228 = arith.constant 0 : i32
      %dma_wait3A_229 = arith.constant 0 : i32
      %dma_wait3A_230 = arith.constant 0 : i32
      %dma_wait3A_231 = tpu.memref_slice %arg2[%dma_wait3A_221, %dma_wait3A_228, %dma_wait3A_222, %dma_wait3A_229, %dma_wait3A_230] : memref<200x8x32x8x128xf32, #tpu.memory_space<hbm>> -> memref<1x8x1x8x128xf32, #tpu.memory_space<hbm>>
      %dma_wait3A_232 = tpu.memref_squeeze %dma_wait3A_231 : memref<1x8x1x8x128xf32, #tpu.memory_space<hbm>> -> memref<8x8x128xf32, #tpu.memory_space<hbm>>
      tpu.wait_dma2 semaphore(%arg24 : memref<!tpu.dma_semaphore, #tpu.memory_space<semaphore_mem>>) src(%dma_wait3A_232 : memref<8x8x128xf32, #tpu.memory_space<hbm>>) dst(%arg16 : memref<8x8x128xf32, #tpu.memory_space<vmem>>)
      %dma_wait3A_233 = arith.constant 0 : i32
      %dma_wait3A_234 = arith.constant 0 : i32
      %dma_wait3A_235 = tpu.memref_slice %arg4[%dma_wait3A_233, %dma_wait3A_234] : memref<100000x72xf32, #tpu.memory_space<hbm>> -> memref<100000x72xf32, #tpu.memory_space<hbm>>
      tpu.wait_indirect_dma semaphore(%arg28 : memref<!tpu.dma_semaphore, #tpu.memory_space<semaphore_mem>>) src(%dma_wait3A_235 : memref<100000x72xf32, #tpu.memory_space<hbm>>) dst(%arg12 : memref<128x72xf32, #tpu.memory_space<vmem>>)
      %parallel_loop3A_236 = arith.constant 0 : i32
      %parallel_loop3A_237 = arith.constant 64 : i32
      %parallel_loop3A_238 = arith.constant 1 : i32
      scf.for %parallel_loop3A_316 = %parallel_loop3A_236 to %parallel_loop3A_237 step %parallel_loop3A_238  : i32 {
        %parallel_loop3A_317 = vector.broadcast %parallel_loop3A_316 : i32 to vector<16xi32>
        %parallel_loop3A_318 = arith.constant 8 : i32
        %parallel_loop3A_319 = arith.divsi %parallel_loop3A_316, %parallel_loop3A_318 : i32
        %parallel_loop3A_320 = arith.constant 0 : i32
        %parallel_loop3A_321 = arith.cmpi sgt, %parallel_loop3A_316, %parallel_loop3A_320 : i32
        %parallel_loop3A_322 = arith.extui %parallel_loop3A_321 : i1 to i32
        %parallel_loop3A_323 = arith.constant 0 : i32
        %parallel_loop3A_324 = arith.cmpi slt, %parallel_loop3A_316, %parallel_loop3A_323 : i32
        %parallel_loop3A_325 = arith.extui %parallel_loop3A_324 : i1 to i32
        %parallel_loop3A_326 = arith.subi %parallel_loop3A_322, %parallel_loop3A_325 : i32
        %parallel_loop3A_327 = arith.constant 0 : i32
        %parallel_loop3A_328 = arith.cmpi sgt, %parallel_loop3A_318, %parallel_loop3A_327 : i32
        %parallel_loop3A_329 = arith.extui %parallel_loop3A_328 : i1 to i32
        %parallel_loop3A_330 = arith.constant 0 : i32
        %parallel_loop3A_331 = arith.cmpi slt, %parallel_loop3A_318, %parallel_loop3A_330 : i32
        %parallel_loop3A_332 = arith.extui %parallel_loop3A_331 : i1 to i32
        %parallel_loop3A_333 = arith.subi %parallel_loop3A_329, %parallel_loop3A_332 : i32
        %parallel_loop3A_334 = arith.cmpi ne, %parallel_loop3A_326, %parallel_loop3A_333 : i32
        %parallel_loop3A_335 = arith.remsi %parallel_loop3A_316, %parallel_loop3A_318 : i32
        %parallel_loop3A_336 = arith.constant 0 : i32
        %parallel_loop3A_337 = arith.cmpi ne, %parallel_loop3A_335, %parallel_loop3A_336 : i32
        %parallel_loop3A_338 = arith.andi %parallel_loop3A_334, %parallel_loop3A_337 : i1
        %parallel_loop3A_339 = arith.constant 1 : i32
        %parallel_loop3A_340 = arith.subi %parallel_loop3A_319, %parallel_loop3A_339 : i32
        %parallel_loop3A_341 = arith.select %parallel_loop3A_338, %parallel_loop3A_340, %parallel_loop3A_319 : i32
        %parallel_loop3A_342 = arith.constant 8 : i32
        %parallel_loop3A_343 = arith.constant 0 : i32
        %parallel_loop3A_344 = arith.cmpi eq, %parallel_loop3A_342, %parallel_loop3A_343 : i32
        %parallel_loop3A_345 = arith.constant 1 : i32
        %parallel_loop3A_346 = arith.select %parallel_loop3A_344, %parallel_loop3A_345, %parallel_loop3A_342 : i32
        %parallel_loop3A_347 = arith.remsi %parallel_loop3A_316, %parallel_loop3A_346 : i32
        %parallel_loop3A_348 = arith.constant 0 : i32
        %parallel_loop3A_349 = arith.cmpi ne, %parallel_loop3A_347, %parallel_loop3A_348 : i32
        %parallel_loop3A_350 = arith.constant 0 : i32
        %parallel_loop3A_351 = arith.cmpi slt, %parallel_loop3A_347, %parallel_loop3A_350 : i32
        %parallel_loop3A_352 = arith.constant 0 : i32
        %parallel_loop3A_353 = arith.cmpi slt, %parallel_loop3A_346, %parallel_loop3A_352 : i32
        %parallel_loop3A_354 = arith.xori %parallel_loop3A_351, %parallel_loop3A_353 : i1
        %parallel_loop3A_355 = arith.andi %parallel_loop3A_354, %parallel_loop3A_349 : i1
        %parallel_loop3A_356 = arith.addi %parallel_loop3A_347, %parallel_loop3A_346 : i32
        %parallel_loop3A_357 = arith.select %parallel_loop3A_355, %parallel_loop3A_356, %parallel_loop3A_347 : i32
        %parallel_loop3A_358 = tpu.vector_load_idx %arg12[%add3A_3, %parallel_loop3A_317] : memref<128x72xf32, #tpu.memory_space<vmem>>[vector<16xi32>, vector<16xi32>], vector<16xf32>,
        %parallel_loop3A_359 = arith.index_cast %parallel_loop3A_341 : i32 to index
        %parallel_loop3A_360 = arith.index_cast %parallel_loop3A_357 : i32 to index
        %parallel_loop3A_361 = arith.constant 0 : index
        %parallel_loop3A_362 = tpu.vector_load %arg16[%parallel_loop3A_359, %parallel_loop3A_360, %parallel_loop3A_361] {strides = array<i32>} : memref<8x8x128xf32, #tpu.memory_space<vmem>>, vector<16xf32>,
        %parallel_loop3A_363 = arith.addf %parallel_loop3A_362, %parallel_loop3A_358 : vector<16xf32>
        %parallel_loop3A_364 = arith.index_cast %parallel_loop3A_341 : i32 to index
        %parallel_loop3A_365 = arith.index_cast %parallel_loop3A_357 : i32 to index
        %parallel_loop3A_366 = arith.constant 0 : index
        %parallel_loop3A_367 = tpu.vector_load %arg16[%parallel_loop3A_364, %parallel_loop3A_365, %parallel_loop3A_366] {strides = array<i32>} : memref<8x8x128xf32, #tpu.memory_space<vmem>>, vector<16xf32>,
        tpu.vector_store %arg16[%parallel_loop3A_364, %parallel_loop3A_365, %parallel_loop3A_366], %parallel_loop3A_363 {strides = array<i32>} : memref<8x8x128xf32, #tpu.memory_space<vmem>>, vector<16xf32>,
        %parallel_loop3A_368 = tpu.vector_load_idx %arg12[%add3A_6, %parallel_loop3A_317] : memref<128x72xf32, #tpu.memory_space<vmem>>[vector<16xi32>, vector<16xi32>], vector<16xf32>,
        %parallel_loop3A_369 = arith.index_cast %parallel_loop3A_341 : i32 to index
        %parallel_loop3A_370 = arith.index_cast %parallel_loop3A_357 : i32 to index
        %parallel_loop3A_371 = arith.constant 16 : index
        %parallel_loop3A_372 = tpu.vector_load %arg16[%parallel_loop3A_369, %parallel_loop3A_370, %parallel_loop3A_371] {strides = array<i32>} : memref<8x8x128xf32, #tpu.memory_space<vmem>>, vector<16xf32>,
        %parallel_loop3A_373 = arith.addf %parallel_loop3A_372, %parallel_loop3A_368 : vector<16xf32>
        %parallel_loop3A_374 = arith.index_cast %parallel_loop3A_341 : i32 to index
        %parallel_loop3A_375 = arith.index_cast %parallel_loop3A_357 : i32 to index
        %parallel_loop3A_376 = arith.constant 16 : index
        %parallel_loop3A_377 = tpu.vector_load %arg16[%parallel_loop3A_374, %parallel_loop3A_375, %parallel_loop3A_376] {strides = array<i32>} : memref<8x8x128xf32, #tpu.memory_space<vmem>>, vector<16xf32>,
        tpu.vector_store %arg16[%parallel_loop3A_374, %parallel_loop3A_375, %parallel_loop3A_376], %parallel_loop3A_373 {strides = array<i32>} : memref<8x8x128xf32, #tpu.memory_space<vmem>>, vector<16xf32>,
        %parallel_loop3A_378 = tpu.vector_load_idx %arg12[%add3A_9, %parallel_loop3A_317] : memref<128x72xf32, #tpu.memory_space<vmem>>[vector<16xi32>, vector<16xi32>], vector<16xf32>,
        %parallel_loop3A_379 = arith.index_cast %parallel_loop3A_341 : i32 to index
        %parallel_loop3A_380 = arith.index_cast %parallel_loop3A_357 : i32 to index
        %parallel_loop3A_381 = arith.constant 32 : index
        %parallel_loop3A_382 = tpu.vector_load %arg16[%parallel_loop3A_379, %parallel_loop3A_380, %parallel_loop3A_381] {strides = array<i32>} : memref<8x8x128xf32, #tpu.memory_space<vmem>>, vector<16xf32>,
        %parallel_loop3A_383 = arith.addf %parallel_loop3A_382, %parallel_loop3A_378 : vector<16xf32>
        %parallel_loop3A_384 = arith.index_cast %parallel_loop3A_341 : i32 to index
        %parallel_loop3A_385 = arith.index_cast %parallel_loop3A_357 : i32 to index
        %parallel_loop3A_386 = arith.constant 32 : index
        %parallel_loop3A_387 = tpu.vector_load %arg16[%parallel_loop3A_384, %parallel_loop3A_385, %parallel_loop3A_386] {strides = array<i32>} : memref<8x8x128xf32, #tpu.memory_space<vmem>>, vector<16xf32>,
        tpu.vector_store %arg16[%parallel_loop3A_384, %parallel_loop3A_385, %parallel_loop3A_386], %parallel_loop3A_383 {strides = array<i32>} : memref<8x8x128xf32, #tpu.memory_space<vmem>>, vector<16xf32>,
        %parallel_loop3A_388 = tpu.vector_load_idx %arg12[%add3A_12, %parallel_loop3A_317] : memref<128x72xf32, #tpu.memory_space<vmem>>[vector<16xi32>, vector<16xi32>], vector<16xf32>,
        %parallel_loop3A_389 = arith.index_cast %parallel_loop3A_341 : i32 to index
        %parallel_loop3A_390 = arith.index_cast %parallel_loop3A_357 : i32 to index
        %parallel_loop3A_391 = arith.constant 48 : index
        %parallel_loop3A_392 = tpu.vector_load %arg16[%parallel_loop3A_389, %parallel_loop3A_390, %parallel_loop3A_391] {strides = array<i32>} : memref<8x8x128xf32, #tpu.memory_space<vmem>>, vector<16xf32>,
        %parallel_loop3A_393 = arith.addf %parallel_loop3A_392, %parallel_loop3A_388 : vector<16xf32>
        %parallel_loop3A_394 = arith.index_cast %parallel_loop3A_341 : i32 to index
        %parallel_loop3A_395 = arith.index_cast %parallel_loop3A_357 : i32 to index
        %parallel_loop3A_396 = arith.constant 48 : index
        %parallel_loop3A_397 = tpu.vector_load %arg16[%parallel_loop3A_394, %parallel_loop3A_395, %parallel_loop3A_396] {strides = array<i32>} : memref<8x8x128xf32, #tpu.memory_space<vmem>>, vector<16xf32>,
        tpu.vector_store %arg16[%parallel_loop3A_394, %parallel_loop3A_395, %parallel_loop3A_396], %parallel_loop3A_393 {strides = array<i32>} : memref<8x8x128xf32, #tpu.memory_space<vmem>>, vector<16xf32>,
        %parallel_loop3A_398 = tpu.vector_load_idx %arg12[%add3A_15, %parallel_loop3A_317] : memref<128x72xf32, #tpu.memory_space<vmem>>[vector<16xi32>, vector<16xi32>], vector<16xf32>,
        %parallel_loop3A_399 = arith.index_cast %parallel_loop3A_341 : i32 to index
        %parallel_loop3A_400 = arith.index_cast %parallel_loop3A_357 : i32 to index
        %parallel_loop3A_401 = arith.constant 64 : index
        %parallel_loop3A_402 = tpu.vector_load %arg16[%parallel_loop3A_399, %parallel_loop3A_400, %parallel_loop3A_401] {strides = array<i32>} : memref<8x8x128xf32, #tpu.memory_space<vmem>>, vector<16xf32>,
        %parallel_loop3A_403 = arith.addf %parallel_loop3A_402, %parallel_loop3A_398 : vector<16xf32>
        %parallel_loop3A_404 = arith.index_cast %parallel_loop3A_341 : i32 to index
        %parallel_loop3A_405 = arith.index_cast %parallel_loop3A_357 : i32 to index
        %parallel_loop3A_406 = arith.constant 64 : index
        %parallel_loop3A_407 = tpu.vector_load %arg16[%parallel_loop3A_404, %parallel_loop3A_405, %parallel_loop3A_406] {strides = array<i32>} : memref<8x8x128xf32, #tpu.memory_space<vmem>>, vector<16xf32>,
        tpu.vector_store %arg16[%parallel_loop3A_404, %parallel_loop3A_405, %parallel_loop3A_406], %parallel_loop3A_403 {strides = array<i32>} : memref<8x8x128xf32, #tpu.memory_space<vmem>>, vector<16xf32>,
        %parallel_loop3A_408 = tpu.vector_load_idx %arg12[%add3A_18, %parallel_loop3A_317] : memref<128x72xf32, #tpu.memory_space<vmem>>[vector<16xi32>, vector<16xi32>], vector<16xf32>,
        %parallel_loop3A_409 = arith.index_cast %parallel_loop3A_341 : i32 to index
        %parallel_loop3A_410 = arith.index_cast %parallel_loop3A_357 : i32 to index
        %parallel_loop3A_411 = arith.constant 80 : index
        %parallel_loop3A_412 = tpu.vector_load %arg16[%parallel_loop3A_409, %parallel_loop3A_410, %parallel_loop3A_411] {strides = array<i32>} : memref<8x8x128xf32, #tpu.memory_space<vmem>>, vector<16xf32>,
        %parallel_loop3A_413 = arith.addf %parallel_loop3A_412, %parallel_loop3A_408 : vector<16xf32>
        %parallel_loop3A_414 = arith.index_cast %parallel_loop3A_341 : i32 to index
        %parallel_loop3A_415 = arith.index_cast %parallel_loop3A_357 : i32 to index
        %parallel_loop3A_416 = arith.constant 80 : index
        %parallel_loop3A_417 = tpu.vector_load %arg16[%parallel_loop3A_414, %parallel_loop3A_415, %parallel_loop3A_416] {strides = array<i32>} : memref<8x8x128xf32, #tpu.memory_space<vmem>>, vector<16xf32>,
        tpu.vector_store %arg16[%parallel_loop3A_414, %parallel_loop3A_415, %parallel_loop3A_416], %parallel_loop3A_413 {strides = array<i32>} : memref<8x8x128xf32, #tpu.memory_space<vmem>>, vector<16xf32>,
        %parallel_loop3A_418 = tpu.vector_load_idx %arg12[%add3A_21, %parallel_loop3A_317] : memref<128x72xf32, #tpu.memory_space<vmem>>[vector<16xi32>, vector<16xi32>], vector<16xf32>,
        %parallel_loop3A_419 = arith.index_cast %parallel_loop3A_341 : i32 to index
        %parallel_loop3A_420 = arith.index_cast %parallel_loop3A_357 : i32 to index
        %parallel_loop3A_421 = arith.constant 96 : index
        %parallel_loop3A_422 = tpu.vector_load %arg16[%parallel_loop3A_419, %parallel_loop3A_420, %parallel_loop3A_421] {strides = array<i32>} : memref<8x8x128xf32, #tpu.memory_space<vmem>>, vector<16xf32>,
        %parallel_loop3A_423 = arith.addf %parallel_loop3A_422, %parallel_loop3A_418 : vector<16xf32>
        %parallel_loop3A_424 = arith.index_cast %parallel_loop3A_341 : i32 to index
        %parallel_loop3A_425 = arith.index_cast %parallel_loop3A_357 : i32 to index
        %parallel_loop3A_426 = arith.constant 96 : index
        %parallel_loop3A_427 = tpu.vector_load %arg16[%parallel_loop3A_424, %parallel_loop3A_425, %parallel_loop3A_426] {strides = array<i32>} : memref<8x8x128xf32, #tpu.memory_space<vmem>>, vector<16xf32>,
        tpu.vector_store %arg16[%parallel_loop3A_424, %parallel_loop3A_425, %parallel_loop3A_426], %parallel_loop3A_423 {strides = array<i32>} : memref<8x8x128xf32, #tpu.memory_space<vmem>>, vector<16xf32>,
        %parallel_loop3A_428 = tpu.vector_load_idx %arg12[%add3A_24, %parallel_loop3A_317] : memref<128x72xf32, #tpu.memory_space<vmem>>[vector<16xi32>, vector<16xi32>], vector<16xf32>,
        %parallel_loop3A_429 = arith.index_cast %parallel_loop3A_341 : i32 to index
        %parallel_loop3A_430 = arith.index_cast %parallel_loop3A_357 : i32 to index
        %parallel_loop3A_431 = arith.constant 112 : index
        %parallel_loop3A_432 = tpu.vector_load %arg16[%parallel_loop3A_429, %parallel_loop3A_430, %parallel_loop3A_431] {strides = array<i32>} : memref<8x8x128xf32, #tpu.memory_space<vmem>>, vector<16xf32>,
        %parallel_loop3A_433 = arith.addf %parallel_loop3A_432, %parallel_loop3A_428 : vector<16xf32>
        %parallel_loop3A_434 = arith.index_cast %parallel_loop3A_341 : i32 to index
        %parallel_loop3A_435 = arith.index_cast %parallel_loop3A_357 : i32 to index
        %parallel_loop3A_436 = arith.constant 112 : index
        %parallel_loop3A_437 = tpu.vector_load %arg16[%parallel_loop3A_434, %parallel_loop3A_435, %parallel_loop3A_436] {strides = array<i32>} : memref<8x8x128xf32, #tpu.memory_space<vmem>>, vector<16xf32>,
        tpu.vector_store %arg16[%parallel_loop3A_434, %parallel_loop3A_435, %parallel_loop3A_436], %parallel_loop3A_433 {strides = array<i32>} : memref<8x8x128xf32, #tpu.memory_space<vmem>>, vector<16xf32>,
      } {sc.loop_unroll_factor = 2 : i64, sc.parallel_access}
      %dma_start3A_239 = arith.constant 0 : i32
      %dma_start3A_240 = arith.constant 0 : i32
      %dma_start3A_241 = arith.constant 0 : i32
      %dma_start3A_242 = tpu.memref_slice %arg5[%add3A_213, %dma_start3A_239, %add3A, %dma_start3A_240, %dma_start3A_241] : memref<200x8x32x8x128xf32, #tpu.memory_space<hbm>> -> memref<1x8x1x8x128xf32, #tpu.memory_space<hbm>>
      %dma_start3A_243 = tpu.memref_squeeze %dma_start3A_242 : memref<1x8x1x8x128xf32, #tpu.memory_space<hbm>> -> memref<8x8x128xf32, #tpu.memory_space<hbm>>
      %dma_start3A_244 = arith.constant 0 : i32
      %dma_start3A_245 = arith.constant 0 : i32
      %dma_start3A_246 = arith.constant 0 : i32
      %dma_start3A_247 = tpu.memref_slice %arg5[%add3A_213, %dma_start3A_244, %add3A, %dma_start3A_245, %dma_start3A_246] : memref<200x8x32x8x128xf32, #tpu.memory_space<hbm>> -> memref<1x8x1x8x128xf32, #tpu.memory_space<hbm>>
      %dma_start3A_248 = tpu.memref_squeeze %dma_start3A_247 : memref<1x8x1x8x128xf32, #tpu.memory_space<hbm>> -> memref<8x8x128xf32, #tpu.memory_space<hbm>>
      tpu.enqueue_dma source(%arg16 : memref<8x8x128xf32, #tpu.memory_space<vmem>>) target(%dma_start3A_248 : memref<8x8x128xf32, #tpu.memory_space<hbm>>) target_semaphore(%arg32 : memref<!tpu.dma_semaphore, #tpu.memory_space<semaphore_mem>>)
      %ge3A_249 = arith.constant 1 : i32
      %ge3A_250 = arith.cmpi sge, %add3A_213, %ge3A_249 : i32
      %convert_element_type3A_251 = arith.extui %ge3A_250 : i1 to i32
      %cond3A_252 = arith.constant 0 : i32
      %cond3A_253 = arith.cmpi ne, %convert_element_type3A_251, %cond3A_252 : i32
      scf.if %cond3A_253 {
        %dma_wait3A_316 = arith.constant 0 : i32
        %dma_wait3A_317 = arith.constant 0 : i32
        %dma_wait3A_318 = arith.constant 0 : i32
        %dma_wait3A_319 = arith.constant 0 : i32
        %dma_wait3A_320 = arith.constant 0 : i32
        %dma_wait3A_321 = tpu.memref_slice %arg5[%dma_wait3A_316, %dma_wait3A_318, %dma_wait3A_317, %dma_wait3A_319, %dma_wait3A_320] : memref<200x8x32x8x128xf32, #tpu.memory_space<hbm>> -> memref<1x8x1x8x128xf32, #tpu.memory_space<hbm>>
        %dma_wait3A_322 = tpu.memref_squeeze %dma_wait3A_321 : memref<1x8x1x8x128xf32, #tpu.memory_space<hbm>> -> memref<8x8x128xf32, #tpu.memory_space<hbm>>
        %dma_wait3A_323 = arith.constant 0 : i32
        %dma_wait3A_324 = arith.constant 0 : i32
        %dma_wait3A_325 = arith.constant 0 : i32
        %dma_wait3A_326 = tpu.memref_slice %arg5[%dma_wait3A_316, %dma_wait3A_323, %dma_wait3A_317, %dma_wait3A_324, %dma_wait3A_325] : memref<200x8x32x8x128xf32, #tpu.memory_space<hbm>> -> memref<1x8x1x8x128xf32, #tpu.memory_space<hbm>>
        %dma_wait3A_327 = tpu.memref_squeeze %dma_wait3A_326 : memref<1x8x1x8x128xf32, #tpu.memory_space<hbm>> -> memref<8x8x128xf32, #tpu.memory_space<hbm>>
        tpu.wait_dma2 semaphore(%arg31 : memref<!tpu.dma_semaphore, #tpu.memory_space<semaphore_mem>>) src(%arg15 : memref<8x8x128xf32, #tpu.memory_space<vmem>>) dst(%dma_wait3A_327 : memref<8x8x128xf32, #tpu.memory_space<hbm>>)
      } else {
      }
      %add3A_254 = arith.constant 4 : i32
      %add3A_255 = arith.addi %add3A_213, %add3A_254 : i32
      %sub3A_256 = arith.constant 1 : i32
      %sub3A_257 = arith.subi %add3A_255, %sub3A_256 : i32
      %lt3A_258 = arith.constant 200 : i32
      %lt3A_259 = arith.cmpi slt, %sub3A_257, %lt3A_258 : i32
      %convert_element_type3A_260 = arith.extui %lt3A_259 : i1 to i32
      %cond3A_261 = arith.constant 0 : i32
      %cond3A_262 = arith.cmpi ne, %convert_element_type3A_260, %cond3A_261 : i32
      scf.if %cond3A_262 {
        %add3A_316 = arith.constant 4 : i32
        %add3A_317 = arith.addi %add3A_213, %add3A_316 : i32
        %sub3A_318 = arith.constant 1 : i32
        %sub3A_319 = arith.subi %add3A_317, %sub3A_318 : i32
        %jit3A = arith.constant 8 : i32
        %div3A = arith.divsi %sub3A_319, %jit3A : i32
        %sign3A = arith.constant 0 : i32
        %sign3A_320 = arith.cmpi sgt, %sub3A_319, %sign3A : i32
        %sign3A_321 = arith.extui %sign3A_320 : i1 to i32
        %sign3A_322 = arith.constant 0 : i32
        %sign3A_323 = arith.cmpi slt, %sub3A_319, %sign3A_322 : i32
        %sign3A_324 = arith.extui %sign3A_323 : i1 to i32
        %sign3A_325 = arith.subi %sign3A_321, %sign3A_324 : i32
        %sign3A_326 = arith.constant 0 : i32
        %sign3A_327 = arith.cmpi sgt, %jit3A, %sign3A_326 : i32
        %sign3A_328 = arith.extui %sign3A_327 : i1 to i32
        %sign3A_329 = arith.constant 0 : i32
        %sign3A_330 = arith.cmpi slt, %jit3A, %sign3A_329 : i32
        %sign3A_331 = arith.extui %sign3A_330 : i1 to i32
        %sign3A_332 = arith.subi %sign3A_328, %sign3A_331 : i32
        %ne3A = arith.cmpi ne, %sign3A_325, %sign3A_332 : i32
        %rem3A = arith.remsi %sub3A_319, %jit3A : i32
        %ne3A_333 = arith.constant 0 : i32
        %ne3A_334 = arith.cmpi ne, %rem3A, %ne3A_333 : i32
        %and3A = arith.andi %ne3A, %ne3A_334 : i1
        %sub3A_335 = arith.constant 1 : i32
        %sub3A_336 = arith.subi %div3A, %sub3A_335 : i32
        %select_n3A = arith.select %and3A, %sub3A_336, %div3A : i32
        %jit3A_337 = arith.constant 8 : i32
        %eq3A = arith.constant 0 : i32
        %eq3A_338 = arith.cmpi eq, %jit3A_337, %eq3A : i32
        %jit3A_339 = arith.constant 1 : i32
        %select_n3A_340 = arith.select %eq3A_338, %jit3A_339, %jit3A_337 : i32
        %rem3A_341 = arith.remsi %sub3A_319, %select_n3A_340 : i32
        %ne3A_342 = arith.constant 0 : i32
        %ne3A_343 = arith.cmpi ne, %rem3A_341, %ne3A_342 : i32
        %lt3A_344 = arith.constant 0 : i32
        %lt3A_345 = arith.cmpi slt, %rem3A_341, %lt3A_344 : i32
        %lt3A_346 = arith.constant 0 : i32
        %lt3A_347 = arith.cmpi slt, %select_n3A_340, %lt3A_346 : i32
        %ne3A_348 = arith.xori %lt3A_345, %lt3A_347 : i1
        %and3A_349 = arith.andi %ne3A_348, %ne3A_343 : i1
        %add3A_350 = arith.addi %rem3A_341, %select_n3A_340 : i32
        %select_n3A_351 = arith.select %and3A_349, %add3A_350, %rem3A_341 : i32
        %dma_start3A_352 = arith.constant 0 : i32
        %dma_start3A_353 = tpu.memref_slice %arg3[%select_n3A, %add3A, %select_n3A_351, %dma_start3A_352] : memref<25x32x8x128xi32, #tpu.memory_space<hbm>> -> memref<1x1x1x128xi32, #tpu.memory_space<hbm>>
        %dma_start3A_354 = tpu.memref_squeeze %dma_start3A_353 : memref<1x1x1x128xi32, #tpu.memory_space<hbm>> -> memref<128xi32, #tpu.memory_space<hbm>>
        %dma_start3A_355 = arith.constant 0 : i32
        %dma_start3A_356 = tpu.memref_slice %arg3[%select_n3A, %add3A, %select_n3A_351, %dma_start3A_355] : memref<25x32x8x128xi32, #tpu.memory_space<hbm>> -> memref<1x1x1x128xi32, #tpu.memory_space<hbm>>
        %dma_start3A_357 = tpu.memref_squeeze %dma_start3A_356 : memref<1x1x1x128xi32, #tpu.memory_space<hbm>> -> memref<128xi32, #tpu.memory_space<hbm>>
        tpu.enqueue_dma source(%dma_start3A_357 : memref<128xi32, #tpu.memory_space<hbm>>) target(%arg7 : memref<128xi32, #tpu.memory_space<vmem>>) target_semaphore(%arg19 : memref<!tpu.dma_semaphore, #tpu.memory_space<semaphore_mem>>)
        %dma_start3A_358 = arith.constant 0 : i32
        %dma_start3A_359 = arith.constant 0 : i32
        %dma_start3A_360 = arith.constant 0 : i32
        %dma_start3A_361 = tpu.memref_slice %arg2[%sub3A_319, %dma_start3A_358, %add3A, %dma_start3A_359, %dma_start3A_360] : memref<200x8x32x8x128xf32, #tpu.memory_space<hbm>> -> memref<1x8x1x8x128xf32, #tpu.memory_space<hbm>>
        %dma_start3A_362 = tpu.memref_squeeze %dma_start3A_361 : memref<1x8x1x8x128xf32, #tpu.memory_space<hbm>> -> memref<8x8x128xf32, #tpu.memory_space<hbm>>
        %dma_start3A_363 = arith.constant 0 : i32
        %dma_start3A_364 = arith.constant 0 : i32
        %dma_start3A_365 = arith.constant 0 : i32
        %dma_start3A_366 = tpu.memref_slice %arg2[%sub3A_319, %dma_start3A_363, %add3A, %dma_start3A_364, %dma_start3A_365] : memref<200x8x32x8x128xf32, #tpu.memory_space<hbm>> -> memref<1x8x1x8x128xf32, #tpu.memory_space<hbm>>
        %dma_start3A_367 = tpu.memref_squeeze %dma_start3A_366 : memref<1x8x1x8x128xf32, #tpu.memory_space<hbm>> -> memref<8x8x128xf32, #tpu.memory_space<hbm>>
        tpu.enqueue_dma source(%dma_start3A_367 : memref<8x8x128xf32, #tpu.memory_space<hbm>>) target(%arg15 : memref<8x8x128xf32, #tpu.memory_space<vmem>>) target_semaphore(%arg23 : memref<!tpu.dma_semaphore, #tpu.memory_space<semaphore_mem>>)
      } else {
      }
      %mul3A_263 = arith.constant 4 : i32
      %mul3A_264 = arith.muli %scan3A_109, %mul3A_263 : i32
      %add3A_265 = arith.constant 3 : i32
      %add3A_266 = arith.addi %mul3A_264, %add3A_265 : i32
      %add3A_267 = arith.constant 1 : i32
      %add3A_268 = arith.addi %add3A_266, %add3A_267 : i32
      %lt3A_269 = arith.constant 200 : i32
      %lt3A_270 = arith.cmpi slt, %add3A_268, %lt3A_269 : i32
      %convert_element_type3A_271 = arith.extui %lt3A_270 : i1 to i32
      %cond3A_272 = arith.constant 0 : i32
      %cond3A_273 = arith.cmpi ne, %convert_element_type3A_271, %cond3A_272 : i32
      scf.if %cond3A_273 {
        %dma_wait3A_316 = arith.constant 0 : i32
        %dma_wait3A_317 = arith.constant 0 : i32
        %dma_wait3A_318 = arith.constant 0 : i32
        %dma_wait3A_319 = arith.constant 0 : i32
        %dma_wait3A_320 = tpu.memref_slice %arg3[%dma_wait3A_316, %dma_wait3A_317, %dma_wait3A_318, %dma_wait3A_319] : memref<25x32x8x128xi32, #tpu.memory_space<hbm>> -> memref<1x1x1x128xi32, #tpu.memory_space<hbm>>
        %dma_wait3A_321 = tpu.memref_squeeze %dma_wait3A_320 : memref<1x1x1x128xi32, #tpu.memory_space<hbm>> -> memref<128xi32, #tpu.memory_space<hbm>>
        %dma_wait3A_322 = arith.constant 0 : i32
        %dma_wait3A_323 = tpu.memref_slice %arg3[%dma_wait3A_316, %dma_wait3A_317, %dma_wait3A_318, %dma_wait3A_322] : memref<25x32x8x128xi32, #tpu.memory_space<hbm>> -> memref<1x1x1x128xi32, #tpu.memory_space<hbm>>
        %dma_wait3A_324 = tpu.memref_squeeze %dma_wait3A_323 : memref<1x1x1x128xi32, #tpu.memory_space<hbm>> -> memref<128xi32, #tpu.memory_space<hbm>>
        tpu.wait_dma2 semaphore(%arg18 : memref<!tpu.dma_semaphore, #tpu.memory_space<semaphore_mem>>) src(%dma_wait3A_324 : memref<128xi32, #tpu.memory_space<hbm>>) dst(%arg6 : memref<128xi32, #tpu.memory_space<vmem>>)
        %dma_start3A_325 = arith.constant 0 : i32
        %dma_start3A_326 = arith.constant 0 : i32
        %dma_start3A_327 = tpu.memref_slice %arg4[%dma_start3A_325, %dma_start3A_326] : memref<100000x72xf32, #tpu.memory_space<hbm>> -> memref<100000x72xf32, #tpu.memory_space<hbm>>
        tpu.enqueue_indirect_dma source(%dma_start3A_327 : memref<100000x72xf32, #tpu.memory_space<hbm>>) target(%arg10 : memref<128x72xf32, #tpu.memory_space<vmem>>) offsets(%arg6 : memref<128xi32, #tpu.memory_space<vmem>>) semaphore(%arg26 : memref<!tpu.dma_semaphore, #tpu.memory_space<semaphore_mem>>)
      } else {
      }
      %dma_wait3A_274 = arith.constant 0 : i32
      %dma_wait3A_275 = arith.constant 0 : i32
      %dma_wait3A_276 = arith.constant 0 : i32
      %dma_wait3A_277 = arith.constant 0 : i32
      %dma_wait3A_278 = arith.constant 0 : i32
      %dma_wait3A_279 = tpu.memref_slice %arg2[%dma_wait3A_274, %dma_wait3A_276, %dma_wait3A_275, %dma_wait3A_277, %dma_wait3A_278] : memref<200x8x32x8x128xf32, #tpu.memory_space<hbm>> -> memref<1x8x1x8x128xf32, #tpu.memory_space<hbm>>
      %dma_wait3A_280 = tpu.memref_squeeze %dma_wait3A_279 : memref<1x8x1x8x128xf32, #tpu.memory_space<hbm>> -> memref<8x8x128xf32, #tpu.memory_space<hbm>>
      %dma_wait3A_281 = arith.constant 0 : i32
      %dma_wait3A_282 = arith.constant 0 : i32
      %dma_wait3A_283 = arith.constant 0 : i32
      %dma_wait3A_284 = tpu.memref_slice %arg2[%dma_wait3A_274, %dma_wait3A_281, %dma_wait3A_275, %dma_wait3A_282, %dma_wait3A_283] : memref<200x8x32x8x128xf32, #tpu.memory_space<hbm>> -> memref<1x8x1x8x128xf32, #tpu.memory_space<hbm>>
      %dma_wait3A_285 = tpu.memref_squeeze %dma_wait3A_284 : memref<1x8x1x8x128xf32, #tpu.memory_space<hbm>> -> memref<8x8x128xf32, #tpu.memory_space<hbm>>
      tpu.wait_dma2 semaphore(%arg25 : memref<!tpu.dma_semaphore, #tpu.memory_space<semaphore_mem>>) src(%dma_wait3A_285 : memref<8x8x128xf32, #tpu.memory_space<hbm>>) dst(%arg17 : memref<8x8x128xf32, #tpu.memory_space<vmem>>)
      %dma_wait3A_286 = arith.constant 0 : i32
      %dma_wait3A_287 = arith.constant 0 : i32
      %dma_wait3A_288 = tpu.memref_slice %arg4[%dma_wait3A_286, %dma_wait3A_287] : memref<100000x72xf32, #tpu.memory_space<hbm>> -> memref<100000x72xf32, #tpu.memory_space<hbm>>
      tpu.wait_indirect_dma semaphore(%arg29 : memref<!tpu.dma_semaphore, #tpu.memory_space<semaphore_mem>>) src(%dma_wait3A_288 : memref<100000x72xf32, #tpu.memory_space<hbm>>) dst(%arg13 : memref<128x72xf32, #tpu.memory_space<vmem>>)
      %parallel_loop3A_289 = arith.constant 0 : i32
      %parallel_loop3A_290 = arith.constant 64 : i32
      %parallel_loop3A_291 = arith.constant 1 : i32
      scf.for %parallel_loop3A_316 = %parallel_loop3A_289 to %parallel_loop3A_290 step %parallel_loop3A_291  : i32 {
        %parallel_loop3A_317 = vector.broadcast %parallel_loop3A_316 : i32 to vector<16xi32>
        %parallel_loop3A_318 = arith.constant 8 : i32
        %parallel_loop3A_319 = arith.divsi %parallel_loop3A_316, %parallel_loop3A_318 : i32
        %parallel_loop3A_320 = arith.constant 0 : i32
        %parallel_loop3A_321 = arith.cmpi sgt, %parallel_loop3A_316, %parallel_loop3A_320 : i32
        %parallel_loop3A_322 = arith.extui %parallel_loop3A_321 : i1 to i32
        %parallel_loop3A_323 = arith.constant 0 : i32
        %parallel_loop3A_324 = arith.cmpi slt, %parallel_loop3A_316, %parallel_loop3A_323 : i32
        %parallel_loop3A_325 = arith.extui %parallel_loop3A_324 : i1 to i32
        %parallel_loop3A_326 = arith.subi %parallel_loop3A_322, %parallel_loop3A_325 : i32
        %parallel_loop3A_327 = arith.constant 0 : i32
        %parallel_loop3A_328 = arith.cmpi sgt, %parallel_loop3A_318, %parallel_loop3A_327 : i32
        %parallel_loop3A_329 = arith.extui %parallel_loop3A_328 : i1 to i32
        %parallel_loop3A_330 = arith.constant 0 : i32
        %parallel_loop3A_331 = arith.cmpi slt, %parallel_loop3A_318, %parallel_loop3A_330 : i32
        %parallel_loop3A_332 = arith.extui %parallel_loop3A_331 : i1 to i32
        %parallel_loop3A_333 = arith.subi %parallel_loop3A_329, %parallel_loop3A_332 : i32
        %parallel_loop3A_334 = arith.cmpi ne, %parallel_loop3A_326, %parallel_loop3A_333 : i32
        %parallel_loop3A_335 = arith.remsi %parallel_loop3A_316, %parallel_loop3A_318 : i32
        %parallel_loop3A_336 = arith.constant 0 : i32
        %parallel_loop3A_337 = arith.cmpi ne, %parallel_loop3A_335, %parallel_loop3A_336 : i32
        %parallel_loop3A_338 = arith.andi %parallel_loop3A_334, %parallel_loop3A_337 : i1
        %parallel_loop3A_339 = arith.constant 1 : i32
        %parallel_loop3A_340 = arith.subi %parallel_loop3A_319, %parallel_loop3A_339 : i32
        %parallel_loop3A_341 = arith.select %parallel_loop3A_338, %parallel_loop3A_340, %parallel_loop3A_319 : i32
        %parallel_loop3A_342 = arith.constant 8 : i32
        %parallel_loop3A_343 = arith.constant 0 : i32
        %parallel_loop3A_344 = arith.cmpi eq, %parallel_loop3A_342, %parallel_loop3A_343 : i32
        %parallel_loop3A_345 = arith.constant 1 : i32
        %parallel_loop3A_346 = arith.select %parallel_loop3A_344, %parallel_loop3A_345, %parallel_loop3A_342 : i32
        %parallel_loop3A_347 = arith.remsi %parallel_loop3A_316, %parallel_loop3A_346 : i32
        %parallel_loop3A_348 = arith.constant 0 : i32
        %parallel_loop3A_349 = arith.cmpi ne, %parallel_loop3A_347, %parallel_loop3A_348 : i32
        %parallel_loop3A_350 = arith.constant 0 : i32
        %parallel_loop3A_351 = arith.cmpi slt, %parallel_loop3A_347, %parallel_loop3A_350 : i32
        %parallel_loop3A_352 = arith.constant 0 : i32
        %parallel_loop3A_353 = arith.cmpi slt, %parallel_loop3A_346, %parallel_loop3A_352 : i32
        %parallel_loop3A_354 = arith.xori %parallel_loop3A_351, %parallel_loop3A_353 : i1
        %parallel_loop3A_355 = arith.andi %parallel_loop3A_354, %parallel_loop3A_349 : i1
        %parallel_loop3A_356 = arith.addi %parallel_loop3A_347, %parallel_loop3A_346 : i32
        %parallel_loop3A_357 = arith.select %parallel_loop3A_355, %parallel_loop3A_356, %parallel_loop3A_347 : i32
        %parallel_loop3A_358 = tpu.vector_load_idx %arg13[%add3A_3, %parallel_loop3A_317] : memref<128x72xf32, #tpu.memory_space<vmem>>[vector<16xi32>, vector<16xi32>], vector<16xf32>,
        %parallel_loop3A_359 = arith.index_cast %parallel_loop3A_341 : i32 to index
        %parallel_loop3A_360 = arith.index_cast %parallel_loop3A_357 : i32 to index
        %parallel_loop3A_361 = arith.constant 0 : index
        %parallel_loop3A_362 = tpu.vector_load %arg17[%parallel_loop3A_359, %parallel_loop3A_360, %parallel_loop3A_361] {strides = array<i32>} : memref<8x8x128xf32, #tpu.memory_space<vmem>>, vector<16xf32>,
        %parallel_loop3A_363 = arith.addf %parallel_loop3A_362, %parallel_loop3A_358 : vector<16xf32>
        %parallel_loop3A_364 = arith.index_cast %parallel_loop3A_341 : i32 to index
        %parallel_loop3A_365 = arith.index_cast %parallel_loop3A_357 : i32 to index
        %parallel_loop3A_366 = arith.constant 0 : index
        %parallel_loop3A_367 = tpu.vector_load %arg17[%parallel_loop3A_364, %parallel_loop3A_365, %parallel_loop3A_366] {strides = array<i32>} : memref<8x8x128xf32, #tpu.memory_space<vmem>>, vector<16xf32>,
        tpu.vector_store %arg17[%parallel_loop3A_364, %parallel_loop3A_365, %parallel_loop3A_366], %parallel_loop3A_363 {strides = array<i32>} : memref<8x8x128xf32, #tpu.memory_space<vmem>>, vector<16xf32>,
        %parallel_loop3A_368 = tpu.vector_load_idx %arg13[%add3A_6, %parallel_loop3A_317] : memref<128x72xf32, #tpu.memory_space<vmem>>[vector<16xi32>, vector<16xi32>], vector<16xf32>,
        %parallel_loop3A_369 = arith.index_cast %parallel_loop3A_341 : i32 to index
        %parallel_loop3A_370 = arith.index_cast %parallel_loop3A_357 : i32 to index
        %parallel_loop3A_371 = arith.constant 16 : index
        %parallel_loop3A_372 = tpu.vector_load %arg17[%parallel_loop3A_369, %parallel_loop3A_370, %parallel_loop3A_371] {strides = array<i32>} : memref<8x8x128xf32, #tpu.memory_space<vmem>>, vector<16xf32>,
        %parallel_loop3A_373 = arith.addf %parallel_loop3A_372, %parallel_loop3A_368 : vector<16xf32>
        %parallel_loop3A_374 = arith.index_cast %parallel_loop3A_341 : i32 to index
        %parallel_loop3A_375 = arith.index_cast %parallel_loop3A_357 : i32 to index
        %parallel_loop3A_376 = arith.constant 16 : index
        %parallel_loop3A_377 = tpu.vector_load %arg17[%parallel_loop3A_374, %parallel_loop3A_375, %parallel_loop3A_376] {strides = array<i32>} : memref<8x8x128xf32, #tpu.memory_space<vmem>>, vector<16xf32>,
        tpu.vector_store %arg17[%parallel_loop3A_374, %parallel_loop3A_375, %parallel_loop3A_376], %parallel_loop3A_373 {strides = array<i32>} : memref<8x8x128xf32, #tpu.memory_space<vmem>>, vector<16xf32>,
        %parallel_loop3A_378 = tpu.vector_load_idx %arg13[%add3A_9, %parallel_loop3A_317] : memref<128x72xf32, #tpu.memory_space<vmem>>[vector<16xi32>, vector<16xi32>], vector<16xf32>,
        %parallel_loop3A_379 = arith.index_cast %parallel_loop3A_341 : i32 to index
        %parallel_loop3A_380 = arith.index_cast %parallel_loop3A_357 : i32 to index
        %parallel_loop3A_381 = arith.constant 32 : index
        %parallel_loop3A_382 = tpu.vector_load %arg17[%parallel_loop3A_379, %parallel_loop3A_380, %parallel_loop3A_381] {strides = array<i32>} : memref<8x8x128xf32, #tpu.memory_space<vmem>>, vector<16xf32>,
        %parallel_loop3A_383 = arith.addf %parallel_loop3A_382, %parallel_loop3A_378 : vector<16xf32>
        %parallel_loop3A_384 = arith.index_cast %parallel_loop3A_341 : i32 to index
        %parallel_loop3A_385 = arith.index_cast %parallel_loop3A_357 : i32 to index
        %parallel_loop3A_386 = arith.constant 32 : index
        %parallel_loop3A_387 = tpu.vector_load %arg17[%parallel_loop3A_384, %parallel_loop3A_385, %parallel_loop3A_386] {strides = array<i32>} : memref<8x8x128xf32, #tpu.memory_space<vmem>>, vector<16xf32>,
        tpu.vector_store %arg17[%parallel_loop3A_384, %parallel_loop3A_385, %parallel_loop3A_386], %parallel_loop3A_383 {strides = array<i32>} : memref<8x8x128xf32, #tpu.memory_space<vmem>>, vector<16xf32>,
        %parallel_loop3A_388 = tpu.vector_load_idx %arg13[%add3A_12, %parallel_loop3A_317] : memref<128x72xf32, #tpu.memory_space<vmem>>[vector<16xi32>, vector<16xi32>], vector<16xf32>,
        %parallel_loop3A_389 = arith.index_cast %parallel_loop3A_341 : i32 to index
        %parallel_loop3A_390 = arith.index_cast %parallel_loop3A_357 : i32 to index
        %parallel_loop3A_391 = arith.constant 48 : index
        %parallel_loop3A_392 = tpu.vector_load %arg17[%parallel_loop3A_389, %parallel_loop3A_390, %parallel_loop3A_391] {strides = array<i32>} : memref<8x8x128xf32, #tpu.memory_space<vmem>>, vector<16xf32>,
        %parallel_loop3A_393 = arith.addf %parallel_loop3A_392, %parallel_loop3A_388 : vector<16xf32>
        %parallel_loop3A_394 = arith.index_cast %parallel_loop3A_341 : i32 to index
        %parallel_loop3A_395 = arith.index_cast %parallel_loop3A_357 : i32 to index
        %parallel_loop3A_396 = arith.constant 48 : index
        %parallel_loop3A_397 = tpu.vector_load %arg17[%parallel_loop3A_394, %parallel_loop3A_395, %parallel_loop3A_396] {strides = array<i32>} : memref<8x8x128xf32, #tpu.memory_space<vmem>>, vector<16xf32>,
        tpu.vector_store %arg17[%parallel_loop3A_394, %parallel_loop3A_395, %parallel_loop3A_396], %parallel_loop3A_393 {strides = array<i32>} : memref<8x8x128xf32, #tpu.memory_space<vmem>>, vector<16xf32>,
        %parallel_loop3A_398 = tpu.vector_load_idx %arg13[%add3A_15, %parallel_loop3A_317] : memref<128x72xf32, #tpu.memory_space<vmem>>[vector<16xi32>, vector<16xi32>], vector<16xf32>,
        %parallel_loop3A_399 = arith.index_cast %parallel_loop3A_341 : i32 to index
        %parallel_loop3A_400 = arith.index_cast %parallel_loop3A_357 : i32 to index
        %parallel_loop3A_401 = arith.constant 64 : index
        %parallel_loop3A_402 = tpu.vector_load %arg17[%parallel_loop3A_399, %parallel_loop3A_400, %parallel_loop3A_401] {strides = array<i32>} : memref<8x8x128xf32, #tpu.memory_space<vmem>>, vector<16xf32>,
        %parallel_loop3A_403 = arith.addf %parallel_loop3A_402, %parallel_loop3A_398 : vector<16xf32>
        %parallel_loop3A_404 = arith.index_cast %parallel_loop3A_341 : i32 to index
        %parallel_loop3A_405 = arith.index_cast %parallel_loop3A_357 : i32 to index
        %parallel_loop3A_406 = arith.constant 64 : index
        %parallel_loop3A_407 = tpu.vector_load %arg17[%parallel_loop3A_404, %parallel_loop3A_405, %parallel_loop3A_406] {strides = array<i32>} : memref<8x8x128xf32, #tpu.memory_space<vmem>>, vector<16xf32>,
        tpu.vector_store %arg17[%parallel_loop3A_404, %parallel_loop3A_405, %parallel_loop3A_406], %parallel_loop3A_403 {strides = array<i32>} : memref<8x8x128xf32, #tpu.memory_space<vmem>>, vector<16xf32>,
        %parallel_loop3A_408 = tpu.vector_load_idx %arg13[%add3A_18, %parallel_loop3A_317] : memref<128x72xf32, #tpu.memory_space<vmem>>[vector<16xi32>, vector<16xi32>], vector<16xf32>,
        %parallel_loop3A_409 = arith.index_cast %parallel_loop3A_341 : i32 to index
        %parallel_loop3A_410 = arith.index_cast %parallel_loop3A_357 : i32 to index
        %parallel_loop3A_411 = arith.constant 80 : index
        %parallel_loop3A_412 = tpu.vector_load %arg17[%parallel_loop3A_409, %parallel_loop3A_410, %parallel_loop3A_411] {strides = array<i32>} : memref<8x8x128xf32, #tpu.memory_space<vmem>>, vector<16xf32>,
        %parallel_loop3A_413 = arith.addf %parallel_loop3A_412, %parallel_loop3A_408 : vector<16xf32>
        %parallel_loop3A_414 = arith.index_cast %parallel_loop3A_341 : i32 to index
        %parallel_loop3A_415 = arith.index_cast %parallel_loop3A_357 : i32 to index
        %parallel_loop3A_416 = arith.constant 80 : index
        %parallel_loop3A_417 = tpu.vector_load %arg17[%parallel_loop3A_414, %parallel_loop3A_415, %parallel_loop3A_416] {strides = array<i32>} : memref<8x8x128xf32, #tpu.memory_space<vmem>>, vector<16xf32>,
        tpu.vector_store %arg17[%parallel_loop3A_414, %parallel_loop3A_415, %parallel_loop3A_416], %parallel_loop3A_413 {strides = array<i32>} : memref<8x8x128xf32, #tpu.memory_space<vmem>>, vector<16xf32>,
        %parallel_loop3A_418 = tpu.vector_load_idx %arg13[%add3A_21, %parallel_loop3A_317] : memref<128x72xf32, #tpu.memory_space<vmem>>[vector<16xi32>, vector<16xi32>], vector<16xf32>,
        %parallel_loop3A_419 = arith.index_cast %parallel_loop3A_341 : i32 to index
        %parallel_loop3A_420 = arith.index_cast %parallel_loop3A_357 : i32 to index
        %parallel_loop3A_421 = arith.constant 96 : index
        %parallel_loop3A_422 = tpu.vector_load %arg17[%parallel_loop3A_419, %parallel_loop3A_420, %parallel_loop3A_421] {strides = array<i32>} : memref<8x8x128xf32, #tpu.memory_space<vmem>>, vector<16xf32>,
        %parallel_loop3A_423 = arith.addf %parallel_loop3A_422, %parallel_loop3A_418 : vector<16xf32>
        %parallel_loop3A_424 = arith.index_cast %parallel_loop3A_341 : i32 to index
        %parallel_loop3A_425 = arith.index_cast %parallel_loop3A_357 : i32 to index
        %parallel_loop3A_426 = arith.constant 96 : index
        %parallel_loop3A_427 = tpu.vector_load %arg17[%parallel_loop3A_424, %parallel_loop3A_425, %parallel_loop3A_426] {strides = array<i32>} : memref<8x8x128xf32, #tpu.memory_space<vmem>>, vector<16xf32>,
        tpu.vector_store %arg17[%parallel_loop3A_424, %parallel_loop3A_425, %parallel_loop3A_426], %parallel_loop3A_423 {strides = array<i32>} : memref<8x8x128xf32, #tpu.memory_space<vmem>>, vector<16xf32>,
        %parallel_loop3A_428 = tpu.vector_load_idx %arg13[%add3A_24, %parallel_loop3A_317] : memref<128x72xf32, #tpu.memory_space<vmem>>[vector<16xi32>, vector<16xi32>], vector<16xf32>,
        %parallel_loop3A_429 = arith.index_cast %parallel_loop3A_341 : i32 to index
        %parallel_loop3A_430 = arith.index_cast %parallel_loop3A_357 : i32 to index
        %parallel_loop3A_431 = arith.constant 112 : index
        %parallel_loop3A_432 = tpu.vector_load %arg17[%parallel_loop3A_429, %parallel_loop3A_430, %parallel_loop3A_431] {strides = array<i32>} : memref<8x8x128xf32, #tpu.memory_space<vmem>>, vector<16xf32>,
        %parallel_loop3A_433 = arith.addf %parallel_loop3A_432, %parallel_loop3A_428 : vector<16xf32>
        %parallel_loop3A_434 = arith.index_cast %parallel_loop3A_341 : i32 to index
        %parallel_loop3A_435 = arith.index_cast %parallel_loop3A_357 : i32 to index
        %parallel_loop3A_436 = arith.constant 112 : index
        %parallel_loop3A_437 = tpu.vector_load %arg17[%parallel_loop3A_434, %parallel_loop3A_435, %parallel_loop3A_436] {strides = array<i32>} : memref<8x8x128xf32, #tpu.memory_space<vmem>>, vector<16xf32>,
        tpu.vector_store %arg17[%parallel_loop3A_434, %parallel_loop3A_435, %parallel_loop3A_436], %parallel_loop3A_433 {strides = array<i32>} : memref<8x8x128xf32, #tpu.memory_space<vmem>>, vector<16xf32>,
      } {sc.loop_unroll_factor = 2 : i64, sc.parallel_access}
      %dma_start3A_292 = arith.constant 0 : i32
      %dma_start3A_293 = arith.constant 0 : i32
      %dma_start3A_294 = arith.constant 0 : i32
      %dma_start3A_295 = tpu.memref_slice %arg5[%add3A_266, %dma_start3A_292, %add3A, %dma_start3A_293, %dma_start3A_294] : memref<200x8x32x8x128xf32, #tpu.memory_space<hbm>> -> memref<1x8x1x8x128xf32, #tpu.memory_space<hbm>>
      %dma_start3A_296 = tpu.memref_squeeze %dma_start3A_295 : memref<1x8x1x8x128xf32, #tpu.memory_space<hbm>> -> memref<8x8x128xf32, #tpu.memory_space<hbm>>
      %dma_start3A_297 = arith.constant 0 : i32
      %dma_start3A_298 = arith.constant 0 : i32
      %dma_start3A_299 = arith.constant 0 : i32
      %dma_start3A_300 = tpu.memref_slice %arg5[%add3A_266, %dma_start3A_297, %add3A, %dma_start3A_298, %dma_start3A_299] : memref<200x8x32x8x128xf32, #tpu.memory_space<hbm>> -> memref<1x8x1x8x128xf32, #tpu.memory_space<hbm>>
      %dma_start3A_301 = tpu.memref_squeeze %dma_start3A_300 : memref<1x8x1x8x128xf32, #tpu.memory_space<hbm>> -> memref<8x8x128xf32, #tpu.memory_space<hbm>>
      tpu.enqueue_dma source(%arg17 : memref<8x8x128xf32, #tpu.memory_space<vmem>>) target(%dma_start3A_301 : memref<8x8x128xf32, #tpu.memory_space<hbm>>) target_semaphore(%arg33 : memref<!tpu.dma_semaphore, #tpu.memory_space<semaphore_mem>>)
      %ge3A_302 = arith.constant 1 : i32
      %ge3A_303 = arith.cmpi sge, %add3A_266, %ge3A_302 : i32
      %convert_element_type3A_304 = arith.extui %ge3A_303 : i1 to i32
      %cond3A_305 = arith.constant 0 : i32
      %cond3A_306 = arith.cmpi ne, %convert_element_type3A_304, %cond3A_305 : i32
      scf.if %cond3A_306 {
        %dma_wait3A_316 = arith.constant 0 : i32
        %dma_wait3A_317 = arith.constant 0 : i32
        %dma_wait3A_318 = arith.constant 0 : i32
        %dma_wait3A_319 = arith.constant 0 : i32
        %dma_wait3A_320 = arith.constant 0 : i32
        %dma_wait3A_321 = tpu.memref_slice %arg5[%dma_wait3A_316, %dma_wait3A_318, %dma_wait3A_317, %dma_wait3A_319, %dma_wait3A_320] : memref<200x8x32x8x128xf32, #tpu.memory_space<hbm>> -> memref<1x8x1x8x128xf32, #tpu.memory_space<hbm>>
        %dma_wait3A_322 = tpu.memref_squeeze %dma_wait3A_321 : memref<1x8x1x8x128xf32, #tpu.memory_space<hbm>> -> memref<8x8x128xf32, #tpu.memory_space<hbm>>
        %dma_wait3A_323 = arith.constant 0 : i32
        %dma_wait3A_324 = arith.constant 0 : i32
        %dma_wait3A_325 = arith.constant 0 : i32
        %dma_wait3A_326 = tpu.memref_slice %arg5[%dma_wait3A_316, %dma_wait3A_323, %dma_wait3A_317, %dma_wait3A_324, %dma_wait3A_325] : memref<200x8x32x8x128xf32, #tpu.memory_space<hbm>> -> memref<1x8x1x8x128xf32, #tpu.memory_space<hbm>>
        %dma_wait3A_327 = tpu.memref_squeeze %dma_wait3A_326 : memref<1x8x1x8x128xf32, #tpu.memory_space<hbm>> -> memref<8x8x128xf32, #tpu.memory_space<hbm>>
        tpu.wait_dma2 semaphore(%arg32 : memref<!tpu.dma_semaphore, #tpu.memory_space<semaphore_mem>>) src(%arg16 : memref<8x8x128xf32, #tpu.memory_space<vmem>>) dst(%dma_wait3A_327 : memref<8x8x128xf32, #tpu.memory_space<hbm>>)
      } else {
      }
      %add3A_307 = arith.constant 4 : i32
      %add3A_308 = arith.addi %add3A_266, %add3A_307 : i32
      %sub3A_309 = arith.constant 1 : i32
      %sub3A_310 = arith.subi %add3A_308, %sub3A_309 : i32
      %lt3A_311 = arith.constant 200 : i32
      %lt3A_312 = arith.cmpi slt, %sub3A_310, %lt3A_311 : i32
      %convert_element_type3A_313 = arith.extui %lt3A_312 : i1 to i32
      %cond3A_314 = arith.constant 0 : i32
      %cond3A_315 = arith.cmpi ne, %convert_element_type3A_313, %cond3A_314 : i32
      scf.if %cond3A_315 {
        %add3A_316 = arith.constant 4 : i32
        %add3A_317 = arith.addi %add3A_266, %add3A_316 : i32
        %sub3A_318 = arith.constant 1 : i32
        %sub3A_319 = arith.subi %add3A_317, %sub3A_318 : i32
        %jit3A = arith.constant 8 : i32
        %div3A = arith.divsi %sub3A_319, %jit3A : i32
        %sign3A = arith.constant 0 : i32
        %sign3A_320 = arith.cmpi sgt, %sub3A_319, %sign3A : i32
        %sign3A_321 = arith.extui %sign3A_320 : i1 to i32
        %sign3A_322 = arith.constant 0 : i32
        %sign3A_323 = arith.cmpi slt, %sub3A_319, %sign3A_322 : i32
        %sign3A_324 = arith.extui %sign3A_323 : i1 to i32
        %sign3A_325 = arith.subi %sign3A_321, %sign3A_324 : i32
        %sign3A_326 = arith.constant 0 : i32
        %sign3A_327 = arith.cmpi sgt, %jit3A, %sign3A_326 : i32
        %sign3A_328 = arith.extui %sign3A_327 : i1 to i32
        %sign3A_329 = arith.constant 0 : i32
        %sign3A_330 = arith.cmpi slt, %jit3A, %sign3A_329 : i32
        %sign3A_331 = arith.extui %sign3A_330 : i1 to i32
        %sign3A_332 = arith.subi %sign3A_328, %sign3A_331 : i32
        %ne3A = arith.cmpi ne, %sign3A_325, %sign3A_332 : i32
        %rem3A = arith.remsi %sub3A_319, %jit3A : i32
        %ne3A_333 = arith.constant 0 : i32
        %ne3A_334 = arith.cmpi ne, %rem3A, %ne3A_333 : i32
        %and3A = arith.andi %ne3A, %ne3A_334 : i1
        %sub3A_335 = arith.constant 1 : i32
        %sub3A_336 = arith.subi %div3A, %sub3A_335 : i32
        %select_n3A = arith.select %and3A, %sub3A_336, %div3A : i32
        %jit3A_337 = arith.constant 8 : i32
        %eq3A = arith.constant 0 : i32
        %eq3A_338 = arith.cmpi eq, %jit3A_337, %eq3A : i32
        %jit3A_339 = arith.constant 1 : i32
        %select_n3A_340 = arith.select %eq3A_338, %jit3A_339, %jit3A_337 : i32
        %rem3A_341 = arith.remsi %sub3A_319, %select_n3A_340 : i32
        %ne3A_342 = arith.constant 0 : i32
        %ne3A_343 = arith.cmpi ne, %rem3A_341, %ne3A_342 : i32
        %lt3A_344 = arith.constant 0 : i32
        %lt3A_345 = arith.cmpi slt, %rem3A_341, %lt3A_344 : i32
        %lt3A_346 = arith.constant 0 : i32
        %lt3A_347 = arith.cmpi slt, %select_n3A_340, %lt3A_346 : i32
        %ne3A_348 = arith.xori %lt3A_345, %lt3A_347 : i1
        %and3A_349 = arith.andi %ne3A_348, %ne3A_343 : i1
        %add3A_350 = arith.addi %rem3A_341, %select_n3A_340 : i32
        %select_n3A_351 = arith.select %and3A_349, %add3A_350, %rem3A_341 : i32
        %dma_start3A_352 = arith.constant 0 : i32
        %dma_start3A_353 = tpu.memref_slice %arg3[%select_n3A, %add3A, %select_n3A_351, %dma_start3A_352] : memref<25x32x8x128xi32, #tpu.memory_space<hbm>> -> memref<1x1x1x128xi32, #tpu.memory_space<hbm>>
        %dma_start3A_354 = tpu.memref_squeeze %dma_start3A_353 : memref<1x1x1x128xi32, #tpu.memory_space<hbm>> -> memref<128xi32, #tpu.memory_space<hbm>>
        %dma_start3A_355 = arith.constant 0 : i32
        %dma_start3A_356 = tpu.memref_slice %arg3[%select_n3A, %add3A, %select_n3A_351, %dma_start3A_355] : memref<25x32x8x128xi32, #tpu.memory_space<hbm>> -> memref<1x1x1x128xi32, #tpu.memory_space<hbm>>
        %dma_start3A_357 = tpu.memref_squeeze %dma_start3A_356 : memref<1x1x1x128xi32, #tpu.memory_space<hbm>> -> memref<128xi32, #tpu.memory_space<hbm>>
        tpu.enqueue_dma source(%dma_start3A_357 : memref<128xi32, #tpu.memory_space<hbm>>) target(%arg8 : memref<128xi32, #tpu.memory_space<vmem>>) target_semaphore(%arg20 : memref<!tpu.dma_semaphore, #tpu.memory_space<semaphore_mem>>)
        %dma_start3A_358 = arith.constant 0 : i32
        %dma_start3A_359 = arith.constant 0 : i32
        %dma_start3A_360 = arith.constant 0 : i32
        %dma_start3A_361 = tpu.memref_slice %arg2[%sub3A_319, %dma_start3A_358, %add3A, %dma_start3A_359, %dma_start3A_360] : memref<200x8x32x8x128xf32, #tpu.memory_space<hbm>> -> memref<1x8x1x8x128xf32, #tpu.memory_space<hbm>>
        %dma_start3A_362 = tpu.memref_squeeze %dma_start3A_361 : memref<1x8x1x8x128xf32, #tpu.memory_space<hbm>> -> memref<8x8x128xf32, #tpu.memory_space<hbm>>
        %dma_start3A_363 = arith.constant 0 : i32
        %dma_start3A_364 = arith.constant 0 : i32
        %dma_start3A_365 = arith.constant 0 : i32
        %dma_start3A_366 = tpu.memref_slice %arg2[%sub3A_319, %dma_start3A_363, %add3A, %dma_start3A_364, %dma_start3A_365] : memref<200x8x32x8x128xf32, #tpu.memory_space<hbm>> -> memref<1x8x1x8x128xf32, #tpu.memory_space<hbm>>
        %dma_start3A_367 = tpu.memref_squeeze %dma_start3A_366 : memref<1x8x1x8x128xf32, #tpu.memory_space<hbm>> -> memref<8x8x128xf32, #tpu.memory_space<hbm>>
        tpu.enqueue_dma source(%dma_start3A_367 : memref<8x8x128xf32, #tpu.memory_space<hbm>>) target(%arg16 : memref<8x8x128xf32, #tpu.memory_space<vmem>>) target_semaphore(%arg24 : memref<!tpu.dma_semaphore, #tpu.memory_space<semaphore_mem>>)
      } else {
      }
    }
    %scan3A_96 = arith.constant 50 : i32
    %dma_wait3A_97 = arith.constant 0 : i32
    %dma_wait3A_98 = arith.constant 0 : i32
    %dma_wait3A_99 = arith.constant 0 : i32
    %dma_wait3A_100 = arith.constant 0 : i32
    %dma_wait3A_101 = arith.constant 0 : i32
    %dma_wait3A_102 = tpu.memref_slice %arg5[%dma_wait3A_97, %dma_wait3A_99, %dma_wait3A_98, %dma_wait3A_100, %dma_wait3A_101] : memref<200x8x32x8x128xf32, #tpu.memory_space<hbm>> -> memref<1x8x1x8x128xf32, #tpu.memory_space<hbm>>
    %dma_wait3A_103 = tpu.memref_squeeze %dma_wait3A_102 : memref<1x8x1x8x128xf32, #tpu.memory_space<hbm>> -> memref<8x8x128xf32, #tpu.memory_space<hbm>>
    %dma_wait3A_104 = arith.constant 0 : i32
    %dma_wait3A_105 = arith.constant 0 : i32
    %dma_wait3A_106 = arith.constant 0 : i32
    %dma_wait3A_107 = tpu.memref_slice %arg5[%dma_wait3A_97, %dma_wait3A_104, %dma_wait3A_98, %dma_wait3A_105, %dma_wait3A_106] : memref<200x8x32x8x128xf32, #tpu.memory_space<hbm>> -> memref<1x8x1x8x128xf32, #tpu.memory_space<hbm>>
    %dma_wait3A_108 = tpu.memref_squeeze %dma_wait3A_107 : memref<1x8x1x8x128xf32, #tpu.memory_space<hbm>> -> memref<8x8x128xf32, #tpu.memory_space<hbm>>
    tpu.wait_dma2 semaphore(%arg33 : memref<!tpu.dma_semaphore, #tpu.memory_space<semaphore_mem>>) src(%arg17 : memref<8x8x128xf32, #tpu.memory_space<vmem>>) dst(%dma_wait3A_108 : memref<8x8x128xf32, #tpu.memory_space<hbm>>)
    return
  }
}

</mosaic_0001>

<sc_bundles>
// kernel: kernel.3.cloned.1.call-start
scs
__scs_entry_jumppad:
0x0: {  	(pc) =	sbr.rel $0x88, $3  }
0x1: {  	(tag) =	ssettag $0x0;
	lr =	simm.s32 $0x1  }
0x2: {  	[smem:$0x3F9E] =	sst lr;
	_ =	strace $0xD0000000  }
0x3: {  	_ = 	snop  }
0x4: {  	_ = 	snop  }
0x5: {  	_ = 	snop  }
0x6: {  	_ = 	snop  }
0x7: {  	_ = 	snop  }
__scs_overlays_trampoline_lowered:
0x8: {  	[smem:$0x3FAD] =	sst s0  }
0x9: {  	[smem:$0x3FAE] =	sst s1  }
0xa: {  	[smem:$0x3FAF] =	sst s2  }
0xb: {  	[smem:$0x3FB0] =	sst s3  }
0xc: {  	[smem:$0x3FB1] =	sst s4  }
0xd: {  	[smem:$0x3FB2] =	sst s5  }
0xe: {  	[smem:$0x3FB3] =	sst s6  }
0xf: {  	[smem:$0x3FB4] =	sst s7  }
0x10: {  	[smem:$0x3FB5] =	sst s8  }
0x11: {  	[smem:$0x3FB6] =	sst s9;
	s0 =	simm.s32 @!p0 $0x0  }
0x12: {  	s1 =	sld [smem:$0x3F9C];
	s0 =	simm.s32 @p0 $0x1  }
0x13: {  	[smem:$0x3FB7] =	sst s0;
	s0 =	simm.s32 @!p1 $0x0  }
0x14: {  	s2 =	sld [smem:$0x3F9B];
	s0 =	simm.s32 @p1 $0x1  }
0x15: {  	[smem:$0x3FB8] =	sst s0;
	s0 =	simm.s32 @!p2 $0x0  }
0x16: {  	s3 =	sld [smem:$0x3FDB];
	s0 =	simm.s32 @p2 $0x1  }
0x17: {  	s4 =	simm.s32 $0x1BF5;
	[smem:$0x3FBA] =	sst s0  }
0x18: {  	s0 =	sld [smem:$0x3F9D];
	_ =	swait.ge [sflag:s4], $0x0  }
0x19: {  	s7 =	sld [smem:$0x3F9E]  }
0x1a: {  	s8 =	sadd.s32 $0xFFFFE003, lr  }
0x1b: {  	s9 =	sadd.s32 $0xFFFFFEF7, lr;
	s5 =	simm.s32 $0xFFFFFFFF;
	p2 =	slt.u32 s8, $0xFFFFF086  }
0x1c: {  	p1 =	slt.u32 s9, $0xF7A;
	s5 =	simm.s32 @!p2 $0x0  }
0x1d: {  	s5 =	simm.s32 @p1 $0x1;
	p0 =	seq.s32 s7, s2  }
0x1e: {  	s7 =	smul.u32 @!p0 $0xF7A, s2;
	p2 =	seq.s32 @!p0 s5, $0x0  }
0x1f: {  	s9 =	smul.u32 $0xF7A, s1;
	s8 =	simm.s32 @!p0 $0x1BF5;
	p2 =	por !p2, p0  }
0x20: {  	[sflag:s8] =	ssyncset.s32 @!p0 $0xFFFFF086;
	s6 =	sadd.s32 @!p0 s3, s7;
	s7 =	simm.s32 @!p0 $0x108  }
0x21: {  	s3 =	sadd.s32 s3, s9;
	s6 =	sadd.s32 @!p0 $0x88, s6;
	s7 =	simm.s32 @p2 $0x1082  }
0x22: {  	[simem:s7], [sflag:s8] =	dma.local @!p0 [hbm:s6], $0xF7A  }
0x23: {  	s9 =	sor.u32 $0xD0000000, s2;
	s6 =	simm.s32 $0x108;
	_ =	swait.ge @!p0 [sflag:s8], $0x0  }
0x24: {  	s3 =	sadd.s32 $0x88, s3;
	s6 =	simm.s32 @!p1 $0x1082;
	[sflag:s4] =	ssyncset.s32 $0xFFFFF086  }
0x25: {  	[simem:s6], [sflag:s4] =	dma.local [hbm:s3], $0xF7A  }
0x26: {  	[smem:$0x3F9E] =	sst s1;
	(tag) =	ssettag s2;
	_ =	strace s9  }
0x27: {  	s1 =	sld [smem:$0x3FAE]  }
0x28: {  	s2 =	sld [smem:$0x3FAF]  }
0x29: {  	s4 =	sld [smem:$0x3FB1]  }
0x2a: {  	p0 =	seq.s32 s5, $0x0;
	s5 =	sld [smem:$0x3FB2]  }
0x2b: {  	s6 =	sld [smem:$0x3FB3]  }
0x2c: {  	s7 =	sld [smem:$0x3FB4]  }
0x2d: {  	s3 =	simm.s32 $0x108;
	s8 =	sld [smem:$0x3FB5]  }
0x2e: {  	s3 =	simm.s32 @!p0 $0x1082;
	s9 =	sld [smem:$0x3FB6]  }
0x2f: {  	lr =	sadd.s32 s0, s3;
	s0 =	sld [smem:$0x3FAD]  }
0x30: {  	s3 =	sld [smem:$0x3FB0]  }
0x31: {  	[smem:$0x3FB9] =	sst s10  }
0x32: {  	s10 =	sld [smem:$0x3FB7];
	_ =	sdelay $0x3  }
0x33: {  	p0 =	seq.s32 s10, $0x1;
	s10 =	sld [smem:$0x3FB9];
	_ =	sdelay $0x3  }
0x34: {  	[smem:$0x3FB9] =	sst s10  }
0x35: {  	s10 =	sld [smem:$0x3FB8];
	_ =	sdelay $0x3  }
0x36: {  	p1 =	seq.s32 s10, $0x1;
	s10 =	sld [smem:$0x3FB9];
	_ =	sdelay $0x3  }
0x37: {  	[smem:$0x3FB9] =	sst s10  }
0x38: {  	s10 =	sld [smem:$0x3FBA]  }
0x39: {  	_ = 	snop;
	(pc) =	sbr.ind lr, $3  }
0x3a: {  	_ = 	snop  }
0x3b: {  	_ = 	snop  }
0x3c: {  	p2 =	seq.s32 s10, $0x1;
	s10 =	sld [smem:$0x3FB9]  }
0x3d: {  	_ =	shalt  }
0x3e: {  	_ =	shalt  }
0x3f: {  	_ =	shalt  }
0x40: {  	_ =	shalt  }
0x41: {  	_ =	shalt  }
0x42: {  	_ =	shalt  }
0x43: {  	_ =	shalt  }
0x44: {  	_ =	shalt  }
0x45: {  	_ =	shalt  }
0x46: {  	_ =	shalt  }
0x47: {  	_ =	shalt  }
0x48: {  	_ =	shalt  }
0x49: {  	_ =	shalt  }
0x4a: {  	_ =	shalt  }
0x4b: {  	_ =	shalt  }
0x4c: {  	_ =	shalt  }
0x4d: {  	_ =	shalt  }
0x4e: {  	_ =	shalt  }
0x4f: {  	_ =	shalt  }
0x50: {  	_ =	shalt  }
0x51: {  	_ =	shalt  }
0x52: {  	_ =	shalt  }
0x53: {  	_ =	shalt  }
0x54: {  	_ =	shalt  }
0x55: {  	_ =	shalt  }
0x56: {  	_ =	shalt  }
0x57: {  	_ =	shalt  }
0x58: {  	_ =	shalt  }
0x59: {  	_ =	shalt  }
0x5a: {  	_ =	shalt  }
0x5b: {  	_ =	shalt  }
0x5c: {  	_ =	shalt  }
0x5d: {  	_ =	shalt  }
0x5e: {  	_ =	shalt  }
0x5f: {  	_ =	shalt  }
0x60: {  	_ =	shalt  }
0x61: {  	_ =	shalt  }
0x62: {  	_ =	shalt  }
0x63: {  	_ =	shalt  }
0x64: {  	_ =	shalt  }
0x65: {  	_ =	shalt  }
0x66: {  	_ =	shalt  }
0x67: {  	_ =	shalt  }
0x68: {  	_ =	shalt  }
0x69: {  	_ =	shalt  }
0x6a: {  	_ =	shalt  }
0x6b: {  	_ =	shalt  }
0x6c: {  	_ =	shalt  }
0x6d: {  	_ =	shalt  }
0x6e: {  	_ =	shalt  }
0x6f: {  	_ =	shalt  }
0x70: {  	_ =	shalt  }
0x71: {  	_ =	shalt  }
0x72: {  	_ =	shalt  }
0x73: {  	_ =	shalt  }
0x74: {  	_ =	shalt  }
0x75: {  	_ =	shalt  }
0x76: {  	_ =	shalt  }
0x77: {  	_ =	shalt  }
0x78: {  	_ =	shalt  }
0x79: {  	_ =	shalt  }
0x7a: {  	_ =	shalt  }
0x7b: {  	_ =	shalt  }
0x7c: {  	_ =	shalt  }
0x7d: {  	_ =	shalt  }
0x7e: {  	_ =	shalt  }
0x7f: {  	_ =	shalt  }
0x80: {  	_ =	shalt  }
0x81: {  	_ =	shalt  }
0x82: {  	_ =	shalt  }
0x83: {  	_ =	shalt  }
0x84: {  	_ =	shalt  }
0x85: {  	_ =	shalt  }
0x86: {  	_ =	shalt  }
0x87: {  	_ =	shalt  }
.Lfunc_end0:
.L_simem_size_0:
called_computation_lowered:
.L_overlay_start_0:
0x88: {  	s2 =	sld [smem:$0x3FD9]  }
0x89: {  	s3 =	sld [smem:$0x3FFE];
	_ =	sdelay $0x1  }
0x8a: {  	s1 =	srdreg.scid  }
0x8b: {  	s0 =	sand.u32 $0x1, s1  }
0x8c: {  	s17 =	sshll.u32 s0, $0xA;
	s2 =	sadd.s32 s3, s2  }
0x8d: {  	s2 =	sadd.s32 s2, s17  }
0x8e: {  	[smem:$0x3FC5] =	sst s2  }
0x8f: {  	_ = 	snop  }
0x90: {  	s2 =	sld [smem:$0x3FC9]  }
0x91: {  	s18 =	sld [smem:$0x3FC8]  }
0x92: {  	s4 =	sld [smem:$0x3FD0];
	(tm) =	ssettm $0x1  }
0x93: {  	s5 =	sld [smem:$0x3FFB];
	_ =	sdelay $0x3  }
0x94: {  	_ =	strace s5  }
0x95: {  	s5 =	sld [smem:$0x3FFC];
	_ =	sdelay $0x3  }
0x96: {  	_ =	strace s5  }
0x97: {  	s5 =	sld [smem:$0x3FFD];
	_ =	sdelay $0x3  }
0x98: {  	_ =	strace s5  }
0x99: {  	_ =	strace $0x8FFFFFFF  }
0x9a: {  	s19 =	sld [smem:$0x3FDB];
	_ =	sdelay $0x1  }
0x9b: {  	s6 =	simm.s32 $_scs_section_size  }
0x9c: {  	s7 =	simm.s32 $_size__tile_overlayer_lowered;
	s8 =	simm.s32 $_tile_overlayer_lowered  }
0x9d: {  	s22 =	simm.s32 $0x1BFF;
	s21 =	sshll.u32 s8, $0x1;
	s5 =	sadd.s32 s6, s19  }
0x9e: {  	s9 =	simm.s32 $0x0;
	s20 =	sshll.u32 s7, $0x1;
	s7 =	sadd.s32 s21, s5  }
0x9f: {  	[timem:s9], [sflag:s22] =	dma.local [hbm:s7], s20  }
0xa0: {  	_ =	swait.ge [sflag:s22], s20  }
0xa1: {  	s6 =	ssub.s32 $0x0, s20;
	[sflag:s22] =	ssyncset.done $0x0  }
0xa2: {  	[sflag:s22] =	ssyncadd.s32 s6;
	_ =	sdelay $0x1  }
0xa3: {  	s23 =	simm.s32 $0x1B8B  }
0xa4: {  	_ =	swait.ge [sflag:s23], $0x1  }
0xa5: {  	[sflag:s23] =	ssyncset.done $0x0  }
0xa6: {  	s25 =	simm.s32 $0x1B8E;
	s24 =	sld [smem:$0x3FFE];
	[sflag:s23] =	ssyncadd.s32 $0xFFFFFFFF  }
0xa7: {  	s26 =	simm.s32 $execute0_lowered;
	[smem:$0x3FD2] =	sst s25  }
0xa8: {  	s7 =	sshll.u32 s26, $0x1;
	_ =	strace $0x80000046;
	[dreg:$0x1] =	wrdreg $0xFFFFFFFF  }
0xa9: {  	s28 =	simm.s32 $_size_execute0_lowered;
	s5 =	sadd.s32 s5, s7;
	[dreg:$0x0] =	wrdreg $0x0  }
0xaa: {  	s7 =	sshll.u32 s28, $0x1;
	[dreg:$0x2] =	wrdreg s5  }
0xab: {  	[dreg:$0x3] =	wrdreg s7  }
0xac: {  	[dreg:$0x4] =	wrdreg $0xC0  }
0xad: {  	_ =	task [dreg:s9], $0x5FFFF  }
0xae: {  	[dreg:$0x1] =	wrdreg $0xFFFFFFFF  }
0xaf: {  	[dreg:$0x0] =	wrdreg $0x60  }
0xb0: {  	[dreg:$0x2] =	wrdreg s2  }
0xb1: {  	[dreg:$0x3] =	wrdreg s18  }
0xb2: {  	[dreg:$0x4] =	wrdreg s24  }
0xb3: {  	[dreg:$0x5] =	wrdreg s4  }
0xb4: {  	[dreg:$0x6] =	wrdreg $0x9  }
0xb5: {  	_ =	task.clear_ibuf [dreg:s9], $0x7FFFF;
	_ =	strace $0x90000046  }
0xb6: {  	s29 =	simm.s32 $0x9;
	_ =	strace $0x80000048  }
0xb7: {  	_ =	swait.ge [sflag:s29], $0x1  }
0xb8: {  	[sflag:s29] =	ssyncadd.s32 $0xFFFFFFFF  }
0xb9: {  	_ =	strace $0x90000048  }
0xba: {  	_ =	sfence  }
0xbb: {  	s30 =	sld [smem:$0x0];
	_ =	sdelay $0x2  }
0xbc: {  	s31 =	sshll.u32 s1, $0xD;
	s1 =	sshrl.u32 s1, $0x2  }
0xbd: {  	s3 =	sand.u32 $0x4000, s31;
	s1 =	sadd.s32 s1, s30  }
0xbe: {  	s0 =	sor.u32 s3, s0;
	s1 =	sshll.u32 s1, $0x11  }
0xbf: {  	s0 =	sor.u32 s1, s0  }
0xc0: {  	s0 =	sadd.s32 $0x8F2B, s0  }
0xc1: {  	[sflag:s0] =	ssyncadd.remote.s32 $0x1  }
0xc2: {  	_ =	sfence.sel $0xFFFF  }
0xc3: {  	[dreg:$0x0] =	wrdreg $0xFFFFFFFF;
	(pc) =	sbr.abs _section_cstart, $3  }
0xc4: {  	[dreg:$0x1] =	wrdreg $0xFFFFFFFF  }
0xc5: {  	_ =	task.clear_ibuf [dreg:s9], $0x2FFFF;
	_ =	strace $0x9FFFFFFF  }
0xc6: {  	(tm) =	ssettm $0x7FFFFFFF  }
0xc7: {  	_ =	shalt  }
tec
execute0_lowered:
.L_overlay_start_1:
0x0: {  	(tag) =	ssettag $0x1  }
0x1: {  	s1 =	rddreg [dreg:$0x0]  }
0x2: {  	s2 =	rddreg [dreg:$0x1]  }
0x3: {  	s0 =	rddreg [dreg:$0x2]  }
0x4: {  	s11 =	rddreg [dreg:$0x3];
	s3 =	srdreg.scid  }
0x5: {  	s4 =	stileid.u32;
	s6 =	simm.s32 $0x0;
	s17 =	simm.s32 $0x400  }
0x6: {  	s18 =	simm.s32 $0x8000;
	s30 =	simm.s32 $0x100;
	s31 =	simm.s32 $0xD200  }
0x7: {  	s28 =	simm.s32 $0x2600;
	s13 =	simm.s32 $0x4;
	s16 =	simm.s32 $0x6E00  }
0x8: {  	s8 =	simm.s32 $0x7;
	s9 =	simm.s32 $0xB;
	s19 =	simm.s32 $0x8  }
0x9: {  	s3 =	sand.u32 $0x1, s3;
	s4 =	sshll.u32 s4, $0xB;
	[smem:$0x7FF] =	sst s6  }
0xa: {  	s7 =	sadd.s32 $0x186E00, s0;
	s26 =	sadd.s32 $0x8000, s11;
	s5 =	sshll.u32 s3, $0xA  }
0xb: {  	s29 =	sadd.s32 $0x10000, s11;
	_ =	strace $0x80000047;
	s6 =	sor.u32 s5, s4  }
0xc: {  	s3 =	ssub.s32 $0x2, s3;
	[dreg:$0xb] =	wrdreg s26;
	s4 =	sshrl.u32 s6, $0x3  }
0xd: {  	[dreg:$0xc] =	wrdreg s29;
	s20 =	sshrl.u32 s3, $0x1;
	s21 =	sadd.s32 s2, s4  }
0xe: {  	s0 =	ssub.s32 s3, s20;
	s22 =	sadd.s32 s1, s4;
	[dreg:$0x5] =	wrdreg s21  }
0xf: {  	v0 =	vlaneseq.u32;
	s5 =	simm.s32 $0xF;
	s0 =	smax.u32 s0, $0x1;
	[dreg:$0x6] =	wrdreg s22  }
.Ltmp0:
0x10: {  	v0 =	vmul.u32 $0x48, v0;
	s23 =	sadd.s32 $0x10, s21;
	[dreg:$0xd] =	wrdreg s0;
	(pc) =	sbr.rel .LBB2_1-.Ltmp0, $4  }
0x11: {  	s20 =	simm.s32 $0x4A00;
	s24 =	sadd.s32 $0x8000, s22;
	[dreg:$0x7] =	wrdreg s23  }
0x12: {  	v1 =	vadd.s32 $0x480, v0;
	s4 =	simm.s32 $0x0;
	s25 =	sadd.s32 $0x20, s21;
	[dreg:$0x8] =	wrdreg s24  }
0x13: {  	v2 =	vadd.s32 $0x900, v0;
	v3 =	vadd.s32 $0xD80, v0;
	v4 =	vadd.s32 $0x1200, v0;
	s3 =	sadd.s32 $0x10000, s22;
	s21 =	simm.s32 $0xC;
	[dreg:$0x9] =	wrdreg s25  }
0x14: {  	v5 =	vadd.s32 $0x1680, v0;
	v6 =	vadd.s32 $0x1B00, v0;
	v7 =	vadd.s32 $0x1F80, v0;
	[dreg:$0xa] =	wrdreg s3;
	s25 =	simm.s32 $0x200;
	s24 =	simm.s32 $0xE  }
.LBB2_12:
0x15: {  	s3 =	simm.s32 $0x10  }
0x16: {  	_ =	swait.ge [sflag:s3], $0x2000  }
0x17: {  	s4 =	rddreg [dreg:$0xe]  }
0x18: {  	s0 =	rddreg [dreg:$0xd];
	s4 =	sadd.s32 $0x1, s4  }
0x19: {  	p0 =	sne.s32 s4, s0  }
.Ltmp1:
0x1a: {  	_ = 	snop;
	(pc) =	sbr.rel @!p0 .LBB2_13-.Ltmp1, $3  }
0x1b: {  	_ =	sdelay $0x1  }
0x1c: {  	[sflag:s3] =	ssyncset.done $0x0  }
0x1d: {  	s30 =	simm.s32 $0x100;
	[sflag:s3] =	ssyncadd.s32 $0xFFFFE000  }
.LBB2_1:
0x1e: {  	s0 =	simm.s32 $0x0;
	s3 =	rddreg [dreg:$0x5]  }
0x1f: {  	[tilespmem:s0], [sflag:$0x1] =	stream.linear.gather [hbm4b:s3+s0], $0x80, $0x38;
	[tilespmem:$0x11200] =	vst v63  }
0x20: {  	s12 =	rddreg [dreg:$0x6];
	s14 =	simm.s32 $0x9200  }
0x21: {  	[tilespmem:s14], [sflag:$0x5] =	stream.strided.gather [hbm4b:s12+s17], $0x2000, s18, s17, $0x38;
	[tilespmem:$0x11200] =	vst v63  }
0x22: {  	s15 =	rddreg [dreg:$0x7];
	s22 =	simm.s32 $0x80  }
0x23: {  	[tilespmem:s22], [sflag:$0x2] =	stream.linear.gather [hbm4b:s15+s0], $0x80, $0x38;
	[tilespmem:$0x11200] =	vst v63  }
0x24: {  	s23 =	rddreg [dreg:$0x8];
	s10 =	simm.s32 $0xB200  }
0x25: {  	[tilespmem:s10], [sflag:$0x6] =	stream.strided.gather [hbm4b:s23+s17], $0x2000, s18, s17, $0x38;
	[tilespmem:$0x11200] =	vst v63  }
0x26: {  	s26 =	rddreg [dreg:$0x9]  }
0x27: {  	[tilespmem:s30], [sflag:$0x3] =	stream.linear.gather [hbm4b:s26+s0], $0x80, $0x38;
	[tilespmem:$0x11200] =	vst v63  }
0x28: {  	s29 =	rddreg [dreg:$0xa]  }
0x29: {  	[tilespmem:s31], [sflag:$0x7] =	stream.strided.gather [hbm4b:s29+s17], $0x2000, s18, s17, $0x38;
	[tilespmem:$0x11200] =	vst v63  }
0x2a: {  	[dreg:$0xe] =	wrdreg s4;
	s31 =	simm.s32 $0x1  }
0x2b: {  	_ =	swait.ge [sflag:s31], $0x80  }
0x2c: {  	[sflag:s31] =	ssyncset.done $0x0  }
0x2d: {  	s4 =	simm.s32 $0x0;
	[sflag:s31] =	ssyncadd.s32 $0xFFFFFF80  }
0x2e: {  	[tilespmem:s25], [sflag:$0x9] =	stream.indirect.gather [hbm4b:s7+s22], $0x48, s0, s22, $0xb8;
	[tilespmem:$0x11200] =	vst v63  }
.LBB2_2:
0x2f: {  	s0 =	simm.s32 $0x2  }
0x30: {  	_ =	swait.ge [sflag:s0], $0x80  }
0x31: {  	s22 =	simm.s32 $0x80;
	[sflag:s0] =	ssyncset.done $0x0  }
0x32: {  	s3 =	simm.s32 $0x0;
	s10 =	simm.s32 $0x5;
	[sflag:s0] =	ssyncadd.s32 $0xFFFFFF80  }
0x33: {  	[tilespmem:s28], [sflag:$0xA] =	stream.indirect.gather [hbm4b:s7+s22], $0x48, s22, s22, $0xb8;
	[tilespmem:$0x11200] =	vst v63  }
0x34: {  	s23 =	simm.s32 $0x1;
	v8 =	vmov s3;
	_ =	swait.ge [sflag:s10], $0x2000  }
0x35: {  	v17 =	vand.u32 $0x3E, v8;
	v8 =	vmov s23;
	[sflag:s10] =	ssyncset.done $0x0  }
0x36: {  	s26 =	simm.s32 $0x9;
	v9 =	vadd.s32 v0, v17;
	v8 =	vand.u32 $0x3F, v8;
	[sflag:s10] =	ssyncadd.s32 $0xFFFFE000  }
0x37: {  	v10 =	vadd.s32 v0, v8;
	_ =	swait.ge [sflag:s26], $0x2400  }
0x38: {  	[sflag:s26] =	ssyncset.done $0x0  }
0x39: {  	s14 =	simm.s32 $0x9240;
	[sflag:s26] =	ssyncadd.s32 $0xFFFFDC00  }
0x3a: {  	s31 =	simm.s32 $0x0;
	v11 =	vld [tilespmem:s14+$0xFFFFFFC0]  }
0x3b: {  	s3 =	sand.u32 $0x1C00, s31;
	s0 =	sand.u32 $0x380, s22;
	v9 =	vld.idx.msk [tilespmem:v9+s25+$0x0], $0xffff  }
0x3c: {  	s15 =	sor.u32 s0, s3;
	v10 =	vld.idx.msk [tilespmem:v10+s25+$0x0], $0xffff  }
0x3d: {  	v12 =	vld [tilespmem:s15+$0x9200];
	_ =	sdelay $0x1  }
0x3e: {  	v13 =	vadd.s32 v1, v17  }
0x3f: {  	v9 =	vadd.f32 v11, v9;
	v11 =	vadd.s32 v1, v8;
	_ =	sdelay $0x1  }
0x40: {  	[tilespmem:s14+$0xFFFFFFC0] =	vst v9;
	v9 =	vadd.f32 v12, v10  }
0x41: {  	v12 =	vld [tilespmem:s14+$0xFFFFFFD0]  }
0x42: {  	v10 =	vld.idx.msk [tilespmem:v13+s25+$0x0], $0xffff;
	[tilespmem:s15+$0x9200] =	vst v9  }
0x43: {  	v9 =	vld.idx.msk [tilespmem:v11+s25+$0x0], $0xffff  }
0x44: {  	v11 =	vld [tilespmem:s15+$0x9210]  }
0x45: {  	v13 =	vadd.s32 v2, v17;
	_ =	sdelay $0x1  }
0x46: {  	v10 =	vadd.f32 v12, v10;
	v12 =	vadd.s32 v2, v8;
	_ =	sdelay $0x1  }
0x47: {  	[tilespmem:s14+$0xFFFFFFD0] =	vst v10;
	v9 =	vadd.f32 v11, v9;
	v11 =	vld [tilespmem:s14+$0xFFFFFFE0]  }
0x48: {  	v10 =	vld.idx.msk [tilespmem:v13+s25+$0x0], $0xffff  }
0x49: {  	[tilespmem:s15+$0x9210] =	vst v9  }
0x4a: {  	v9 =	vld.idx.msk [tilespmem:v12+s25+$0x0], $0xffff  }
0x4b: {  	v13 =	vadd.s32 v3, v17;
	v12 =	vld [tilespmem:s15+$0x9220];
	_ =	sdelay $0x1  }
0x4c: {  	v11 =	vadd.f32 v11, v10  }
0x4d: {  	v14 =	vadd.s32 v3, v8;
	s3 =	simm.s32 $0x2  }
0x4e: {  	s10 =	simm.s32 $0x3;
	v15 =	vld [tilespmem:s14+$0xFFFFFFF0];
	v10 =	vmov s3;
	[tilespmem:s14+$0xFFFFFFE0] =	vst v11  }
0x4f: {  	v10 =	vand.u32 $0x3E, v10;
	v12 =	vadd.f32 v12, v9;
	v9 =	vmov s10;
	v13 =	vld.idx.msk [tilespmem:v13+s25+$0x0], $0xffff  }
0x50: {  	v11 =	vadd.s32 v0, v10;
	v9 =	vand.u32 $0x3F, v9  }
0x51: {  	s12 =	simm.s32 $0x100;
	s26 =	simm.s32 $0x180;
	v16 =	vld [tilespmem:s15+$0x9230];
	[tilespmem:s15+$0x9220] =	vst v12;
	v12 =	vadd.s32 v0, v9  }
0x52: {  	v18 =	vadd.s32 v4, v17;
	s22 =	simm.s32 $0x9340;
	s0 =	sand.u32 $0x1C00, s12;
	s23 =	sand.u32 $0x380, s26;
	v14 =	vld.idx.msk [tilespmem:v14+s25+$0x0], $0xffff  }
0x53: {  	v19 =	vld [tilespmem:s22+$0xFFFFFFC0];
	s0 =	sor.u32 s23, s0  }
0x54: {  	v20 =	vld [tilespmem:s0+$0x9200];
	v13 =	vadd.f32 v15, v13  }
0x55: {  	v11 =	vld.idx.msk [tilespmem:v11+s25+$0x0], $0xffff  }
0x56: {  	v15 =	vadd.s32 v4, v8;
	v12 =	vld.idx.msk [tilespmem:v12+s25+$0x0], $0xffff;
	[tilespmem:s14+$0xFFFFFFF0] =	vst v13  }
0x57: {  	v13 =	vadd.f32 v16, v14;
	v16 =	vld.idx.msk [tilespmem:v18+s25+$0x0], $0xffff  }
0x58: {  	v14 =	vadd.s32 v1, v10;
	v18 =	vld [tilespmem:s14+$0x0];
	_ =	sdelay $0x1  }
0x59: {  	[tilespmem:s15+$0x9230] =	vst v13;
	v11 =	vadd.f32 v19, v11;
	v13 =	vadd.s32 v1, v9;
	v19 =	vld [tilespmem:s15+$0x9240]  }
0x5a: {  	v15 =	vld.idx.msk [tilespmem:v15+s25+$0x0], $0xffff;
	v12 =	vadd.f32 v20, v12;
	v20 =	vadd.s32 v5, v17  }
0x5b: {  	v21 =	vld [tilespmem:s22+$0xFFFFFFD0];
	[tilespmem:s22+$0xFFFFFFC0] =	vst v11  }
0x5c: {  	v14 =	vld.idx.msk [tilespmem:v14+s25+$0x0], $0xffff;
	[tilespmem:s0+$0x9200] =	vst v12;
	v12 =	vadd.f32 v18, v16  }
0x5d: {  	v16 =	vadd.s32 v5, v8;
	v18 =	vld [tilespmem:s0+$0x9210]  }
0x5e: {  	v13 =	vld.idx.msk [tilespmem:v13+s25+$0x0], $0xffff;
	[tilespmem:s14+$0x0] =	vst v12  }
0x5f: {  	v12 =	vadd.f32 v19, v15;
	v19 =	vld.idx.msk [tilespmem:v20+s25+$0x0], $0xffff  }
0x60: {  	v15 =	vadd.s32 v2, v10;
	v20 =	vld [tilespmem:s14+$0x10]  }
0x61: {  	[tilespmem:s15+$0x9240] =	vst v12;
	v12 =	vadd.f32 v21, v14;
	v21 =	vld [tilespmem:s15+$0x9250]  }
0x62: {  	v16 =	vld.idx.msk [tilespmem:v16+s25+$0x0], $0xffff  }
0x63: {  	v23 =	vld [tilespmem:s22+$0xFFFFFFE0];
	v14 =	vadd.s32 v2, v9;
	[tilespmem:s22+$0xFFFFFFD0] =	vst v12;
	v12 =	vadd.f32 v18, v13  }
0x64: {  	v25 =	vld [tilespmem:s0+$0x9220]  }
0x65: {  	v18 =	vadd.s32 v6, v17;
	v22 =	vld.idx.msk [tilespmem:v15+s25+$0x0], $0xffff;
	[tilespmem:s0+$0x9210] =	vst v12;
	v12 =	vadd.f32 v20, v19  }
0x66: {  	v11 =	vld [tilespmem:s14+$0x30]  }
0x67: {  	s31 =	simm.s32 $0x4;
	v13 =	vld [tilespmem:s14+$0x20];
	v19 =	vadd.s32 v6, v8;
	[tilespmem:s14+$0x10] =	vst v12;
	v12 =	vadd.f32 v21, v16  }
0x68: {  	v24 =	vld.idx.msk [tilespmem:v14+s25+$0x0], $0xffff;
	v14 =	vmov s31  }
0x69: {  	v21 =	vadd.s32 v3, v10;
	v16 =	vld [tilespmem:s15+$0x9260];
	[tilespmem:s15+$0x9250] =	vst v12;
	v12 =	vand.u32 $0x3E, v14  }
0x6a: {  	v15 =	vld.idx.msk [tilespmem:v18+s25+$0x0], $0xffff;
	v22 =	vadd.f32 v23, v22;
	v23 =	vadd.s32 v0, v12  }
0x6b: {  	v20 =	vadd.s32 v3, v9;
	v18 =	vld [tilespmem:s22+$0xFFFFFFF0]  }
0x6c: {  	s23 =	simm.s32 $0x9440;
	v14 =	vld.idx.msk [tilespmem:v19+s25+$0x0], $0xffff  }
0x6d: {  	s29 =	simm.s32 $0x6;
	s3 =	simm.s32 $0x5;
	v17 =	vadd.s32 v7, v17;
	v19 =	vld [tilespmem:s23+$0xFFFFFFC0];
	[tilespmem:s22+$0xFFFFFFE0] =	vst v22;
	v22 =	vadd.f32 v25, v24  }
.LBB2_3:
0x6e: {  	p0 =	slt.u32 s29, $0x3E;
	v24 =	vmov s3;
	v21 =	vld.idx.msk [tilespmem:v21+s25+$0x0], $0xffff  }
0x6f: {  	v13 =	vadd.f32 v13, v15;
	v15 =	vadd.s32 v7, v8;
	v23 =	vld.idx.msk [tilespmem:v23+s25+$0x0], $0xffff;
	v24 =	vand.u32 $0x3F, v24;
	[tilespmem:s0+$0x9220] =	vst v22  }
0x70: {  	v8 =	vmov v9;
	v22 =	vadd.s32 v0, v24;
	v20 =	vld.idx.msk [tilespmem:v20+s25+$0x0], $0xffff;
	v9 =	vmov v24  }
0x71: {  	v24 =	vld [tilespmem:s0+$0x9230];
	[tilespmem:s14+$0x20] =	vst v13;
	v13 =	vadd.f32 v16, v14  }
0x72: {  	s26 =	sadd.s32 $0x100, s26;
	v14 =	vadd.s32 v4, v10;
	v16 =	vld.idx.msk [tilespmem:v17+s25+$0x0], $0xffff  }
0x73: {  	s3 =	sadd.s32 $0xFFFFFF80, s26;
	[tilespmem:s15+$0x9260] =	vst v13;
	v13 =	vld [tilespmem:s15+$0x9270]  }
0x74: {  	s10 =	sand.u32 $0x380, s26;
	s3 =	sand.u32 $0x1C00, s3;
	v17 =	vadd.f32 v18, v21;
	v18 =	vadd.s32 v4, v8;
	v15 =	vld.idx.msk [tilespmem:v15+s25+$0x0], $0xffff  }
0x75: {  	s3 =	sor.u32 s10, s3;
	v21 =	vld.idx.msk [tilespmem:v22+s25+$0x0], $0xffff  }
0x76: {  	v22 =	vld [tilespmem:s3+$0x9200];
	[tilespmem:s22+$0xFFFFFFF0] =	vst v17;
	v17 =	vadd.f32 v24, v20  }
0x77: {  	v20 =	vadd.s32 v1, v12;
	v14 =	vld.idx.msk [tilespmem:v14+s25+$0x0], $0xffff  }
0x78: {  	v19 =	vadd.f32 v19, v23;
	v23 =	vld [tilespmem:s22+$0x0];
	[tilespmem:s0+$0x9230] =	vst v17  }
0x79: {  	v16 =	vadd.f32 v11, v16;
	v17 =	vadd.s32 v1, v9;
	v18 =	vld.idx.msk [tilespmem:v18+s25+$0x0], $0xffff  }
0x7a: {  	v13 =	vadd.f32 v13, v15;
	[tilespmem:s23+$0xFFFFFFC0] =	vst v19;
	v19 =	vld [tilespmem:s0+$0x9240]  }
0x7b: {  	v15 =	vadd.f32 v22, v21;
	v21 =	vadd.s32 v5, v10;
	v11 =	vld [tilespmem:s22+$0x30];
	[tilespmem:s14+$0x30] =	vst v16;
	s14 =	smov.u32 s22;
	s22 =	smov.u32 s23  }
0x7c: {  	v16 =	vld.idx.msk [tilespmem:v20+s25+$0x0], $0xffff;
	[tilespmem:s15+$0x9270] =	vst v13;
	s15 =	smov.u32 s0;
	s0 =	smov.u32 s3  }
0x7d: {  	v13 =	vld [tilespmem:s23+$0xFFFFFFD0];
	[tilespmem:s0+$0x9200] =	vst v15;
	v14 =	vadd.f32 v23, v14;
	v15 =	vadd.s32 v5, v8  }
0x7e: {  	v17 =	vld.idx.msk [tilespmem:v17+s25+$0x0], $0xffff  }
0x7f: {  	v20 =	vld [tilespmem:s0+$0x9210];
	[tilespmem:s14+$0x0] =	vst v14;
	v14 =	vadd.f32 v19, v18  }
0x80: {  	v18 =	vadd.s32 v2, v12;
	v19 =	vld.idx.msk [tilespmem:v21+s25+$0x0], $0xffff  }
0x81: {  	v21 =	vld [tilespmem:s14+$0x10];
	[tilespmem:s15+$0x9240] =	vst v14  }
0x82: {  	v14 =	vadd.s32 v2, v9;
	v13 =	vadd.f32 v13, v16;
	v15 =	vld.idx.msk [tilespmem:v15+s25+$0x0], $0xffff  }
0x83: {  	v16 =	vld [tilespmem:s15+$0x9250]  }
0x84: {  	[tilespmem:s23+$0xFFFFFFD0] =	vst v13;
	v17 =	vadd.f32 v20, v17;
	v20 =	vadd.s32 v6, v10;
	v13 =	vld [tilespmem:s14+$0x20]  }
0x85: {  	v22 =	vld.idx.msk [tilespmem:v18+s25+$0x0], $0xffff  }
0x86: {  	v24 =	vld [tilespmem:s23+$0xFFFFFFE0];
	[tilespmem:s0+$0x9210] =	vst v17;
	v17 =	vadd.f32 v21, v19;
	v19 =	vadd.s32 v6, v8  }
0x87: {  	v25 =	vld.idx.msk [tilespmem:v14+s25+$0x0], $0xffff  }
0x88: {  	v14 =	vmov s29;
	v26 =	vld [tilespmem:s0+$0x9220];
	[tilespmem:s14+$0x10] =	vst v17;
	v16 =	vadd.f32 v16, v15  }
.Ltmp2:
0x89: {  	v21 =	vadd.s32 v3, v12;
	v27 =	vand.u32 $0x3E, v14;
	v15 =	vld.idx.msk [tilespmem:v20+s25+$0x0], $0xffff;
	(pc) =	sbr.rel @p0 .LBB2_3-.Ltmp2, $4  }
0x8a: {  	v23 =	vadd.s32 v0, v27;
	v18 =	vld [tilespmem:s23+$0xFFFFFFF0];
	[tilespmem:s15+$0x9250] =	vst v16  }
0x8b: {  	v20 =	vadd.s32 v3, v9;
	v17 =	vadd.f32 v24, v22;
	v14 =	vld.idx.msk [tilespmem:v19+s25+$0x0], $0xffff  }
0x8c: {  	s23 =	sadd.s32 $0x100, s23;
	v16 =	vld [tilespmem:s15+$0x9260]  }
0x8d: {  	s3 =	sadd.s32 $0x1, s29;
	s29 =	sadd.s32 $0x2, s29;
	v19 =	vld [tilespmem:s23+$0xFFFFFFC0];
	[tilespmem:s22+$0xFFFFFFE0] =	vst v17;
	v22 =	vadd.f32 v26, v25;
	v17 =	vadd.s32 v7, v10;
	v10 =	vmovc v12;
	v12 =	vmov v27  }
0x8e: {  	v24 =	vmov s3  }
0x8f: {  	v24 =	vand.u32 $0x3F, v24  }
0x90: {  	s12 =	sadd.s32 $0x100, s26;
	v25 =	vadd.s32 v0, v24  }
0x91: {  	s10 =	sadd.s32 $0xFFFFFF80, s12  }
0x92: {  	s3 =	sand.u32 $0x380, s12;
	s10 =	sand.u32 $0x1C00, s10  }
0x93: {  	v23 =	vld.idx.msk [tilespmem:v23+s25+$0x0], $0xffff;
	s3 =	sor.u32 s3, s10  }
0x94: {  	v26 =	vld [tilespmem:s3+$0x9200]  }
0x95: {  	v25 =	vld.idx.msk [tilespmem:v25+s25+$0x0], $0xffff  }
0x96: {  	v27 =	vadd.s32 v1, v12;
	_ =	sdelay $0x1  }
0x97: {  	v19 =	vadd.f32 v19, v23;
	v23 =	vadd.s32 v1, v24;
	_ =	sdelay $0x1  }
0x98: {  	v46 =	vld [tilespmem:s23+$0xFFFFFFD0];
	[tilespmem:s23+$0xFFFFFFC0] =	vst v19;
	v19 =	vadd.f32 v26, v25  }
0x99: {  	v45 =	vld.idx.msk [tilespmem:v27+s25+$0x0], $0xffff  }
0x9a: {  	[tilespmem:s3+$0x9200] =	vst v19  }
0x9b: {  	v19 =	vld.idx.msk [tilespmem:v23+s25+$0x0], $0xffff  }
0x9c: {  	v47 =	vadd.s32 v2, v12;
	v23 =	vld [tilespmem:s3+$0x9210];
	_ =	sdelay $0x1  }
0x9d: {  	v21 =	vld.idx.msk [tilespmem:v21+s25+$0x0], $0xffff;
	v25 =	vadd.f32 v46, v45  }
0x9e: {  	v49 =	vld [tilespmem:s23+$0xFFFFFFE0];
	[tilespmem:s0+$0x9220] =	vst v22;
	v48 =	vadd.s32 v2, v24  }
0x9f: {  	v20 =	vld.idx.msk [tilespmem:v20+s25+$0x0], $0xffff;
	[tilespmem:s23+$0xFFFFFFD0] =	vst v25  }
0xa0: {  	v19 =	vadd.f32 v23, v19;
	v23 =	vld.idx.msk [tilespmem:v47+s25+$0x0], $0xffff  }
0xa1: {  	v22 =	vld [tilespmem:s3+$0x9220]  }
0xa2: {  	v18 =	vadd.f32 v18, v21;
	v21 =	vld [tilespmem:s0+$0x9230];
	[tilespmem:s3+$0x9210] =	vst v19;
	v19 =	vadd.s32 v4, v10  }
0xa3: {  	v50 =	vadd.s32 v3, v12;
	v26 =	vld.idx.msk [tilespmem:v48+s25+$0x0], $0xffff;
	_ =	sdelay $0x1  }
0xa4: {  	v28 =	vld [tilespmem:s23+$0xFFFFFFF0];
	v23 =	vadd.f32 v49, v23  }
0xa5: {  	v52 =	vld [tilespmem:s22+$0x0];
	[tilespmem:s22+$0xFFFFFFF0] =	vst v18;
	v18 =	vadd.s32 v3, v24  }
0xa6: {  	v20 =	vadd.f32 v21, v20;
	v19 =	vld.idx.msk [tilespmem:v19+s25+$0x0], $0xffff;
	[tilespmem:s23+$0xFFFFFFE0] =	vst v23  }
0xa7: {  	v51 =	vadd.s32 v4, v9;
	v22 =	vadd.f32 v22, v26;
	v21 =	vld.idx.msk [tilespmem:v50+s25+$0x0], $0xffff  }
0xa8: {  	[tilespmem:s0+$0x9230] =	vst v20  }
0xa9: {  	v20 =	vadd.s32 v5, v10;
	[tilespmem:s3+$0x9220] =	vst v22;
	v22 =	vld [tilespmem:s3+$0x9230]  }
0xaa: {  	v53 =	vadd.s32 v4, v12;
	v18 =	vld.idx.msk [tilespmem:v18+s25+$0x0], $0xffff  }
0xab: {  	v54 =	vld [tilespmem:s0+$0x9240];
	v19 =	vadd.f32 v52, v19  }
0xac: {  	v23 =	vld.idx.msk [tilespmem:v51+s25+$0x0], $0xffff;
	v21 =	vadd.f32 v28, v21  }
0xad: {  	v55 =	vld [tilespmem:s22+$0x30];
	v56 =	vadd.s32 v4, v24;
	[tilespmem:s22+$0x0] =	vst v19  }
0xae: {  	v19 =	vld.idx.msk [tilespmem:v20+s25+$0x0], $0xffff;
	[tilespmem:s23+$0xFFFFFFF0] =	vst v21  }
0xaf: {  	v18 =	vadd.f32 v22, v18;
	v21 =	vld.idx.msk [tilespmem:v53+s25+$0x0], $0xffff  }
0xb0: {  	v20 =	vadd.s32 v5, v9;
	v22 =	vld [tilespmem:s23+$0x0]  }
0xb1: {  	v57 =	vld [tilespmem:s3+$0x9240];
	[tilespmem:s3+$0x9230] =	vst v18;
	v18 =	vadd.f32 v54, v23  }
0xb2: {  	v23 =	vld.idx.msk [tilespmem:v56+s25+$0x0], $0xffff  }
0xb3: {  	v58 =	vld [tilespmem:s22+$0x10];
	[tilespmem:s0+$0x9240] =	vst v18;
	v18 =	vadd.s32 v5, v12  }
0xb4: {  	v59 =	vld [tilespmem:s0+$0x9250]  }
0xb5: {  	v20 =	vld.idx.msk [tilespmem:v20+s25+$0x0], $0xffff;
	v21 =	vadd.f32 v22, v21  }
0xb6: {  	v29 =	vld [tilespmem:s23+$0x30];
	v22 =	vadd.s32 v5, v24  }
0xb7: {  	v30 =	vld [tilespmem:s22+$0x20];
	[tilespmem:s23+$0x0] =	vst v21;
	v21 =	vadd.f32 v57, v23  }
0xb8: {  	v13 =	vadd.f32 v13, v15;
	v23 =	vadd.s32 v6, v10;
	v18 =	vld.idx.msk [tilespmem:v18+s25+$0x0], $0xffff  }
0xb9: {  	v60 =	vadd.s32 v6, v9;
	v19 =	vadd.f32 v58, v19;
	[tilespmem:s3+$0x9240] =	vst v21;
	v21 =	vld [tilespmem:s23+$0x10]  }
0xba: {  	[tilespmem:s14+$0x20] =	vst v13;
	v61 =	vld [tilespmem:s3+$0x9250];
	v20 =	vadd.f32 v59, v20  }
0xbb: {  	[tilespmem:s22+$0x10] =	vst v19;
	v22 =	vld.idx.msk [tilespmem:v22+s25+$0x0], $0xffff  }
0xbc: {  	v17 =	vld.idx.msk [tilespmem:v17+s25+$0x0], $0xffff;
	[tilespmem:s0+$0x9250] =	vst v20;
	v20 =	vadd.s32 v6, v12  }
0xbd: {  	v19 =	vld.idx.msk [tilespmem:v23+s25+$0x0], $0xffff  }
0xbe: {  	v15 =	vld.idx.msk [tilespmem:v60+s25+$0x0], $0xffff;
	v23 =	vadd.s32 v6, v24;
	v18 =	vadd.f32 v21, v18  }
0xbf: {  	v8 =	vadd.s32 v7, v8;
	v21 =	vld [tilespmem:s0+$0x9260]  }
0xc0: {  	v13 =	vadd.f32 v61, v22;
	v22 =	vld [tilespmem:s23+$0x20];
	[tilespmem:s23+$0x10] =	vst v18  }
0xc1: {  	v14 =	vadd.f32 v16, v14;
	v10 =	vadd.s32 v7, v10;
	v16 =	vld.idx.msk [tilespmem:v20+s25+$0x0], $0xffff  }
0xc2: {  	v18 =	vld [tilespmem:s3+$0x9260];
	[tilespmem:s3+$0x9250] =	vst v13  }
0xc3: {  	[tilespmem:s15+$0x9260] =	vst v14;
	v9 =	vadd.s32 v7, v9;
	v14 =	vadd.f32 v30, v19;
	v13 =	vld.idx.msk [tilespmem:v23+s25+$0x0], $0xffff  }
0xc4: {  	v8 =	vld.idx.msk [tilespmem:v8+s25+$0x0], $0xffff;
	v12 =	vadd.s32 v7, v12;
	v15 =	vadd.f32 v21, v15  }
0xc5: {  	v19 =	vld [tilespmem:s15+$0x9270];
	[tilespmem:s22+$0x20] =	vst v14  }
0xc6: {  	v10 =	vld.idx.msk [tilespmem:v10+s25+$0x0], $0xffff;
	[tilespmem:s0+$0x9260] =	vst v15;
	v15 =	vadd.s32 v7, v24;
	v14 =	vadd.f32 v22, v16  }
0xc7: {  	v16 =	vld [tilespmem:s0+$0x9270]  }
0xc8: {  	v9 =	vld.idx.msk [tilespmem:v9+s25+$0x0], $0xffff;
	v13 =	vadd.f32 v18, v13;
	[tilespmem:s23+$0x20] =	vst v14  }
0xc9: {  	v12 =	vld.idx.msk [tilespmem:v12+s25+$0x0], $0xffff  }
0xca: {  	[tilespmem:s3+$0x9260] =	vst v13;
	v13 =	vld [tilespmem:s3+$0x9270]  }
0xcb: {  	v11 =	vadd.f32 v11, v17;
	v14 =	vld.idx.msk [tilespmem:v15+s25+$0x0], $0xffff  }
0xcc: {  	v8 =	vadd.f32 v19, v8  }
0xcd: {  	[tilespmem:s14+$0x30] =	vst v11;
	v10 =	vadd.f32 v55, v10  }
0xce: {  	[tilespmem:s15+$0x9270] =	vst v8;
	v8 =	vadd.f32 v16, v9  }
0xcf: {  	s26 =	sshll.u32 s4, $0x14;
	[tilespmem:s22+$0x30] =	vst v10;
	v9 =	vadd.f32 v29, v12  }
0xd0: {  	s10 =	sor.u32 s6, s26;
	[tilespmem:s0+$0x9270] =	vst v8;
	v8 =	vadd.f32 v13, v14  }
0xd1: {  	s12 =	smov.u32 s11;
	s22 =	sshrl.u32 s10, $0x3;
	[tilespmem:s23+$0x30] =	vst v9  }
0xd2: {  	s14 =	sshll.u32 s4, $0x2;
	s0 =	sadd.s32 s11, s22;
	s11 =	simm.s32 $0x9200;
	[tilespmem:s3+$0x9270] =	vst v8  }
0xd3: {  	[hbm4b:s0+s17] =	stream.strided.scatter [tilespmem:s11], [sflag:$0xD], $0x2000, s18, s17, $0x38;
	[tilespmem:$0x11200] =	vst v63  }
0xd4: {  	s0 =	sor.u32 $0x3, s14  }
0xd5: {  	p0 =	seq.s32 s4, $0x0;
	s23 =	sshll.u32 s4, $0xE;
	s15 =	sshll.u32 s0, $0x7  }
0xd6: {  	s26 =	simm.s32 $0x180;
	s10 =	sand.u32 $0xF8000, s23;
	s3 =	sand.u32 $0x380, s15  }
0xd7: {  	s0 =	sshll.u32 s0, $0x12;
	s15 =	simm.s32 @!p0 $0x10;
	s3 =	sor.u32 s3, s10  }
0xd8: {  	s0 =	sor.u32 s6, s0;
	_ =	swait.ge @!p0 [sflag:s15], $0x2000;
	s3 =	sor.u32 s6, s3  }
0xd9: {  	s10 =	simm.s32 $0x0;
	[sflag:s15] =	ssyncset.done @!p0 $0x0;
	s3 =	sshrl.u32 s3, $0x3  }
0xda: {  	[sflag:s15] =	ssyncadd.s32 @!p0 $0xFFFFE000;
	s15 =	sshrl.u32 s0, $0x3;
	s3 =	sadd.s32 s2, s3  }
0xdb: {  	[tilespmem:s26], [sflag:$0x4] =	stream.linear.gather [hbm4b:s3+s10], $0x80, $0x38;
	[tilespmem:$0x11200] =	vst v63  }
0xdc: {  	s23 =	simm.s32 $0x3;
	s11 =	simm.s32 $0xF200;
	s0 =	sadd.s32 s1, s15  }
0xdd: {  	[tilespmem:s11], [sflag:$0x8] =	stream.strided.gather [hbm4b:s0+s17], $0x2000, s18, s17, $0x38;
	[tilespmem:$0x11200] =	vst v63  }
0xde: {  	_ =	swait.ge [sflag:s23], $0x80  }
0xdf: {  	[sflag:s23] =	ssyncset.done $0x0  }
0xe0: {  	s26 =	simm.s32 $0x6;
	s0 =	simm.s32 $0x80;
	[sflag:s23] =	ssyncadd.s32 $0xFFFFFF80  }
0xe1: {  	[tilespmem:s20], [sflag:$0xB] =	stream.indirect.gather [hbm4b:s7+s0], $0x48, s30, s0, $0xb8;
	[tilespmem:$0x11200] =	vst v63  }
0xe2: {  	v8 =	vmov s10;
	s10 =	simm.s32 $0x1;
	_ =	swait.ge [sflag:s26], $0x2000  }
0xe3: {  	v17 =	vand.u32 $0x3E, v8;
	v8 =	vmov s10;
	[sflag:s26] =	ssyncset.done $0x0  }
0xe4: {  	v9 =	vadd.s32 v0, v17;
	v8 =	vand.u32 $0x3F, v8;
	s23 =	simm.s32 $0xA;
	[sflag:s26] =	ssyncadd.s32 $0xFFFFE000  }
0xe5: {  	v10 =	vadd.s32 v0, v8;
	_ =	swait.ge [sflag:s23], $0x2400  }
0xe6: {  	[sflag:s23] =	ssyncset.done $0x0  }
0xe7: {  	[sflag:s23] =	ssyncadd.s32 $0xFFFFDC00;
	s23 =	simm.s32 $0xB240  }
0xe8: {  	s26 =	simm.s32 $0x0;
	v11 =	vld [tilespmem:s23+$0xFFFFFFC0]  }
0xe9: {  	s0 =	sand.u32 $0x380, s0;
	s3 =	sand.u32 $0x1C00, s26;
	v9 =	vld.idx.msk [tilespmem:v9+s28+$0x0], $0xffff  }
0xea: {  	s31 =	sor.u32 s0, s3;
	v10 =	vld.idx.msk [tilespmem:v10+s28+$0x0], $0xffff  }
0xeb: {  	v12 =	vld [tilespmem:s31+$0xB200];
	_ =	sdelay $0x1  }
0xec: {  	v13 =	vadd.s32 v1, v17  }
0xed: {  	v9 =	vadd.f32 v11, v9;
	v11 =	vadd.s32 v1, v8;
	_ =	sdelay $0x1  }
0xee: {  	[tilespmem:s23+$0xFFFFFFC0] =	vst v9;
	v9 =	vadd.f32 v12, v10  }
0xef: {  	v12 =	vld [tilespmem:s23+$0xFFFFFFD0]  }
0xf0: {  	v10 =	vld.idx.msk [tilespmem:v13+s28+$0x0], $0xffff;
	[tilespmem:s31+$0xB200] =	vst v9  }
0xf1: {  	v9 =	vld.idx.msk [tilespmem:v11+s28+$0x0], $0xffff  }
0xf2: {  	v11 =	vld [tilespmem:s31+$0xB210]  }
0xf3: {  	v13 =	vadd.s32 v2, v17;
	_ =	sdelay $0x1  }
0xf4: {  	v10 =	vadd.f32 v12, v10;
	v12 =	vadd.s32 v2, v8;
	_ =	sdelay $0x1  }
0xf5: {  	[tilespmem:s23+$0xFFFFFFD0] =	vst v10;
	v9 =	vadd.f32 v11, v9;
	v11 =	vld [tilespmem:s23+$0xFFFFFFE0]  }
0xf6: {  	v10 =	vld.idx.msk [tilespmem:v13+s28+$0x0], $0xffff  }
0xf7: {  	[tilespmem:s31+$0xB210] =	vst v9  }
0xf8: {  	v9 =	vld.idx.msk [tilespmem:v12+s28+$0x0], $0xffff  }
0xf9: {  	v13 =	vadd.s32 v3, v17;
	v12 =	vld [tilespmem:s31+$0xB220];
	_ =	sdelay $0x1  }
0xfa: {  	v11 =	vadd.f32 v11, v10  }
0xfb: {  	v14 =	vadd.s32 v3, v8;
	s3 =	simm.s32 $0x2  }
0xfc: {  	s10 =	simm.s32 $0x3;
	v15 =	vld [tilespmem:s23+$0xFFFFFFF0];
	v10 =	vmov s3;
	[tilespmem:s23+$0xFFFFFFE0] =	vst v11  }
0xfd: {  	v10 =	vand.u32 $0x3E, v10;
	v12 =	vadd.f32 v12, v9;
	v9 =	vmov s10;
	v13 =	vld.idx.msk [tilespmem:v13+s28+$0x0], $0xffff  }
0xfe: {  	v11 =	vadd.s32 v0, v10;
	v9 =	vand.u32 $0x3F, v9  }
0xff: {  	s11 =	simm.s32 $0x100;
	s30 =	simm.s32 $0x180;
	v16 =	vld [tilespmem:s31+$0xB230];
	[tilespmem:s31+$0xB220] =	vst v12;
	v12 =	vadd.s32 v0, v9  }
0x100: {  	v18 =	vadd.s32 v4, v17;
	s26 =	sand.u32 $0x380, s30;
	s0 =	simm.s32 $0xB340;
	s3 =	sand.u32 $0x1C00, s11;
	v14 =	vld.idx.msk [tilespmem:v14+s28+$0x0], $0xffff  }
0x101: {  	v19 =	vld [tilespmem:s0+$0xFFFFFFC0];
	s26 =	sor.u32 s26, s3  }
0x102: {  	v20 =	vld [tilespmem:s26+$0xB200];
	v13 =	vadd.f32 v15, v13  }
0x103: {  	v11 =	vld.idx.msk [tilespmem:v11+s28+$0x0], $0xffff  }
0x104: {  	v15 =	vadd.s32 v4, v8;
	v12 =	vld.idx.msk [tilespmem:v12+s28+$0x0], $0xffff;
	[tilespmem:s23+$0xFFFFFFF0] =	vst v13  }
0x105: {  	v13 =	vadd.f32 v16, v14;
	v16 =	vld.idx.msk [tilespmem:v18+s28+$0x0], $0xffff  }
0x106: {  	v14 =	vadd.s32 v1, v10;
	v18 =	vld [tilespmem:s23+$0x0];
	_ =	sdelay $0x1  }
0x107: {  	[tilespmem:s31+$0xB230] =	vst v13;
	v11 =	vadd.f32 v19, v11;
	v13 =	vadd.s32 v1, v9;
	v19 =	vld [tilespmem:s31+$0xB240]  }
0x108: {  	v15 =	vld.idx.msk [tilespmem:v15+s28+$0x0], $0xffff;
	v12 =	vadd.f32 v20, v12;
	v20 =	vadd.s32 v5, v17  }
0x109: {  	v21 =	vld [tilespmem:s0+$0xFFFFFFD0];
	[tilespmem:s0+$0xFFFFFFC0] =	vst v11  }
0x10a: {  	v14 =	vld.idx.msk [tilespmem:v14+s28+$0x0], $0xffff;
	[tilespmem:s26+$0xB200] =	vst v12;
	v12 =	vadd.f32 v18, v16  }
0x10b: {  	v16 =	vadd.s32 v5, v8;
	v18 =	vld [tilespmem:s26+$0xB210]  }
0x10c: {  	v13 =	vld.idx.msk [tilespmem:v13+s28+$0x0], $0xffff;
	[tilespmem:s23+$0x0] =	vst v12  }
0x10d: {  	v12 =	vadd.f32 v19, v15;
	v19 =	vld.idx.msk [tilespmem:v20+s28+$0x0], $0xffff  }
0x10e: {  	v15 =	vadd.s32 v2, v10;
	v20 =	vld [tilespmem:s23+$0x10]  }
0x10f: {  	[tilespmem:s31+$0xB240] =	vst v12;
	v12 =	vadd.f32 v21, v14;
	v21 =	vld [tilespmem:s31+$0xB250]  }
0x110: {  	v16 =	vld.idx.msk [tilespmem:v16+s28+$0x0], $0xffff  }
0x111: {  	v23 =	vld [tilespmem:s0+$0xFFFFFFE0];
	v14 =	vadd.s32 v2, v9;
	[tilespmem:s0+$0xFFFFFFD0] =	vst v12;
	v12 =	vadd.f32 v18, v13  }
0x112: {  	v63 =	vld [tilespmem:s26+$0xB220]  }
0x113: {  	v18 =	vadd.s32 v6, v17;
	v22 =	vld.idx.msk [tilespmem:v15+s28+$0x0], $0xffff;
	[tilespmem:s26+$0xB210] =	vst v12;
	v12 =	vadd.f32 v20, v19  }
0x114: {  	v11 =	vld [tilespmem:s23+$0x30]  }
0x115: {  	s11 =	simm.s32 $0x4;
	v13 =	vld [tilespmem:s23+$0x20];
	v19 =	vadd.s32 v6, v8;
	[tilespmem:s23+$0x10] =	vst v12;
	v12 =	vadd.f32 v21, v16  }
0x116: {  	v62 =	vld.idx.msk [tilespmem:v14+s28+$0x0], $0xffff;
	v14 =	vmov s11  }
0x117: {  	v21 =	vadd.s32 v3, v10;
	v16 =	vld [tilespmem:s31+$0xB260];
	[tilespmem:s31+$0xB250] =	vst v12;
	v12 =	vand.u32 $0x3E, v14  }
0x118: {  	v15 =	vld.idx.msk [tilespmem:v18+s28+$0x0], $0xffff;
	v22 =	vadd.f32 v23, v22;
	v23 =	vadd.s32 v0, v12  }
0x119: {  	v20 =	vadd.s32 v3, v9;
	v18 =	vld [tilespmem:s0+$0xFFFFFFF0]  }
0x11a: {  	s29 =	simm.s32 $0xB440;
	v14 =	vld.idx.msk [tilespmem:v19+s28+$0x0], $0xffff  }
0x11b: {  	s3 =	simm.s32 $0x6;
	s10 =	simm.s32 $0x5;
	v17 =	vadd.s32 v7, v17;
	v19 =	vld [tilespmem:s29+$0xFFFFFFC0];
	[tilespmem:s0+$0xFFFFFFE0] =	vst v22;
	v22 =	vadd.f32 v63, v62  }
.LBB2_5:
0x11c: {  	p0 =	slt.u32 s3, $0x3E;
	v24 =	vmov s10;
	v21 =	vld.idx.msk [tilespmem:v21+s28+$0x0], $0xffff  }
0x11d: {  	v13 =	vadd.f32 v13, v15;
	v15 =	vadd.s32 v7, v8;
	v23 =	vld.idx.msk [tilespmem:v23+s28+$0x0], $0xffff;
	v24 =	vand.u32 $0x3F, v24;
	[tilespmem:s26+$0xB220] =	vst v22  }
0x11e: {  	v8 =	vmov v9;
	v22 =	vadd.s32 v0, v24;
	v20 =	vld.idx.msk [tilespmem:v20+s28+$0x0], $0xffff;
	v9 =	vmov v24  }
0x11f: {  	v24 =	vld [tilespmem:s26+$0xB230];
	[tilespmem:s23+$0x20] =	vst v13;
	v13 =	vadd.f32 v16, v14  }
0x120: {  	s30 =	sadd.s32 $0x100, s30;
	v14 =	vadd.s32 v4, v10;
	v16 =	vld.idx.msk [tilespmem:v17+s28+$0x0], $0xffff  }
0x121: {  	s10 =	sadd.s32 $0xFFFFFF80, s30;
	[tilespmem:s31+$0xB260] =	vst v13;
	v13 =	vld [tilespmem:s31+$0xB270]  }
0x122: {  	s11 =	sand.u32 $0x380, s30;
	s10 =	sand.u32 $0x1C00, s10;
	v17 =	vadd.f32 v18, v21;
	v18 =	vadd.s32 v4, v8;
	v15 =	vld.idx.msk [tilespmem:v15+s28+$0x0], $0xffff  }
0x123: {  	s10 =	sor.u32 s11, s10;
	v21 =	vld.idx.msk [tilespmem:v22+s28+$0x0], $0xffff  }
0x124: {  	v22 =	vld [tilespmem:s10+$0xB200];
	[tilespmem:s0+$0xFFFFFFF0] =	vst v17;
	v17 =	vadd.f32 v24, v20  }
0x125: {  	v20 =	vadd.s32 v1, v12;
	v14 =	vld.idx.msk [tilespmem:v14+s28+$0x0], $0xffff  }
0x126: {  	v19 =	vadd.f32 v19, v23;
	v23 =	vld [tilespmem:s0+$0x0];
	[tilespmem:s26+$0xB230] =	vst v17  }
0x127: {  	v16 =	vadd.f32 v11, v16;
	v17 =	vadd.s32 v1, v9;
	v18 =	vld.idx.msk [tilespmem:v18+s28+$0x0], $0xffff  }
0x128: {  	v13 =	vadd.f32 v13, v15;
	[tilespmem:s29+$0xFFFFFFC0] =	vst v19;
	v19 =	vld [tilespmem:s26+$0xB240]  }
0x129: {  	v15 =	vadd.f32 v22, v21;
	v21 =	vadd.s32 v5, v10;
	v11 =	vld [tilespmem:s0+$0x30];
	[tilespmem:s23+$0x30] =	vst v16;
	s23 =	smov.u32 s0;
	s0 =	smov.u32 s29  }
0x12a: {  	v16 =	vld.idx.msk [tilespmem:v20+s28+$0x0], $0xffff;
	[tilespmem:s31+$0xB270] =	vst v13;
	s31 =	smov.u32 s26;
	s26 =	smov.u32 s10  }
0x12b: {  	v13 =	vld [tilespmem:s29+$0xFFFFFFD0];
	[tilespmem:s26+$0xB200] =	vst v15;
	v14 =	vadd.f32 v23, v14;
	v15 =	vadd.s32 v5, v8  }
0x12c: {  	v17 =	vld.idx.msk [tilespmem:v17+s28+$0x0], $0xffff  }
0x12d: {  	v20 =	vld [tilespmem:s26+$0xB210];
	[tilespmem:s23+$0x0] =	vst v14;
	v14 =	vadd.f32 v19, v18  }
0x12e: {  	v18 =	vadd.s32 v2, v12;
	v19 =	vld.idx.msk [tilespmem:v21+s28+$0x0], $0xffff  }
0x12f: {  	v21 =	vld [tilespmem:s23+$0x10];
	[tilespmem:s31+$0xB240] =	vst v14  }
0x130: {  	v14 =	vadd.s32 v2, v9;
	v13 =	vadd.f32 v13, v16;
	v15 =	vld.idx.msk [tilespmem:v15+s28+$0x0], $0xffff  }
0x131: {  	v16 =	vld [tilespmem:s31+$0xB250]  }
0x132: {  	[tilespmem:s29+$0xFFFFFFD0] =	vst v13;
	v17 =	vadd.f32 v20, v17;
	v20 =	vadd.s32 v6, v10;
	v13 =	vld [tilespmem:s23+$0x20]  }
0x133: {  	v22 =	vld.idx.msk [tilespmem:v18+s28+$0x0], $0xffff  }
0x134: {  	v24 =	vld [tilespmem:s29+$0xFFFFFFE0];
	[tilespmem:s26+$0xB210] =	vst v17;
	v17 =	vadd.f32 v21, v19;
	v19 =	vadd.s32 v6, v8  }
0x135: {  	v25 =	vld.idx.msk [tilespmem:v14+s28+$0x0], $0xffff  }
0x136: {  	v14 =	vmov s3;
	v26 =	vld [tilespmem:s26+$0xB220];
	[tilespmem:s23+$0x10] =	vst v17;
	v16 =	vadd.f32 v16, v15  }
.Ltmp3:
0x137: {  	v21 =	vadd.s32 v3, v12;
	v27 =	vand.u32 $0x3E, v14;
	v15 =	vld.idx.msk [tilespmem:v20+s28+$0x0], $0xffff;
	(pc) =	sbr.rel @p0 .LBB2_5-.Ltmp3, $4  }
0x138: {  	v23 =	vadd.s32 v0, v27;
	v18 =	vld [tilespmem:s29+$0xFFFFFFF0];
	[tilespmem:s31+$0xB250] =	vst v16  }
0x139: {  	v20 =	vadd.s32 v3, v9;
	v17 =	vadd.f32 v24, v22;
	v14 =	vld.idx.msk [tilespmem:v19+s28+$0x0], $0xffff  }
0x13a: {  	s29 =	sadd.s32 $0x100, s29;
	v16 =	vld [tilespmem:s31+$0xB260]  }
0x13b: {  	s10 =	sadd.s32 $0x1, s3;
	s3 =	sadd.s32 $0x2, s3;
	v19 =	vld [tilespmem:s29+$0xFFFFFFC0];
	[tilespmem:s0+$0xFFFFFFE0] =	vst v17;
	v22 =	vadd.f32 v26, v25;
	v17 =	vadd.s32 v7, v10;
	v10 =	vmovc v12;
	v12 =	vmov v27  }
0x13c: {  	v24 =	vmov s10  }
0x13d: {  	v24 =	vand.u32 $0x3F, v24  }
0x13e: {  	s3 =	sadd.s32 $0x100, s30;
	v25 =	vadd.s32 v0, v24  }
0x13f: {  	s11 =	sadd.s32 $0xFFFFFF80, s3  }
0x140: {  	s3 =	sand.u32 $0x380, s3;
	s10 =	sand.u32 $0x1C00, s11  }
0x141: {  	v23 =	vld.idx.msk [tilespmem:v23+s28+$0x0], $0xffff;
	s3 =	sor.u32 s3, s10  }
0x142: {  	v26 =	vld [tilespmem:s3+$0xB200]  }
0x143: {  	v25 =	vld.idx.msk [tilespmem:v25+s28+$0x0], $0xffff  }
0x144: {  	v27 =	vadd.s32 v1, v12;
	_ =	sdelay $0x1  }
0x145: {  	v19 =	vadd.f32 v19, v23;
	v23 =	vadd.s32 v1, v24;
	_ =	sdelay $0x1  }
0x146: {  	v46 =	vld [tilespmem:s29+$0xFFFFFFD0];
	[tilespmem:s29+$0xFFFFFFC0] =	vst v19;
	v19 =	vadd.f32 v26, v25  }
0x147: {  	v45 =	vld.idx.msk [tilespmem:v27+s28+$0x0], $0xffff  }
0x148: {  	[tilespmem:s3+$0xB200] =	vst v19  }
0x149: {  	v19 =	vld.idx.msk [tilespmem:v23+s28+$0x0], $0xffff  }
0x14a: {  	v47 =	vadd.s32 v2, v12;
	v23 =	vld [tilespmem:s3+$0xB210];
	_ =	sdelay $0x1  }
0x14b: {  	v21 =	vld.idx.msk [tilespmem:v21+s28+$0x0], $0xffff;
	v25 =	vadd.f32 v46, v45  }
0x14c: {  	v49 =	vld [tilespmem:s29+$0xFFFFFFE0];
	[tilespmem:s26+$0xB220] =	vst v22;
	v48 =	vadd.s32 v2, v24  }
0x14d: {  	v20 =	vld.idx.msk [tilespmem:v20+s28+$0x0], $0xffff;
	[tilespmem:s29+$0xFFFFFFD0] =	vst v25  }
0x14e: {  	v19 =	vadd.f32 v23, v19;
	v23 =	vld.idx.msk [tilespmem:v47+s28+$0x0], $0xffff  }
0x14f: {  	v22 =	vld [tilespmem:s3+$0xB220]  }
0x150: {  	v18 =	vadd.f32 v18, v21;
	v21 =	vld [tilespmem:s26+$0xB230];
	[tilespmem:s3+$0xB210] =	vst v19;
	v19 =	vadd.s32 v4, v10  }
0x151: {  	v50 =	vadd.s32 v3, v12;
	v26 =	vld.idx.msk [tilespmem:v48+s28+$0x0], $0xffff;
	_ =	sdelay $0x1  }
0x152: {  	v28 =	vld [tilespmem:s29+$0xFFFFFFF0];
	v23 =	vadd.f32 v49, v23  }
0x153: {  	v52 =	vld [tilespmem:s0+$0x0];
	[tilespmem:s0+$0xFFFFFFF0] =	vst v18;
	v18 =	vadd.s32 v3, v24  }
0x154: {  	v20 =	vadd.f32 v21, v20;
	v19 =	vld.idx.msk [tilespmem:v19+s28+$0x0], $0xffff;
	[tilespmem:s29+$0xFFFFFFE0] =	vst v23  }
0x155: {  	v51 =	vadd.s32 v4, v9;
	v22 =	vadd.f32 v22, v26;
	v21 =	vld.idx.msk [tilespmem:v50+s28+$0x0], $0xffff  }
0x156: {  	[tilespmem:s26+$0xB230] =	vst v20  }
0x157: {  	v20 =	vadd.s32 v5, v10;
	[tilespmem:s3+$0xB220] =	vst v22;
	v22 =	vld [tilespmem:s3+$0xB230]  }
0x158: {  	v53 =	vadd.s32 v4, v12;
	v18 =	vld.idx.msk [tilespmem:v18+s28+$0x0], $0xffff  }
0x159: {  	v54 =	vld [tilespmem:s26+$0xB240];
	v19 =	vadd.f32 v52, v19  }
0x15a: {  	v23 =	vld.idx.msk [tilespmem:v51+s28+$0x0], $0xffff;
	v21 =	vadd.f32 v28, v21  }
0x15b: {  	v55 =	vld [tilespmem:s0+$0x30];
	v56 =	vadd.s32 v4, v24;
	[tilespmem:s0+$0x0] =	vst v19  }
0x15c: {  	v19 =	vld.idx.msk [tilespmem:v20+s28+$0x0], $0xffff;
	[tilespmem:s29+$0xFFFFFFF0] =	vst v21  }
0x15d: {  	v18 =	vadd.f32 v22, v18;
	v21 =	vld.idx.msk [tilespmem:v53+s28+$0x0], $0xffff  }
0x15e: {  	v20 =	vadd.s32 v5, v9;
	v22 =	vld [tilespmem:s29+$0x0]  }
0x15f: {  	v57 =	vld [tilespmem:s3+$0xB240];
	[tilespmem:s3+$0xB230] =	vst v18;
	v18 =	vadd.f32 v54, v23  }
0x160: {  	v23 =	vld.idx.msk [tilespmem:v56+s28+$0x0], $0xffff  }
0x161: {  	v58 =	vld [tilespmem:s0+$0x10];
	[tilespmem:s26+$0xB240] =	vst v18;
	v18 =	vadd.s32 v5, v12  }
0x162: {  	v59 =	vld [tilespmem:s26+$0xB250]  }
0x163: {  	v20 =	vld.idx.msk [tilespmem:v20+s28+$0x0], $0xffff;
	v21 =	vadd.f32 v22, v21  }
0x164: {  	v29 =	vld [tilespmem:s29+$0x30];
	v22 =	vadd.s32 v5, v24  }
0x165: {  	v30 =	vld [tilespmem:s0+$0x20];
	[tilespmem:s29+$0x0] =	vst v21;
	v21 =	vadd.f32 v57, v23  }
0x166: {  	v13 =	vadd.f32 v13, v15;
	v23 =	vadd.s32 v6, v10;
	v18 =	vld.idx.msk [tilespmem:v18+s28+$0x0], $0xffff  }
0x167: {  	v60 =	vadd.s32 v6, v9;
	v19 =	vadd.f32 v58, v19;
	[tilespmem:s3+$0xB240] =	vst v21;
	v21 =	vld [tilespmem:s29+$0x10]  }
0x168: {  	[tilespmem:s23+$0x20] =	vst v13;
	v61 =	vld [tilespmem:s3+$0xB250];
	v20 =	vadd.f32 v59, v20  }
0x169: {  	[tilespmem:s0+$0x10] =	vst v19;
	v22 =	vld.idx.msk [tilespmem:v22+s28+$0x0], $0xffff  }
0x16a: {  	v17 =	vld.idx.msk [tilespmem:v17+s28+$0x0], $0xffff;
	[tilespmem:s26+$0xB250] =	vst v20;
	v20 =	vadd.s32 v6, v12  }
0x16b: {  	v19 =	vld.idx.msk [tilespmem:v23+s28+$0x0], $0xffff  }
0x16c: {  	v15 =	vld.idx.msk [tilespmem:v60+s28+$0x0], $0xffff;
	v23 =	vadd.s32 v6, v24;
	v18 =	vadd.f32 v21, v18  }
0x16d: {  	v8 =	vadd.s32 v7, v8;
	v21 =	vld [tilespmem:s26+$0xB260]  }
0x16e: {  	v13 =	vadd.f32 v61, v22;
	v22 =	vld [tilespmem:s29+$0x20];
	[tilespmem:s29+$0x10] =	vst v18  }
0x16f: {  	v14 =	vadd.f32 v16, v14;
	v10 =	vadd.s32 v7, v10;
	v16 =	vld.idx.msk [tilespmem:v20+s28+$0x0], $0xffff  }
0x170: {  	v18 =	vld [tilespmem:s3+$0xB260];
	[tilespmem:s3+$0xB250] =	vst v13  }
0x171: {  	[tilespmem:s31+$0xB260] =	vst v14;
	v9 =	vadd.s32 v7, v9;
	v14 =	vadd.f32 v30, v19;
	v13 =	vld.idx.msk [tilespmem:v23+s28+$0x0], $0xffff  }
0x172: {  	v8 =	vld.idx.msk [tilespmem:v8+s28+$0x0], $0xffff;
	v12 =	vadd.s32 v7, v12;
	v15 =	vadd.f32 v21, v15  }
0x173: {  	v19 =	vld [tilespmem:s31+$0xB270];
	[tilespmem:s0+$0x20] =	vst v14  }
0x174: {  	v10 =	vld.idx.msk [tilespmem:v10+s28+$0x0], $0xffff;
	[tilespmem:s26+$0xB260] =	vst v15;
	v15 =	vadd.s32 v7, v24;
	v14 =	vadd.f32 v22, v16  }
0x175: {  	v16 =	vld [tilespmem:s26+$0xB270]  }
0x176: {  	v9 =	vld.idx.msk [tilespmem:v9+s28+$0x0], $0xffff;
	v13 =	vadd.f32 v18, v13;
	[tilespmem:s29+$0x20] =	vst v14  }
0x177: {  	v12 =	vld.idx.msk [tilespmem:v12+s28+$0x0], $0xffff  }
0x178: {  	[tilespmem:s3+$0xB260] =	vst v13;
	v13 =	vld [tilespmem:s3+$0xB270]  }
0x179: {  	v11 =	vadd.f32 v11, v17;
	v14 =	vld.idx.msk [tilespmem:v15+s28+$0x0], $0xffff  }
0x17a: {  	v8 =	vadd.f32 v19, v8  }
0x17b: {  	[tilespmem:s23+$0x30] =	vst v11;
	v10 =	vadd.f32 v55, v10  }
0x17c: {  	[tilespmem:s31+$0xB270] =	vst v8;
	v8 =	vadd.f32 v16, v9  }
0x17d: {  	[tilespmem:s0+$0x30] =	vst v10;
	v9 =	vadd.f32 v29, v12  }
0x17e: {  	[tilespmem:s26+$0xB270] =	vst v8;
	v8 =	vadd.f32 v13, v14  }
0x17f: {  	[tilespmem:s29+$0x30] =	vst v9  }
0x180: {  	[tilespmem:s3+$0xB270] =	vst v8  }
0x181: {  	s0 =	rddreg [dreg:$0xb]  }
0x182: {  	p0 =	seq.s32 s4, $0x31;
	s23 =	simm.s32 $0xB200;
	s0 =	sadd.s32 s22, s0  }
0x183: {  	[hbm4b:s0+s17] =	stream.strided.scatter [tilespmem:s23], [sflag:$0xE], $0x2000, s18, s17, $0x38;
	[tilespmem:$0x11200] =	vst v63  }
0x184: {  	s0 =	sadd.s32 @!p0 $0x4, s14  }
0x185: {  	s3 =	sshll.u32 @!p0 s0, $0x7;
	s10 =	sshll.u32 @!p0 s0, $0xC  }
0x186: {  	s26 =	simm.s32 $0xD;
	s3 =	sand.u32 @!p0 $0x200, s3;
	s10 =	sand.u32 @!p0 $0x1F8000, s10  }
0x187: {  	s11 =	simm.s32 @!p0 $0x9200;
	_ =	swait.ge [sflag:s26], $0x2000;
	s3 =	sor.u32 @!p0 s10, s3  }
0x188: {  	s0 =	sshll.u32 @!p0 s0, $0x12;
	[sflag:s26] =	ssyncset.done $0x0;
	s3 =	sor.u32 @!p0 s6, s3  }
0x189: {  	s0 =	sor.u32 @!p0 s6, s0;
	[sflag:s26] =	ssyncadd.s32 $0xFFFFE000;
	s3 =	sshrl.u32 @!p0 s3, $0x3  }
0x18a: {  	s10 =	simm.s32 @!p0 $0x0;
	s0 =	sshrl.u32 @!p0 s0, $0x3;
	s3 =	sadd.s32 @!p0 s2, s3  }
0x18b: {  	[tilespmem:s10], [sflag:$0x1] =	stream.linear.gather @!p0 [hbm4b:s3+s10], $0x80, $0x38;
	[tilespmem:$0x11200] =	vst v63  }
0x18c: {  	s0 =	sadd.s32 @!p0 s1, s0;
	s3 =	simm.s32 @!p0 $0x400;
	s10 =	simm.s32 @!p0 $0x8000  }
0x18d: {  	[tilespmem:s11], [sflag:$0x5] =	stream.strided.gather @!p0 [hbm4b:s0+s3], $0x2000, s10, s3, $0x38;
	[tilespmem:$0x11200] =	vst v63  }
0x18e: {  	_ =	swait.ge [sflag:s13], $0x80  }
0x18f: {  	s0 =	simm.s32 $0x80;
	[sflag:s13] =	ssyncset.done $0x0  }
0x190: {  	s10 =	simm.s32 $0x180;
	s11 =	simm.s32 $0x0;
	[sflag:s13] =	ssyncadd.s32 $0xFFFFFF80  }
0x191: {  	[tilespmem:s16], [sflag:$0xC] =	stream.indirect.gather [hbm4b:s7+s0], $0x48, s10, s0, $0xb8;
	[tilespmem:$0x11200] =	vst v63  }
0x192: {  	s23 =	simm.s32 $0x1;
	v8 =	vmov s11;
	_ =	swait.ge [sflag:s8], $0x2000  }
0x193: {  	v17 =	vand.u32 $0x3E, v8;
	v8 =	vmov s23;
	[sflag:s8] =	ssyncset.done $0x0  }
0x194: {  	v9 =	vadd.s32 v0, v17;
	v8 =	vand.u32 $0x3F, v8;
	[sflag:s8] =	ssyncadd.s32 $0xFFFFE000  }
0x195: {  	v10 =	vadd.s32 v0, v8;
	_ =	swait.ge [sflag:s9], $0x2400  }
0x196: {  	[sflag:s9] =	ssyncset.done $0x0  }
0x197: {  	s23 =	simm.s32 $0xD240;
	[sflag:s9] =	ssyncadd.s32 $0xFFFFDC00  }
0x198: {  	s26 =	simm.s32 $0x0;
	v11 =	vld [tilespmem:s23+$0xFFFFFFC0]  }
0x199: {  	s3 =	sand.u32 $0x1C00, s26;
	s0 =	sand.u32 $0x380, s0;
	v9 =	vld.idx.msk [tilespmem:v9+s20+$0x0], $0xffff  }
0x19a: {  	s31 =	sor.u32 s0, s3;
	v10 =	vld.idx.msk [tilespmem:v10+s20+$0x0], $0xffff  }
0x19b: {  	v12 =	vld [tilespmem:s31+$0xD200];
	_ =	sdelay $0x1  }
0x19c: {  	v13 =	vadd.s32 v1, v17  }
0x19d: {  	v9 =	vadd.f32 v11, v9;
	v11 =	vadd.s32 v1, v8;
	_ =	sdelay $0x1  }
0x19e: {  	[tilespmem:s23+$0xFFFFFFC0] =	vst v9;
	v9 =	vadd.f32 v12, v10  }
0x19f: {  	v12 =	vld [tilespmem:s23+$0xFFFFFFD0]  }
0x1a0: {  	v10 =	vld.idx.msk [tilespmem:v13+s20+$0x0], $0xffff;
	[tilespmem:s31+$0xD200] =	vst v9  }
0x1a1: {  	v9 =	vld.idx.msk [tilespmem:v11+s20+$0x0], $0xffff  }
0x1a2: {  	v11 =	vld [tilespmem:s31+$0xD210]  }
0x1a3: {  	v13 =	vadd.s32 v2, v17;
	_ =	sdelay $0x1  }
0x1a4: {  	v10 =	vadd.f32 v12, v10;
	v12 =	vadd.s32 v2, v8;
	_ =	sdelay $0x1  }
0x1a5: {  	[tilespmem:s23+$0xFFFFFFD0] =	vst v10;
	v9 =	vadd.f32 v11, v9;
	v11 =	vld [tilespmem:s23+$0xFFFFFFE0]  }
0x1a6: {  	v10 =	vld.idx.msk [tilespmem:v13+s20+$0x0], $0xffff  }
0x1a7: {  	[tilespmem:s31+$0xD210] =	vst v9  }
0x1a8: {  	v9 =	vld.idx.msk [tilespmem:v12+s20+$0x0], $0xffff  }
0x1a9: {  	v13 =	vadd.s32 v3, v17;
	v12 =	vld [tilespmem:s31+$0xD220];
	_ =	sdelay $0x1  }
0x1aa: {  	v11 =	vadd.f32 v11, v10  }
0x1ab: {  	v14 =	vadd.s32 v3, v8;
	s3 =	simm.s32 $0x2  }
0x1ac: {  	s10 =	simm.s32 $0x3;
	v15 =	vld [tilespmem:s23+$0xFFFFFFF0];
	v10 =	vmov s3;
	[tilespmem:s23+$0xFFFFFFE0] =	vst v11  }
0x1ad: {  	v10 =	vand.u32 $0x3E, v10;
	v12 =	vadd.f32 v12, v9;
	v9 =	vmov s10;
	v13 =	vld.idx.msk [tilespmem:v13+s20+$0x0], $0xffff  }
0x1ae: {  	v11 =	vadd.s32 v0, v10;
	v9 =	vand.u32 $0x3F, v9  }
0x1af: {  	s30 =	simm.s32 $0x180;
	s11 =	simm.s32 $0x100;
	v16 =	vld [tilespmem:s31+$0xD230];
	[tilespmem:s31+$0xD220] =	vst v12;
	v12 =	vadd.s32 v0, v9  }
0x1b0: {  	s26 =	sand.u32 $0x380, s30;
	v18 =	vadd.s32 v4, v17;
	s0 =	simm.s32 $0xD340;
	s3 =	sand.u32 $0x1C00, s11;
	v14 =	vld.idx.msk [tilespmem:v14+s20+$0x0], $0xffff  }
0x1b1: {  	v19 =	vld [tilespmem:s0+$0xFFFFFFC0];
	s26 =	sor.u32 s26, s3  }
0x1b2: {  	v20 =	vld [tilespmem:s26+$0xD200];
	v13 =	vadd.f32 v15, v13  }
0x1b3: {  	v11 =	vld.idx.msk [tilespmem:v11+s20+$0x0], $0xffff  }
0x1b4: {  	v15 =	vadd.s32 v4, v8;
	v12 =	vld.idx.msk [tilespmem:v12+s20+$0x0], $0xffff;
	[tilespmem:s23+$0xFFFFFFF0] =	vst v13  }
0x1b5: {  	v13 =	vadd.f32 v16, v14;
	v16 =	vld.idx.msk [tilespmem:v18+s20+$0x0], $0xffff  }
0x1b6: {  	v14 =	vadd.s32 v1, v10;
	v18 =	vld [tilespmem:s23+$0x0];
	_ =	sdelay $0x1  }
0x1b7: {  	[tilespmem:s31+$0xD230] =	vst v13;
	v11 =	vadd.f32 v19, v11;
	v13 =	vadd.s32 v1, v9;
	v19 =	vld [tilespmem:s31+$0xD240]  }
0x1b8: {  	v15 =	vld.idx.msk [tilespmem:v15+s20+$0x0], $0xffff;
	v12 =	vadd.f32 v20, v12;
	v20 =	vadd.s32 v5, v17  }
0x1b9: {  	v21 =	vld [tilespmem:s0+$0xFFFFFFD0];
	[tilespmem:s0+$0xFFFFFFC0] =	vst v11  }
0x1ba: {  	v14 =	vld.idx.msk [tilespmem:v14+s20+$0x0], $0xffff;
	[tilespmem:s26+$0xD200] =	vst v12;
	v12 =	vadd.f32 v18, v16  }
0x1bb: {  	v16 =	vadd.s32 v5, v8;
	v18 =	vld [tilespmem:s26+$0xD210]  }
0x1bc: {  	v13 =	vld.idx.msk [tilespmem:v13+s20+$0x0], $0xffff;
	[tilespmem:s23+$0x0] =	vst v12  }
0x1bd: {  	v12 =	vadd.f32 v19, v15;
	v19 =	vld.idx.msk [tilespmem:v20+s20+$0x0], $0xffff  }
0x1be: {  	v15 =	vadd.s32 v2, v10;
	v20 =	vld [tilespmem:s23+$0x10]  }
0x1bf: {  	[tilespmem:s31+$0xD240] =	vst v12;
	v12 =	vadd.f32 v21, v14;
	v21 =	vld [tilespmem:s31+$0xD250]  }
0x1c0: {  	v16 =	vld.idx.msk [tilespmem:v16+s20+$0x0], $0xffff  }
0x1c1: {  	v23 =	vld [tilespmem:s0+$0xFFFFFFE0];
	v14 =	vadd.s32 v2, v9;
	[tilespmem:s0+$0xFFFFFFD0] =	vst v12;
	v12 =	vadd.f32 v18, v13  }
0x1c2: {  	v63 =	vld [tilespmem:s26+$0xD220]  }
0x1c3: {  	v18 =	vadd.s32 v6, v17;
	v22 =	vld.idx.msk [tilespmem:v15+s20+$0x0], $0xffff;
	[tilespmem:s26+$0xD210] =	vst v12;
	v12 =	vadd.f32 v20, v19  }
0x1c4: {  	v11 =	vld [tilespmem:s23+$0x30]  }
0x1c5: {  	s11 =	simm.s32 $0x4;
	v13 =	vld [tilespmem:s23+$0x20];
	v19 =	vadd.s32 v6, v8;
	[tilespmem:s23+$0x10] =	vst v12;
	v12 =	vadd.f32 v21, v16  }
0x1c6: {  	v62 =	vld.idx.msk [tilespmem:v14+s20+$0x0], $0xffff;
	v14 =	vmov s11  }
0x1c7: {  	v21 =	vadd.s32 v3, v10;
	v16 =	vld [tilespmem:s31+$0xD260];
	[tilespmem:s31+$0xD250] =	vst v12;
	v12 =	vand.u32 $0x3E, v14  }
0x1c8: {  	v15 =	vld.idx.msk [tilespmem:v18+s20+$0x0], $0xffff;
	v22 =	vadd.f32 v23, v22;
	v23 =	vadd.s32 v0, v12  }
0x1c9: {  	v20 =	vadd.s32 v3, v9;
	v18 =	vld [tilespmem:s0+$0xFFFFFFF0]  }
0x1ca: {  	s29 =	simm.s32 $0xD440;
	v14 =	vld.idx.msk [tilespmem:v19+s20+$0x0], $0xffff  }
0x1cb: {  	s3 =	simm.s32 $0x6;
	s10 =	simm.s32 $0x5;
	v17 =	vadd.s32 v7, v17;
	v19 =	vld [tilespmem:s29+$0xFFFFFFC0];
	[tilespmem:s0+$0xFFFFFFE0] =	vst v22;
	v22 =	vadd.f32 v63, v62  }
.LBB2_7:
0x1cc: {  	p1 =	slt.u32 s3, $0x3E;
	v24 =	vmov s10;
	v21 =	vld.idx.msk [tilespmem:v21+s20+$0x0], $0xffff  }
0x1cd: {  	v13 =	vadd.f32 v13, v15;
	v15 =	vadd.s32 v7, v8;
	v23 =	vld.idx.msk [tilespmem:v23+s20+$0x0], $0xffff;
	v24 =	vand.u32 $0x3F, v24;
	[tilespmem:s26+$0xD220] =	vst v22  }
0x1ce: {  	v8 =	vmov v9;
	v22 =	vadd.s32 v0, v24;
	v20 =	vld.idx.msk [tilespmem:v20+s20+$0x0], $0xffff;
	v9 =	vmov v24  }
0x1cf: {  	v24 =	vld [tilespmem:s26+$0xD230];
	[tilespmem:s23+$0x20] =	vst v13;
	v13 =	vadd.f32 v16, v14  }
0x1d0: {  	s30 =	sadd.s32 $0x100, s30;
	v14 =	vadd.s32 v4, v10;
	v16 =	vld.idx.msk [tilespmem:v17+s20+$0x0], $0xffff  }
0x1d1: {  	s10 =	sadd.s32 $0xFFFFFF80, s30;
	[tilespmem:s31+$0xD260] =	vst v13;
	v13 =	vld [tilespmem:s31+$0xD270]  }
0x1d2: {  	s11 =	sand.u32 $0x380, s30;
	s10 =	sand.u32 $0x1C00, s10;
	v17 =	vadd.f32 v18, v21;
	v18 =	vadd.s32 v4, v8;
	v15 =	vld.idx.msk [tilespmem:v15+s20+$0x0], $0xffff  }
0x1d3: {  	s10 =	sor.u32 s11, s10;
	v21 =	vld.idx.msk [tilespmem:v22+s20+$0x0], $0xffff  }
0x1d4: {  	v22 =	vld [tilespmem:s10+$0xD200];
	[tilespmem:s0+$0xFFFFFFF0] =	vst v17;
	v17 =	vadd.f32 v24, v20  }
0x1d5: {  	v20 =	vadd.s32 v1, v12;
	v14 =	vld.idx.msk [tilespmem:v14+s20+$0x0], $0xffff  }
0x1d6: {  	v19 =	vadd.f32 v19, v23;
	v23 =	vld [tilespmem:s0+$0x0];
	[tilespmem:s26+$0xD230] =	vst v17  }
0x1d7: {  	v16 =	vadd.f32 v11, v16;
	v17 =	vadd.s32 v1, v9;
	v18 =	vld.idx.msk [tilespmem:v18+s20+$0x0], $0xffff  }
0x1d8: {  	v13 =	vadd.f32 v13, v15;
	[tilespmem:s29+$0xFFFFFFC0] =	vst v19;
	v19 =	vld [tilespmem:s26+$0xD240]  }
0x1d9: {  	v15 =	vadd.f32 v22, v21;
	v21 =	vadd.s32 v5, v10;
	v11 =	vld [tilespmem:s0+$0x30];
	[tilespmem:s23+$0x30] =	vst v16;
	s23 =	smov.u32 s0;
	s0 =	smov.u32 s29  }
0x1da: {  	v16 =	vld.idx.msk [tilespmem:v20+s20+$0x0], $0xffff;
	[tilespmem:s31+$0xD270] =	vst v13;
	s31 =	smov.u32 s26;
	s26 =	smov.u32 s10  }
0x1db: {  	v13 =	vld [tilespmem:s29+$0xFFFFFFD0];
	[tilespmem:s26+$0xD200] =	vst v15;
	v14 =	vadd.f32 v23, v14;
	v15 =	vadd.s32 v5, v8  }
0x1dc: {  	v17 =	vld.idx.msk [tilespmem:v17+s20+$0x0], $0xffff  }
0x1dd: {  	v20 =	vld [tilespmem:s26+$0xD210];
	[tilespmem:s23+$0x0] =	vst v14;
	v14 =	vadd.f32 v19, v18  }
0x1de: {  	v18 =	vadd.s32 v2, v12;
	v19 =	vld.idx.msk [tilespmem:v21+s20+$0x0], $0xffff  }
0x1df: {  	v21 =	vld [tilespmem:s23+$0x10];
	[tilespmem:s31+$0xD240] =	vst v14  }
0x1e0: {  	v14 =	vadd.s32 v2, v9;
	v13 =	vadd.f32 v13, v16;
	v15 =	vld.idx.msk [tilespmem:v15+s20+$0x0], $0xffff  }
0x1e1: {  	v16 =	vld [tilespmem:s31+$0xD250]  }
0x1e2: {  	[tilespmem:s29+$0xFFFFFFD0] =	vst v13;
	v17 =	vadd.f32 v20, v17;
	v20 =	vadd.s32 v6, v10;
	v13 =	vld [tilespmem:s23+$0x20]  }
0x1e3: {  	v22 =	vld.idx.msk [tilespmem:v18+s20+$0x0], $0xffff  }
0x1e4: {  	v24 =	vld [tilespmem:s29+$0xFFFFFFE0];
	[tilespmem:s26+$0xD210] =	vst v17;
	v17 =	vadd.f32 v21, v19;
	v19 =	vadd.s32 v6, v8  }
0x1e5: {  	v25 =	vld.idx.msk [tilespmem:v14+s20+$0x0], $0xffff  }
0x1e6: {  	v14 =	vmov s3;
	v26 =	vld [tilespmem:s26+$0xD220];
	[tilespmem:s23+$0x10] =	vst v17;
	v16 =	vadd.f32 v16, v15  }
.Ltmp4:
0x1e7: {  	v21 =	vadd.s32 v3, v12;
	v27 =	vand.u32 $0x3E, v14;
	v15 =	vld.idx.msk [tilespmem:v20+s20+$0x0], $0xffff;
	(pc) =	sbr.rel @p1 .LBB2_7-.Ltmp4, $4  }
0x1e8: {  	v23 =	vadd.s32 v0, v27;
	v18 =	vld [tilespmem:s29+$0xFFFFFFF0];
	[tilespmem:s31+$0xD250] =	vst v16  }
0x1e9: {  	v20 =	vadd.s32 v3, v9;
	v17 =	vadd.f32 v24, v22;
	v14 =	vld.idx.msk [tilespmem:v19+s20+$0x0], $0xffff  }
0x1ea: {  	s29 =	sadd.s32 $0x100, s29;
	v16 =	vld [tilespmem:s31+$0xD260]  }
0x1eb: {  	s10 =	sadd.s32 $0x1, s3;
	s3 =	sadd.s32 $0x2, s3;
	v19 =	vld [tilespmem:s29+$0xFFFFFFC0];
	[tilespmem:s0+$0xFFFFFFE0] =	vst v17;
	v22 =	vadd.f32 v26, v25;
	v17 =	vadd.s32 v7, v10;
	v10 =	vmovc v12;
	v12 =	vmov v27  }
0x1ec: {  	v24 =	vmov s10  }
0x1ed: {  	v24 =	vand.u32 $0x3F, v24  }
0x1ee: {  	s3 =	sadd.s32 $0x100, s30;
	v25 =	vadd.s32 v0, v24  }
0x1ef: {  	s11 =	sadd.s32 $0xFFFFFF80, s3  }
0x1f0: {  	s3 =	sand.u32 $0x380, s3;
	s10 =	sand.u32 $0x1C00, s11  }
0x1f1: {  	v23 =	vld.idx.msk [tilespmem:v23+s20+$0x0], $0xffff;
	s3 =	sor.u32 s3, s10  }
0x1f2: {  	v26 =	vld [tilespmem:s3+$0xD200]  }
0x1f3: {  	v25 =	vld.idx.msk [tilespmem:v25+s20+$0x0], $0xffff  }
0x1f4: {  	v27 =	vadd.s32 v1, v12;
	_ =	sdelay $0x1  }
0x1f5: {  	v19 =	vadd.f32 v19, v23;
	v23 =	vadd.s32 v1, v24;
	_ =	sdelay $0x1  }
0x1f6: {  	v46 =	vld [tilespmem:s29+$0xFFFFFFD0];
	[tilespmem:s29+$0xFFFFFFC0] =	vst v19;
	v19 =	vadd.f32 v26, v25  }
0x1f7: {  	v45 =	vld.idx.msk [tilespmem:v27+s20+$0x0], $0xffff  }
0x1f8: {  	[tilespmem:s3+$0xD200] =	vst v19  }
0x1f9: {  	v19 =	vld.idx.msk [tilespmem:v23+s20+$0x0], $0xffff  }
0x1fa: {  	v47 =	vadd.s32 v2, v12;
	v23 =	vld [tilespmem:s3+$0xD210];
	_ =	sdelay $0x1  }
0x1fb: {  	v21 =	vld.idx.msk [tilespmem:v21+s20+$0x0], $0xffff;
	v25 =	vadd.f32 v46, v45  }
0x1fc: {  	v49 =	vld [tilespmem:s29+$0xFFFFFFE0];
	[tilespmem:s26+$0xD220] =	vst v22;
	v48 =	vadd.s32 v2, v24  }
0x1fd: {  	v20 =	vld.idx.msk [tilespmem:v20+s20+$0x0], $0xffff;
	[tilespmem:s29+$0xFFFFFFD0] =	vst v25  }
0x1fe: {  	v19 =	vadd.f32 v23, v19;
	v23 =	vld.idx.msk [tilespmem:v47+s20+$0x0], $0xffff  }
0x1ff: {  	v22 =	vld [tilespmem:s3+$0xD220]  }
0x200: {  	v18 =	vadd.f32 v18, v21;
	v21 =	vld [tilespmem:s26+$0xD230];
	[tilespmem:s3+$0xD210] =	vst v19;
	v19 =	vadd.s32 v4, v10  }
0x201: {  	v50 =	vadd.s32 v3, v12;
	v26 =	vld.idx.msk [tilespmem:v48+s20+$0x0], $0xffff;
	_ =	sdelay $0x1  }
0x202: {  	v28 =	vld [tilespmem:s29+$0xFFFFFFF0];
	v23 =	vadd.f32 v49, v23  }
0x203: {  	v52 =	vld [tilespmem:s0+$0x0];
	[tilespmem:s0+$0xFFFFFFF0] =	vst v18;
	v18 =	vadd.s32 v3, v24  }
0x204: {  	v20 =	vadd.f32 v21, v20;
	v19 =	vld.idx.msk [tilespmem:v19+s20+$0x0], $0xffff;
	[tilespmem:s29+$0xFFFFFFE0] =	vst v23  }
0x205: {  	v51 =	vadd.s32 v4, v9;
	v22 =	vadd.f32 v22, v26;
	v21 =	vld.idx.msk [tilespmem:v50+s20+$0x0], $0xffff  }
0x206: {  	[tilespmem:s26+$0xD230] =	vst v20  }
0x207: {  	v20 =	vadd.s32 v5, v10;
	[tilespmem:s3+$0xD220] =	vst v22;
	v22 =	vld [tilespmem:s3+$0xD230]  }
0x208: {  	v53 =	vadd.s32 v4, v12;
	v18 =	vld.idx.msk [tilespmem:v18+s20+$0x0], $0xffff  }
0x209: {  	v54 =	vld [tilespmem:s26+$0xD240];
	v19 =	vadd.f32 v52, v19  }
0x20a: {  	v23 =	vld.idx.msk [tilespmem:v51+s20+$0x0], $0xffff;
	v21 =	vadd.f32 v28, v21  }
0x20b: {  	v55 =	vld [tilespmem:s0+$0x30];
	v56 =	vadd.s32 v4, v24;
	[tilespmem:s0+$0x0] =	vst v19  }
0x20c: {  	v19 =	vld.idx.msk [tilespmem:v20+s20+$0x0], $0xffff;
	[tilespmem:s29+$0xFFFFFFF0] =	vst v21  }
0x20d: {  	v18 =	vadd.f32 v22, v18;
	v21 =	vld.idx.msk [tilespmem:v53+s20+$0x0], $0xffff  }
0x20e: {  	v20 =	vadd.s32 v5, v9;
	v22 =	vld [tilespmem:s29+$0x0]  }
0x20f: {  	v57 =	vld [tilespmem:s3+$0xD240];
	[tilespmem:s3+$0xD230] =	vst v18;
	v18 =	vadd.f32 v54, v23  }
0x210: {  	v23 =	vld.idx.msk [tilespmem:v56+s20+$0x0], $0xffff  }
0x211: {  	v58 =	vld [tilespmem:s0+$0x10];
	[tilespmem:s26+$0xD240] =	vst v18;
	v18 =	vadd.s32 v5, v12  }
0x212: {  	v59 =	vld [tilespmem:s26+$0xD250]  }
0x213: {  	v20 =	vld.idx.msk [tilespmem:v20+s20+$0x0], $0xffff;
	v21 =	vadd.f32 v22, v21  }
0x214: {  	v29 =	vld [tilespmem:s29+$0x30];
	v22 =	vadd.s32 v5, v24  }
0x215: {  	v30 =	vld [tilespmem:s0+$0x20];
	[tilespmem:s29+$0x0] =	vst v21;
	v21 =	vadd.f32 v57, v23  }
0x216: {  	v13 =	vadd.f32 v13, v15;
	v23 =	vadd.s32 v6, v10;
	v18 =	vld.idx.msk [tilespmem:v18+s20+$0x0], $0xffff  }
0x217: {  	v60 =	vadd.s32 v6, v9;
	v19 =	vadd.f32 v58, v19;
	[tilespmem:s3+$0xD240] =	vst v21;
	v21 =	vld [tilespmem:s29+$0x10]  }
0x218: {  	[tilespmem:s23+$0x20] =	vst v13;
	v61 =	vld [tilespmem:s3+$0xD250];
	v20 =	vadd.f32 v59, v20  }
0x219: {  	[tilespmem:s0+$0x10] =	vst v19;
	v22 =	vld.idx.msk [tilespmem:v22+s20+$0x0], $0xffff  }
0x21a: {  	v17 =	vld.idx.msk [tilespmem:v17+s20+$0x0], $0xffff;
	[tilespmem:s26+$0xD250] =	vst v20;
	v20 =	vadd.s32 v6, v12  }
0x21b: {  	v19 =	vld.idx.msk [tilespmem:v23+s20+$0x0], $0xffff  }
0x21c: {  	v15 =	vld.idx.msk [tilespmem:v60+s20+$0x0], $0xffff;
	v23 =	vadd.s32 v6, v24;
	v18 =	vadd.f32 v21, v18  }
0x21d: {  	v8 =	vadd.s32 v7, v8;
	v21 =	vld [tilespmem:s26+$0xD260]  }
0x21e: {  	v13 =	vadd.f32 v61, v22;
	v22 =	vld [tilespmem:s29+$0x20];
	[tilespmem:s29+$0x10] =	vst v18  }
0x21f: {  	v14 =	vadd.f32 v16, v14;
	v10 =	vadd.s32 v7, v10;
	v16 =	vld.idx.msk [tilespmem:v20+s20+$0x0], $0xffff  }
0x220: {  	v18 =	vld [tilespmem:s3+$0xD260];
	[tilespmem:s3+$0xD250] =	vst v13  }
0x221: {  	[tilespmem:s31+$0xD260] =	vst v14;
	v9 =	vadd.s32 v7, v9;
	v14 =	vadd.f32 v30, v19;
	v13 =	vld.idx.msk [tilespmem:v23+s20+$0x0], $0xffff  }
0x222: {  	v8 =	vld.idx.msk [tilespmem:v8+s20+$0x0], $0xffff;
	v12 =	vadd.s32 v7, v12;
	v15 =	vadd.f32 v21, v15  }
0x223: {  	v19 =	vld [tilespmem:s31+$0xD270];
	[tilespmem:s0+$0x20] =	vst v14  }
0x224: {  	v10 =	vld.idx.msk [tilespmem:v10+s20+$0x0], $0xffff;
	[tilespmem:s26+$0xD260] =	vst v15;
	v15 =	vadd.s32 v7, v24;
	v14 =	vadd.f32 v22, v16  }
0x225: {  	v16 =	vld [tilespmem:s26+$0xD270]  }
0x226: {  	v9 =	vld.idx.msk [tilespmem:v9+s20+$0x0], $0xffff;
	v13 =	vadd.f32 v18, v13;
	[tilespmem:s29+$0x20] =	vst v14  }
0x227: {  	v12 =	vld.idx.msk [tilespmem:v12+s20+$0x0], $0xffff  }
0x228: {  	[tilespmem:s3+$0xD260] =	vst v13;
	v13 =	vld [tilespmem:s3+$0xD270]  }
0x229: {  	v11 =	vadd.f32 v11, v17;
	v14 =	vld.idx.msk [tilespmem:v15+s20+$0x0], $0xffff  }
0x22a: {  	v8 =	vadd.f32 v19, v8  }
0x22b: {  	[tilespmem:s23+$0x30] =	vst v11;
	v10 =	vadd.f32 v55, v10  }
0x22c: {  	[tilespmem:s31+$0xD270] =	vst v8;
	v8 =	vadd.f32 v16, v9  }
0x22d: {  	[tilespmem:s0+$0x30] =	vst v10;
	v9 =	vadd.f32 v29, v12  }
0x22e: {  	[tilespmem:s26+$0xD270] =	vst v8;
	v8 =	vadd.f32 v13, v14  }
0x22f: {  	[tilespmem:s29+$0x30] =	vst v9  }
0x230: {  	[tilespmem:s3+$0xD270] =	vst v8  }
0x231: {  	s0 =	rddreg [dreg:$0xc]  }
0x232: {  	s31 =	simm.s32 $0xD200;
	s0 =	sadd.s32 s22, s0  }
0x233: {  	[hbm4b:s0+s17] =	stream.strided.scatter [tilespmem:s31], [sflag:$0xF], $0x2000, s18, s17, $0x38;
	[tilespmem:$0x11200] =	vst v63  }
0x234: {  	s0 =	sadd.s32 @!p0 $0x5, s14  }
0x235: {  	s3 =	sshll.u32 @!p0 s0, $0x7;
	s10 =	sshll.u32 @!p0 s0, $0xC  }
0x236: {  	s11 =	simm.s32 @!p0 $0x80;
	s3 =	sand.u32 @!p0 $0x280, s3;
	s10 =	sand.u32 @!p0 $0x1F8000, s10  }
0x237: {  	s23 =	simm.s32 @!p0 $0xB200;
	_ =	swait.ge [sflag:s24], $0x2000;
	s3 =	sor.u32 @!p0 s10, s3  }
0x238: {  	s0 =	sshll.u32 @!p0 s0, $0x12;
	[sflag:s24] =	ssyncset.done $0x0;
	s3 =	sor.u32 @!p0 s6, s3  }
0x239: {  	s0 =	sor.u32 @!p0 s6, s0;
	[sflag:s24] =	ssyncadd.s32 $0xFFFFE000;
	s3 =	sshrl.u32 @!p0 s3, $0x3  }
0x23a: {  	s10 =	simm.s32 @!p0 $0x0;
	s0 =	sshrl.u32 @!p0 s0, $0x3;
	s3 =	sadd.s32 @!p0 s2, s3  }
0x23b: {  	[tilespmem:s11], [sflag:$0x2] =	stream.linear.gather @!p0 [hbm4b:s3+s10], $0x80, $0x38;
	[tilespmem:$0x11200] =	vst v63  }
0x23c: {  	s22 =	simm.s32 @!p0 $0x8000;
	s0 =	sadd.s32 @!p0 s1, s0;
	s3 =	simm.s32 @!p0 $0x400  }
0x23d: {  	[tilespmem:s23], [sflag:$0x6] =	stream.strided.gather @!p0 [hbm4b:s0+s3], $0x2000, s22, s3, $0x38;
	[tilespmem:$0x11200] =	vst v63  }
0x23e: {  	s0 =	simm.s32 @!p0 $0x1  }
0x23f: {  	_ =	swait.ge @!p0 [sflag:s0], $0x80  }
0x240: {  	[sflag:s0] =	ssyncset.done @!p0 $0x0  }
0x241: {  	[sflag:s0] =	ssyncadd.s32 @!p0 $0xFFFFFF80;
	s0 =	simm.s32 @!p0 $0x200  }
0x242: {  	[tilespmem:s0], [sflag:$0x9] =	stream.indirect.gather @!p0 [hbm4b:s7+s11], $0x48, s10, s11, $0xb8;
	[tilespmem:$0x11200] =	vst v63  }
0x243: {  	s11 =	simm.s32 $0x0  }
0x244: {  	_ =	swait.ge [sflag:s19], $0x2000;
	v8 =	vmov s11  }
0x245: {  	s22 =	simm.s32 $0x1;
	[sflag:s19] =	ssyncset.done $0x0;
	v17 =	vand.u32 $0x3E, v8  }
0x246: {  	v8 =	vmov s22;
	[sflag:s19] =	ssyncadd.s32 $0xFFFFE000;
	v9 =	vadd.s32 v0, v17  }
0x247: {  	v8 =	vand.u32 $0x3F, v8;
	_ =	swait.ge [sflag:s21], $0x2400  }
0x248: {  	s26 =	simm.s32 $0x0;
	v10 =	vadd.s32 v0, v8;
	[sflag:s21] =	ssyncset.done $0x0  }
0x249: {  	s23 =	simm.s32 $0x80;
	s22 =	simm.s32 $0xF240;
	[sflag:s21] =	ssyncadd.s32 $0xFFFFDC00  }
0x24a: {  	s3 =	sand.u32 $0x1C00, s26;
	s0 =	sand.u32 $0x380, s23;
	v11 =	vld [tilespmem:s22+$0xFFFFFFC0]  }
0x24b: {  	s23 =	sor.u32 s0, s3;
	v9 =	vld.idx.msk [tilespmem:v9+s16+$0x0], $0xffff  }
0x24c: {  	v12 =	vld [tilespmem:s23+$0xF200]  }
0x24d: {  	v10 =	vld.idx.msk [tilespmem:v10+s16+$0x0], $0xffff;
	_ =	sdelay $0x1  }
0x24e: {  	v13 =	vadd.s32 v1, v17  }
0x24f: {  	v9 =	vadd.f32 v11, v9;
	v11 =	vadd.s32 v1, v8;
	_ =	sdelay $0x1  }
0x250: {  	[tilespmem:s22+$0xFFFFFFC0] =	vst v9;
	v9 =	vadd.f32 v12, v10  }
0x251: {  	v12 =	vld [tilespmem:s22+$0xFFFFFFD0]  }
0x252: {  	v10 =	vld.idx.msk [tilespmem:v13+s16+$0x0], $0xffff;
	[tilespmem:s23+$0xF200] =	vst v9  }
0x253: {  	v9 =	vld.idx.msk [tilespmem:v11+s16+$0x0], $0xffff  }
0x254: {  	v11 =	vld [tilespmem:s23+$0xF210]  }
0x255: {  	v13 =	vadd.s32 v2, v17;
	_ =	sdelay $0x1  }
0x256: {  	v10 =	vadd.f32 v12, v10;
	v12 =	vadd.s32 v2, v8;
	_ =	sdelay $0x1  }
0x257: {  	[tilespmem:s22+$0xFFFFFFD0] =	vst v10;
	v9 =	vadd.f32 v11, v9;
	v11 =	vld [tilespmem:s22+$0xFFFFFFE0]  }
0x258: {  	v10 =	vld.idx.msk [tilespmem:v13+s16+$0x0], $0xffff  }
0x259: {  	[tilespmem:s23+$0xF210] =	vst v9  }
0x25a: {  	v9 =	vld.idx.msk [tilespmem:v12+s16+$0x0], $0xffff  }
0x25b: {  	v13 =	vadd.s32 v3, v17;
	v12 =	vld [tilespmem:s23+$0xF220];
	_ =	sdelay $0x1  }
0x25c: {  	v11 =	vadd.f32 v11, v10  }
0x25d: {  	s3 =	simm.s32 $0x2;
	v14 =	vadd.s32 v3, v8  }
0x25e: {  	s10 =	simm.s32 $0x3;
	v15 =	vld [tilespmem:s22+$0xFFFFFFF0];
	v10 =	vmov s3;
	[tilespmem:s22+$0xFFFFFFE0] =	vst v11  }
0x25f: {  	v10 =	vand.u32 $0x3E, v10;
	v12 =	vadd.f32 v12, v9;
	v9 =	vmov s10;
	v13 =	vld.idx.msk [tilespmem:v13+s16+$0x0], $0xffff  }
0x260: {  	v11 =	vadd.s32 v0, v10;
	v9 =	vand.u32 $0x3F, v9  }
0x261: {  	s30 =	simm.s32 $0x180;
	s11 =	simm.s32 $0x100;
	v16 =	vld [tilespmem:s23+$0xF230];
	[tilespmem:s23+$0xF220] =	vst v12;
	v12 =	vadd.s32 v0, v9  }
0x262: {  	s26 =	sand.u32 $0x380, s30;
	s0 =	simm.s32 $0xF340;
	v18 =	vadd.s32 v4, v17;
	s3 =	sand.u32 $0x1C00, s11;
	v14 =	vld.idx.msk [tilespmem:v14+s16+$0x0], $0xffff  }
0x263: {  	v19 =	vld [tilespmem:s0+$0xFFFFFFC0];
	s26 =	sor.u32 s26, s3  }
0x264: {  	v20 =	vld [tilespmem:s26+$0xF200];
	v13 =	vadd.f32 v15, v13  }
0x265: {  	v11 =	vld.idx.msk [tilespmem:v11+s16+$0x0], $0xffff  }
0x266: {  	v15 =	vadd.s32 v4, v8;
	v12 =	vld.idx.msk [tilespmem:v12+s16+$0x0], $0xffff;
	[tilespmem:s22+$0xFFFFFFF0] =	vst v13  }
0x267: {  	v13 =	vadd.f32 v16, v14;
	v16 =	vld.idx.msk [tilespmem:v18+s16+$0x0], $0xffff  }
0x268: {  	v14 =	vadd.s32 v1, v10;
	v18 =	vld [tilespmem:s22+$0x0];
	_ =	sdelay $0x1  }
0x269: {  	[tilespmem:s23+$0xF230] =	vst v13;
	v11 =	vadd.f32 v19, v11;
	v13 =	vadd.s32 v1, v9;
	v19 =	vld [tilespmem:s23+$0xF240]  }
0x26a: {  	v15 =	vld.idx.msk [tilespmem:v15+s16+$0x0], $0xffff;
	v12 =	vadd.f32 v20, v12;
	v20 =	vadd.s32 v5, v17  }
0x26b: {  	v21 =	vld [tilespmem:s0+$0xFFFFFFD0];
	[tilespmem:s0+$0xFFFFFFC0] =	vst v11  }
0x26c: {  	v14 =	vld.idx.msk [tilespmem:v14+s16+$0x0], $0xffff;
	[tilespmem:s26+$0xF200] =	vst v12;
	v12 =	vadd.f32 v18, v16  }
0x26d: {  	v16 =	vadd.s32 v5, v8;
	v18 =	vld [tilespmem:s26+$0xF210]  }
0x26e: {  	v13 =	vld.idx.msk [tilespmem:v13+s16+$0x0], $0xffff;
	[tilespmem:s22+$0x0] =	vst v12  }
0x26f: {  	v12 =	vadd.f32 v19, v15;
	v19 =	vld.idx.msk [tilespmem:v20+s16+$0x0], $0xffff  }
0x270: {  	v15 =	vadd.s32 v2, v10;
	v20 =	vld [tilespmem:s22+$0x10]  }
0x271: {  	[tilespmem:s23+$0xF240] =	vst v12;
	v12 =	vadd.f32 v21, v14;
	v21 =	vld [tilespmem:s23+$0xF250]  }
0x272: {  	v16 =	vld.idx.msk [tilespmem:v16+s16+$0x0], $0xffff  }
0x273: {  	v23 =	vld [tilespmem:s0+$0xFFFFFFE0];
	v14 =	vadd.s32 v2, v9;
	[tilespmem:s0+$0xFFFFFFD0] =	vst v12;
	v12 =	vadd.f32 v18, v13  }
0x274: {  	v63 =	vld [tilespmem:s26+$0xF220]  }
0x275: {  	v18 =	vadd.s32 v6, v17;
	v22 =	vld.idx.msk [tilespmem:v15+s16+$0x0], $0xffff;
	[tilespmem:s26+$0xF210] =	vst v12;
	v12 =	vadd.f32 v20, v19  }
0x276: {  	v11 =	vld [tilespmem:s22+$0x30]  }
0x277: {  	s11 =	simm.s32 $0x4;
	v13 =	vld [tilespmem:s22+$0x20];
	v19 =	vadd.s32 v6, v8;
	[tilespmem:s22+$0x10] =	vst v12;
	v12 =	vadd.f32 v21, v16  }
0x278: {  	v62 =	vld.idx.msk [tilespmem:v14+s16+$0x0], $0xffff;
	v14 =	vmov s11  }
0x279: {  	v21 =	vadd.s32 v3, v10;
	v16 =	vld [tilespmem:s23+$0xF260];
	[tilespmem:s23+$0xF250] =	vst v12;
	v12 =	vand.u32 $0x3E, v14  }
0x27a: {  	v15 =	vld.idx.msk [tilespmem:v18+s16+$0x0], $0xffff;
	v22 =	vadd.f32 v23, v22;
	v23 =	vadd.s32 v0, v12  }
0x27b: {  	v20 =	vadd.s32 v3, v9;
	v18 =	vld [tilespmem:s0+$0xFFFFFFF0]  }
0x27c: {  	s29 =	simm.s32 $0xF440;
	v14 =	vld.idx.msk [tilespmem:v19+s16+$0x0], $0xffff  }
0x27d: {  	s3 =	simm.s32 $0x6;
	s10 =	simm.s32 $0x5;
	v17 =	vadd.s32 v7, v17;
	v19 =	vld [tilespmem:s29+$0xFFFFFFC0];
	[tilespmem:s0+$0xFFFFFFE0] =	vst v22;
	v22 =	vadd.f32 v63, v62  }
.LBB2_9:
0x27e: {  	p1 =	slt.u32 s3, $0x3E;
	v24 =	vmov s10;
	v21 =	vld.idx.msk [tilespmem:v21+s16+$0x0], $0xffff  }
0x27f: {  	v13 =	vadd.f32 v13, v15;
	v15 =	vadd.s32 v7, v8;
	v23 =	vld.idx.msk [tilespmem:v23+s16+$0x0], $0xffff;
	v24 =	vand.u32 $0x3F, v24;
	[tilespmem:s26+$0xF220] =	vst v22  }
0x280: {  	v8 =	vmov v9;
	v22 =	vadd.s32 v0, v24;
	v20 =	vld.idx.msk [tilespmem:v20+s16+$0x0], $0xffff;
	v9 =	vmov v24  }
0x281: {  	v24 =	vld [tilespmem:s26+$0xF230];
	[tilespmem:s22+$0x20] =	vst v13;
	v13 =	vadd.f32 v16, v14  }
0x282: {  	s30 =	sadd.s32 $0x100, s30;
	v14 =	vadd.s32 v4, v10;
	v16 =	vld.idx.msk [tilespmem:v17+s16+$0x0], $0xffff  }
0x283: {  	s10 =	sadd.s32 $0xFFFFFF80, s30;
	[tilespmem:s23+$0xF260] =	vst v13;
	v13 =	vld [tilespmem:s23+$0xF270]  }
0x284: {  	s11 =	sand.u32 $0x380, s30;
	s10 =	sand.u32 $0x1C00, s10;
	v17 =	vadd.f32 v18, v21;
	v18 =	vadd.s32 v4, v8;
	v15 =	vld.idx.msk [tilespmem:v15+s16+$0x0], $0xffff  }
0x285: {  	s10 =	sor.u32 s11, s10;
	v21 =	vld.idx.msk [tilespmem:v22+s16+$0x0], $0xffff  }
0x286: {  	v22 =	vld [tilespmem:s10+$0xF200];
	[tilespmem:s0+$0xFFFFFFF0] =	vst v17;
	v17 =	vadd.f32 v24, v20  }
0x287: {  	v20 =	vadd.s32 v1, v12;
	v14 =	vld.idx.msk [tilespmem:v14+s16+$0x0], $0xffff  }
0x288: {  	v19 =	vadd.f32 v19, v23;
	v23 =	vld [tilespmem:s0+$0x0];
	[tilespmem:s26+$0xF230] =	vst v17  }
0x289: {  	v16 =	vadd.f32 v11, v16;
	v17 =	vadd.s32 v1, v9;
	v18 =	vld.idx.msk [tilespmem:v18+s16+$0x0], $0xffff  }
0x28a: {  	v13 =	vadd.f32 v13, v15;
	[tilespmem:s29+$0xFFFFFFC0] =	vst v19;
	v19 =	vld [tilespmem:s26+$0xF240]  }
0x28b: {  	v15 =	vadd.f32 v22, v21;
	v21 =	vadd.s32 v5, v10;
	v11 =	vld [tilespmem:s0+$0x30];
	[tilespmem:s22+$0x30] =	vst v16;
	s22 =	smov.u32 s0;
	s0 =	smov.u32 s29  }
0x28c: {  	v16 =	vld.idx.msk [tilespmem:v20+s16+$0x0], $0xffff;
	[tilespmem:s23+$0xF270] =	vst v13;
	s23 =	smov.u32 s26;
	s26 =	smov.u32 s10  }
0x28d: {  	v13 =	vld [tilespmem:s29+$0xFFFFFFD0];
	[tilespmem:s26+$0xF200] =	vst v15;
	v14 =	vadd.f32 v23, v14;
	v15 =	vadd.s32 v5, v8  }
0x28e: {  	v17 =	vld.idx.msk [tilespmem:v17+s16+$0x0], $0xffff  }
0x28f: {  	v20 =	vld [tilespmem:s26+$0xF210];
	[tilespmem:s22+$0x0] =	vst v14;
	v14 =	vadd.f32 v19, v18  }
0x290: {  	v18 =	vadd.s32 v2, v12;
	v19 =	vld.idx.msk [tilespmem:v21+s16+$0x0], $0xffff  }
0x291: {  	v21 =	vld [tilespmem:s22+$0x10];
	[tilespmem:s23+$0xF240] =	vst v14  }
0x292: {  	v14 =	vadd.s32 v2, v9;
	v13 =	vadd.f32 v13, v16;
	v15 =	vld.idx.msk [tilespmem:v15+s16+$0x0], $0xffff  }
0x293: {  	v16 =	vld [tilespmem:s23+$0xF250]  }
0x294: {  	[tilespmem:s29+$0xFFFFFFD0] =	vst v13;
	v17 =	vadd.f32 v20, v17;
	v20 =	vadd.s32 v6, v10;
	v13 =	vld [tilespmem:s22+$0x20]  }
0x295: {  	v22 =	vld.idx.msk [tilespmem:v18+s16+$0x0], $0xffff  }
0x296: {  	v24 =	vld [tilespmem:s29+$0xFFFFFFE0];
	[tilespmem:s26+$0xF210] =	vst v17;
	v17 =	vadd.f32 v21, v19;
	v19 =	vadd.s32 v6, v8  }
0x297: {  	v25 =	vld.idx.msk [tilespmem:v14+s16+$0x0], $0xffff  }
0x298: {  	v14 =	vmov s3;
	v26 =	vld [tilespmem:s26+$0xF220];
	[tilespmem:s22+$0x10] =	vst v17;
	v16 =	vadd.f32 v16, v15  }
.Ltmp5:
0x299: {  	v21 =	vadd.s32 v3, v12;
	v27 =	vand.u32 $0x3E, v14;
	v15 =	vld.idx.msk [tilespmem:v20+s16+$0x0], $0xffff;
	(pc) =	sbr.rel @p1 .LBB2_9-.Ltmp5, $4  }
0x29a: {  	v23 =	vadd.s32 v0, v27;
	v18 =	vld [tilespmem:s29+$0xFFFFFFF0];
	[tilespmem:s23+$0xF250] =	vst v16  }
0x29b: {  	v20 =	vadd.s32 v3, v9;
	v17 =	vadd.f32 v24, v22;
	v14 =	vld.idx.msk [tilespmem:v19+s16+$0x0], $0xffff  }
0x29c: {  	s29 =	sadd.s32 $0x100, s29;
	v16 =	vld [tilespmem:s23+$0xF260]  }
0x29d: {  	s10 =	sadd.s32 $0x1, s3;
	s3 =	sadd.s32 $0x2, s3;
	v19 =	vld [tilespmem:s29+$0xFFFFFFC0];
	[tilespmem:s0+$0xFFFFFFE0] =	vst v17;
	v22 =	vadd.f32 v26, v25;
	v17 =	vadd.s32 v7, v10;
	v10 =	vmovc v12;
	v12 =	vmov v27  }
0x29e: {  	v24 =	vmov s10  }
0x29f: {  	v24 =	vand.u32 $0x3F, v24  }
0x2a0: {  	s3 =	sadd.s32 $0x100, s30;
	v25 =	vadd.s32 v0, v24  }
0x2a1: {  	s11 =	sadd.s32 $0xFFFFFF80, s3  }
0x2a2: {  	s3 =	sand.u32 $0x380, s3;
	s10 =	sand.u32 $0x1C00, s11  }
0x2a3: {  	v23 =	vld.idx.msk [tilespmem:v23+s16+$0x0], $0xffff;
	s3 =	sor.u32 s3, s10  }
0x2a4: {  	v26 =	vld [tilespmem:s3+$0xF200]  }
0x2a5: {  	v25 =	vld.idx.msk [tilespmem:v25+s16+$0x0], $0xffff;
	_ =	sdelay $0x1  }
0x2a6: {  	v27 =	vadd.s32 v1, v12  }
0x2a7: {  	v41 =	vadd.s32 v1, v24  }
0x2a8: {  	v19 =	vadd.f32 v19, v23  }
0x2a9: {  	v44 =	vld [tilespmem:s29+$0xFFFFFFD0];
	v42 =	vadd.f32 v26, v25  }
0x2aa: {  	v45 =	vld [tilespmem:s3+$0xF210];
	[tilespmem:s29+$0xFFFFFFC0] =	vst v19  }
0x2ab: {  	v43 =	vld.idx.msk [tilespmem:v27+s16+$0x0], $0xffff;
	[tilespmem:s3+$0xF200] =	vst v42  }
0x2ac: {  	v19 =	vld.idx.msk [tilespmem:v41+s16+$0x0], $0xffff;
	_ =	sdelay $0x1  }
0x2ad: {  	v46 =	vadd.s32 v2, v12  }
0x2ae: {  	v21 =	vld.idx.msk [tilespmem:v21+s16+$0x0], $0xffff;
	v47 =	vadd.s32 v2, v24  }
0x2af: {  	v49 =	vld [tilespmem:s29+$0xFFFFFFE0];
	v25 =	vadd.f32 v44, v43  }
0x2b0: {  	v52 =	vld [tilespmem:s26+$0xF230];
	v19 =	vadd.f32 v45, v19  }
0x2b1: {  	v51 =	vld [tilespmem:s3+$0xF220];
	[tilespmem:s29+$0xFFFFFFD0] =	vst v25  }
0x2b2: {  	v48 =	vld.idx.msk [tilespmem:v46+s16+$0x0], $0xffff;
	[tilespmem:s3+$0xF210] =	vst v19  }
0x2b3: {  	v26 =	vld.idx.msk [tilespmem:v47+s16+$0x0], $0xffff  }
0x2b4: {  	v28 =	vld [tilespmem:s29+$0xFFFFFFF0]  }
0x2b5: {  	v53 =	vadd.s32 v3, v12;
	v56 =	vld [tilespmem:s0+$0x0]  }
0x2b6: {  	v62 =	vld [tilespmem:s26+$0xF240];
	[tilespmem:s26+$0xF220] =	vst v22;
	v54 =	vadd.s32 v3, v24  }
0x2b7: {  	v20 =	vld.idx.msk [tilespmem:v20+s16+$0x0], $0xffff;
	v23 =	vadd.f32 v49, v48  }
0x2b8: {  	v32 =	vld [tilespmem:s29+$0x0];
	v22 =	vadd.f32 v51, v26  }
0x2b9: {  	v59 =	vld [tilespmem:s3+$0xF230];
	v18 =	vadd.f32 v18, v21;
	[tilespmem:s29+$0xFFFFFFE0] =	vst v23  }
0x2ba: {  	v55 =	vadd.s32 v4, v9;
	v57 =	vld.idx.msk [tilespmem:v53+s16+$0x0], $0xffff;
	[tilespmem:s3+$0xF220] =	vst v22  }
0x2bb: {  	[tilespmem:s0+$0xFFFFFFF0] =	vst v18;
	v18 =	vld.idx.msk [tilespmem:v54+s16+$0x0], $0xffff  }
0x2bc: {  	v50 =	vadd.s32 v4, v10;
	v36 =	vld [tilespmem:s0+$0x10];
	v20 =	vadd.f32 v52, v20  }
0x2bd: {  	v61 =	vadd.s32 v4, v12;
	v38 =	vld [tilespmem:s26+$0xF250]  }
0x2be: {  	v29 =	vld [tilespmem:s29+$0x30];
	v63 =	vadd.s32 v4, v24;
	[tilespmem:s26+$0xF230] =	vst v20  }
0x2bf: {  	v60 =	vld.idx.msk [tilespmem:v55+s16+$0x0], $0xffff;
	v21 =	vadd.f32 v28, v57  }
0x2c0: {  	v35 =	vld [tilespmem:s3+$0xF240];
	v18 =	vadd.f32 v59, v18  }
0x2c1: {  	v19 =	vld.idx.msk [tilespmem:v50+s16+$0x0], $0xffff;
	[tilespmem:s29+$0xFFFFFFF0] =	vst v21  }
0x2c2: {  	v31 =	vadd.s32 v5, v9;
	v13 =	vadd.f32 v13, v15;
	v21 =	vld.idx.msk [tilespmem:v61+s16+$0x0], $0xffff;
	[tilespmem:s3+$0xF230] =	vst v18  }
0x2c3: {  	v34 =	vld.idx.msk [tilespmem:v63+s16+$0x0], $0xffff  }
0x2c4: {  	v58 =	vadd.s32 v5, v10;
	v30 =	vld [tilespmem:s0+$0x20];
	[tilespmem:s22+$0x20] =	vst v13;
	v33 =	vadd.f32 v62, v60  }
0x2c5: {  	v37 =	vadd.s32 v5, v12;
	v17 =	vld.idx.msk [tilespmem:v17+s16+$0x0], $0xffff  }
0x2c6: {  	v39 =	vadd.s32 v5, v24;
	v43 =	vld [tilespmem:s29+$0x10];
	[tilespmem:s26+$0xF240] =	vst v33;
	v19 =	vadd.f32 v56, v19  }
0x2c7: {  	v8 =	vadd.s32 v7, v8;
	v20 =	vld.idx.msk [tilespmem:v31+s16+$0x0], $0xffff;
	v21 =	vadd.f32 v32, v21  }
0x2c8: {  	v44 =	vld [tilespmem:s3+$0xF250];
	[tilespmem:s0+$0x0] =	vst v19;
	v40 =	vadd.f32 v35, v34  }
0x2c9: {  	v14 =	vadd.f32 v16, v14;
	v19 =	vld.idx.msk [tilespmem:v58+s16+$0x0], $0xffff;
	[tilespmem:s29+$0x0] =	vst v21  }
0x2ca: {  	v42 =	vadd.s32 v6, v9;
	v18 =	vld.idx.msk [tilespmem:v37+s16+$0x0], $0xffff;
	[tilespmem:s3+$0xF240] =	vst v40  }
0x2cb: {  	[tilespmem:s23+$0xF260] =	vst v14;
	v22 =	vld.idx.msk [tilespmem:v39+s16+$0x0], $0xffff  }
0x2cc: {  	v8 =	vld.idx.msk [tilespmem:v8+s16+$0x0], $0xffff;
	v41 =	vadd.s32 v6, v10;
	v20 =	vadd.f32 v38, v20  }
0x2cd: {  	v45 =	vadd.s32 v6, v12;
	v48 =	vld [tilespmem:s26+$0xF260]  }
0x2ce: {  	v50 =	vld [tilespmem:s29+$0x20];
	v47 =	vadd.s32 v6, v24;
	[tilespmem:s26+$0xF250] =	vst v20;
	v19 =	vadd.f32 v36, v19  }
0x2cf: {  	v46 =	vld.idx.msk [tilespmem:v42+s16+$0x0], $0xffff;
	v18 =	vadd.f32 v43, v18  }
0x2d0: {  	v56 =	vld [tilespmem:s3+$0xF260];
	[tilespmem:s0+$0x10] =	vst v19;
	v49 =	vadd.f32 v44, v22  }
0x2d1: {  	v19 =	vld.idx.msk [tilespmem:v41+s16+$0x0], $0xffff;
	[tilespmem:s29+$0x10] =	vst v18  }
0x2d2: {  	v52 =	vld.idx.msk [tilespmem:v45+s16+$0x0], $0xffff;
	[tilespmem:s3+$0xF250] =	vst v49  }
0x2d3: {  	v55 =	vadd.s32 v7, v9;
	v53 =	vld.idx.msk [tilespmem:v47+s16+$0x0], $0xffff  }
0x2d4: {  	v60 =	vld [tilespmem:s26+$0xF270];
	v51 =	vadd.s32 v7, v10  }
0x2d5: {  	v62 =	vld [tilespmem:s3+$0xF270];
	v58 =	vadd.s32 v7, v12;
	v15 =	vadd.f32 v48, v46  }
0x2d6: {  	v57 =	vld [tilespmem:s23+$0xF270];
	v59 =	vadd.s32 v7, v24;
	v54 =	vadd.f32 v30, v19  }
0x2d7: {  	v26 =	vld [tilespmem:s0+$0x30];
	[tilespmem:s26+$0xF260] =	vst v15;
	v13 =	vadd.f32 v50, v52  }
0x2d8: {  	v9 =	vld.idx.msk [tilespmem:v55+s16+$0x0], $0xffff;
	[tilespmem:s0+$0x20] =	vst v54;
	v61 =	vadd.f32 v56, v53  }
0x2d9: {  	v10 =	vld.idx.msk [tilespmem:v51+s16+$0x0], $0xffff;
	[tilespmem:s29+$0x20] =	vst v13  }
0x2da: {  	v12 =	vld.idx.msk [tilespmem:v58+s16+$0x0], $0xffff;
	[tilespmem:s3+$0xF260] =	vst v61  }
0x2db: {  	v8 =	vadd.f32 v57, v8;
	v14 =	vld.idx.msk [tilespmem:v59+s16+$0x0], $0xffff  }
0x2dc: {  	v11 =	vadd.f32 v11, v17  }
0x2dd: {  	[tilespmem:s23+$0xF270] =	vst v8;
	v8 =	vadd.f32 v60, v9  }
0x2de: {  	[tilespmem:s22+$0x30] =	vst v11;
	v10 =	vadd.f32 v26, v10  }
0x2df: {  	[tilespmem:s26+$0xF270] =	vst v8;
	v63 =	vadd.f32 v29, v12  }
0x2e0: {  	[tilespmem:s0+$0x30] =	vst v10;
	v8 =	vadd.f32 v62, v14  }
0x2e1: {  	[tilespmem:s29+$0x30] =	vst v63  }
.Ltmp6:
0x2e2: {  	s30 =	simm.s32 $0xF200;
	s29 =	sadd.s32 s12, s15;
	[tilespmem:s3+$0xF270] =	vst v8;
	(pc) =	sbr.rel @p0 .LBB2_12-.Ltmp6, $4  }
0x2e3: {  	[hbm4b:s29+s17] =	stream.strided.scatter [tilespmem:s30], [sflag:$0x10], $0x2000, s18, s17, $0x38;
	[tilespmem:$0x11200] =	vst v63  }
0x2e4: {  	_ =	swait.ge [sflag:s5], $0x2000  }
0x2e5: {  	[sflag:s5] =	ssyncset.done $0x0  }
0x2e6: {  	s11 =	smov.u32 s12;
	[sflag:s5] =	ssyncadd.s32 $0xFFFFE000  }
0x2e7: {  	s0 =	sadd.s32 $0x6, s14  }
0x2e8: {  	s3 =	sshll.u32 s0, $0x7;
	s10 =	sshll.u32 s0, $0xC  }
0x2e9: {  	s3 =	sand.u32 $0x300, s3;
	s10 =	sand.u32 $0x1F8000, s10  }
0x2ea: {  	s3 =	sor.u32 s10, s3  }
0x2eb: {  	s29 =	simm.s32 $0x0;
	s0 =	sshll.u32 s0, $0x12;
	s3 =	sor.u32 s6, s3  }
.Ltmp7:
0x2ec: {  	s0 =	sor.u32 s6, s0;
	s3 =	sshrl.u32 s3, $0x3;
	(pc) =	sbr.rel .LBB2_2-.Ltmp7, $4  }
0x2ed: {  	s30 =	simm.s32 $0x100;
	s0 =	sshrl.u32 s0, $0x3;
	s3 =	sadd.s32 s2, s3  }
0x2ee: {  	[tilespmem:s30], [sflag:$0x3] =	stream.linear.gather [hbm4b:s3+s29], $0x80, $0x38;
	[tilespmem:$0x11200] =	vst v63  }
0x2ef: {  	s4 =	sadd.s32 $0x1, s4;
	s0 =	sadd.s32 s1, s0  }
0x2f0: {  	[tilespmem:s31], [sflag:$0x7] =	stream.strided.gather [hbm4b:s0+s17], $0x2000, s18, s17, $0x38;
	[tilespmem:$0x11200] =	vst v63  }
.LBB2_13:
0x2f1: {  	_ =	sfence.sel $0x180000  }
0x2f2: {  	[bflag:$0x0] =	sbarrier.arrive $0xFFFF  }
0x2f3: {  	_ =	strace $0x90000047  }
0x2f4: {  	s0 =	stileid.u32;
	[bflag:$0x2] =	sbarrier.arrive $0xFFFF  }
0x2f5: {  	p0 =	sne.s32 s0, $0x0;
	s0 =	rddreg [dreg:$0x4]  }
0x2f6: {  	s0 =	sadd.s32 @!p0 $0x100000, s0  }
0x2f7: {  	[sflag:s0] =	ssyncadd.tile.s32 @!p0 $0x1;
	_ =	shalt  }
.Lfunc_end2:
_tile_overlayer_lowered:
.L_overlay_start_2:
0x2f8: {  	(tag) =	ssettag $0x2  }
0x2f9: {  	s0 =	rddreg [dreg:$0x0];
	s2 =	stileid.u32  }
0x2fa: {  	s1 =	rddreg [dreg:$0x1];
	p0 =	sne.s32 s2, $0x0  }
0x2fb: {  	s3 =	rddreg [dreg:$0x2];
	[bflag:$0x3] =	sbarrier.arrive $0xFFFF;
	s2 =	simm.s32 @!p0 $0x1C11  }
0x2fc: {  	[timem:s3], [sflag:s2] =	dma.local @!p0 [hbm:s0], s1  }
0x2fd: {  	s0 =	simm.s32 @!p0 $0x11  }
0x2fe: {  	_ =	swait.ge @!p0 [sflag:s0], s1  }
0x2ff: {  	s1 =	ssub.s32 @!p0 $0x0, s1;
	[sflag:s0] =	ssyncset.done @!p0 $0x0  }
0x300: {  	[sflag:s0] =	ssyncadd.s32 @!p0 s1  }
0x301: {  	[bflag:$0x3] =	sbarrier.arrive $0xFFFF  }
0x302: {  	_ =	shalt  }

</sc_bundles>
